<compile_context>
chip_gen: v7x
topology: tpu7x:2x2x1
jax: 0.10.2.dev20260603
libtpu: 0.0.44.dev20260713+nightly
codegen_flags: <defaults>
</compile_context>

<pallas_src>
import functools

import jax
import jax.numpy as jnp
from jax import lax
from jax.experimental import pallas as pl
from jax.experimental.pallas import tpu as pltpu
from jax.experimental.pallas import tpu_sc as plsc

N = 10000
E = 320000
D = 128
NC = 2
NS = 16
NW = NC * NS
EPT = E // NW
CHUNK = 80
NCHUNK = EPT // CHUNK
ROWS_PT = N // NS

f32 = jnp.float32
i32 = jnp.int32


def _k1_body(ew_ref, mn_ref, inv_ref):
    ew = ew_ref[...]
    mn = jnp.min(ew)
    mx = jnp.max(ew)
    mn_ref[0, 0] = mn
    inv_ref[0, 0] = 1.0 / (mx - mn)


def _k1(ew2d):
    return pl.pallas_call(
        _k1_body,
        out_shape=[jax.ShapeDtypeStruct((1, 1), f32),
                   jax.ShapeDtypeStruct((1, 1), f32)],
        out_specs=[pl.BlockSpec(memory_space=pltpu.SMEM),
                   pl.BlockSpec(memory_space=pltpu.SMEM)],
    )(ew2d)


def _k2_body(dst_hbm, ew_hbm, mn_hbm, inv_hbm, degp_hbm,
             deg_v, dst_v, ew_v, mn_v, inv_v):
    c = lax.axis_index("c")
    s = lax.axis_index("s")
    wid = c * NS + s
    base = wid * EPT

    @pl.loop(0, N // 16, unroll=4)
    def _zero(k):
        deg_v[pl.ds(k * 16, 16)] = jnp.zeros((16,), f32)

    pltpu.sync_copy(mn_hbm, mn_v)
    pltpu.sync_copy(inv_hbm, inv_v)
    mn = mn_v[...]
    inv = inv_v[...]

    CB = 2000
    for chunk in range(EPT // CB):
        off = base + chunk * CB
        pltpu.sync_copy(dst_hbm.at[pl.ds(off, CB)], dst_v)
        pltpu.sync_copy(ew_hbm.at[pl.ds(off, CB)], ew_v)

        @pl.loop(0, CB // 16, unroll=4)
        def _acc(g):
            dd = dst_v[pl.ds(g * 16, 16)]
            w = (ew_v[pl.ds(g * 16, 16)] - mn) * inv
            plsc.addupdate_scatter(deg_v, [dd], w)

    pltpu.sync_copy(deg_v, degp_hbm.at[wid])


def _k2(dst, ew, mn16, inv16):
    mesh = plsc.VectorSubcoreMesh(core_axis_name="c", subcore_axis_name="s",
                                  num_cores=NC, num_subcores=NS)
    kfn = pl.kernel(
        _k2_body,
        out_type=jax.ShapeDtypeStruct((NW, N), f32),
        mesh=mesh,
        compiler_params=pltpu.CompilerParams(needs_layout_passes=False, use_tc_tiling_on_sc=False),
        scratch_types=[
            pltpu.VMEM((N,), f32),
            pltpu.VMEM((2000,), i32),
            pltpu.VMEM((2000,), f32),
            pltpu.VMEM((16,), f32),
            pltpu.VMEM((16,), f32),
        ],
    )
    return kfn(dst, ew, mn16, inv16)


def _k3_body(degp_ref, dinv_ref):
    deg = jnp.sum(degp_ref[...], axis=0, keepdims=True) + 1.0
    dinv_ref[...] = lax.rsqrt(deg)


def _k3(degp):
    return pl.pallas_call(
        _k3_body,
        out_shape=jax.ShapeDtypeStruct((1, N), f32),
    )(degp)


def _k4_body(x_hbm, pk_hbm, ew_hbm, mn_hbm, inv_hbm, dinv_hbm,
             ypart_hbm,
             dinv_v, pk_v, ew_v, rows0_v, rows1_v,
             sb0_v, db0_v, sb1_v, db1_v, mn_v, inv_v, y_sh,
             gsem0, gsem1, ssem0, ssem1):
    c = lax.axis_index("c")
    s = lax.axis_index("s")
    wid = c * NS + s

    def unpack(ci, sb, db):
        for g in range(CHUNK // 16):
            pv = pk_v[ci, pl.ds(g * 16, 16)]
            sb[pl.ds(g * 16, 16)] = jnp.bitwise_and(pv, 0xFFFF)
            db[pl.ds(g * 16, 16)] = jnp.right_shift(pv, 16)

    def scale(rows, ci):
        @pl.loop(0, CHUNK, unroll=2)
        def _scale(r):
            nb = plsc.load_gather(ew_v, [jnp.full((16,), ci, i32),
                                         jnp.full((16,), r, i32)])
            for j in range(D // 16):
                rows[r, pl.ds(j * 16, 16)] = rows[r, pl.ds(j * 16, 16)] * nb

    @pl.loop(0, CHUNK, unroll=2)
    def _zzero(k):
        for j in range(D // 16):
            rows0_v[k, pl.ds(j * 16, 16)] = jnp.zeros((16,), f32)

    for zi in range(7):
        pltpu.sync_copy(rows0_v,
                        y_sh.at[pl.ds(s * ROWS_PT + zi * CHUNK, CHUNK)])
    pltpu.sync_copy(rows0_v.at[pl.ds(0, ROWS_PT - 7 * CHUNK)],
                    y_sh.at[pl.ds(s * ROWS_PT + 7 * CHUNK,
                                  ROWS_PT - 7 * CHUNK)])

    pltpu.sync_copy(mn_hbm, mn_v)
    pltpu.sync_copy(inv_hbm, inv_v)
    pltpu.sync_copy(dinv_hbm, dinv_v)
    pltpu.sync_copy(pk_hbm.at[wid], pk_v)
    pltpu.sync_copy(ew_hbm.at[wid], ew_v)
    mn = mn_v[...]
    inv = inv_v[...]

    @pl.loop(0, NCHUNK, unroll=2)
    def _norms(ci):
        for g in range(CHUNK // 16):
            pv = pk_v[ci, pl.ds(g * 16, 16)]
            sv = jnp.bitwise_and(pv, 0xFFFF)
            dv = jnp.right_shift(pv, 16)
            w = (ew_v[ci, pl.ds(g * 16, 16)] - mn) * inv
            dis = plsc.load_gather(dinv_v, [sv])
            did = plsc.load_gather(dinv_v, [dv])
            ew_v[ci, pl.ds(g * 16, 16)] = dis * w * did

    unpack(0, sb0_v, db0_v)
    unpack(1, sb1_v, db1_v)
    pltpu.async_copy(x_hbm.at[sb0_v], rows0_v, gsem0)
    pltpu.async_copy(x_hbm.at[sb1_v], rows1_v, gsem1)

    plsc.subcore_barrier()

    NPAIR = (NCHUNK - 1) // 2

    @pl.loop(0, NPAIR)
    def _pair(k):
        ci0 = 2 * k
        ci1 = 2 * k + 1
        pltpu.make_async_copy(x_hbm.at[sb0_v], rows0_v, gsem0).wait()
        scale(rows0_v, ci0)
        pltpu.make_async_copy(x_hbm.at[sb1_v], rows1_v, gsem1).wait()
        scale(rows1_v, ci1)
        unpack(ci0 + 2, sb0_v, db0_v)
        pltpu.async_copy(x_hbm.at[sb0_v], rows0_v, gsem0)

        @pl.when(k < NPAIR - 1)
        def _refill_odd():
            unpack(ci1 + 2, sb1_v, db1_v)
            pltpu.async_copy(x_hbm.at[sb1_v], rows1_v, gsem1)

    pltpu.make_async_copy(x_hbm.at[sb0_v], rows0_v, gsem0).wait()
    scale(rows0_v, NCHUNK - 1)
    pltpu.async_copy(rows0_v, y_sh.at[db0_v], ssem0, add=True).wait()

    plsc.subcore_barrier()

    pltpu.sync_copy(y_sh.at[pl.ds(s * ROWS_PT, ROWS_PT)],
                    ypart_hbm.at[c, pl.ds(s * ROWS_PT, ROWS_PT)])


def _k4(x, pk, ew, mn16, inv16, dinv):
    mesh = plsc.VectorSubcoreMesh(core_axis_name="c", subcore_axis_name="s",
                                  num_cores=NC, num_subcores=NS)
    kfn = pl.kernel(
        _k4_body,
        out_type=jax.ShapeDtypeStruct((NC, N, D), f32),
        mesh=mesh,
        compiler_params=pltpu.CompilerParams(needs_layout_passes=False, use_tc_tiling_on_sc=False),
        scratch_types=[
            pltpu.VMEM((N,), f32),
            pltpu.VMEM((NCHUNK, CHUNK), i32),
            pltpu.VMEM((NCHUNK, CHUNK), f32),
            pltpu.VMEM((CHUNK, D), f32),
            pltpu.VMEM((CHUNK, D), f32),
            pltpu.VMEM((CHUNK,), i32),
            pltpu.VMEM((CHUNK,), i32),
            pltpu.VMEM((CHUNK,), i32),
            pltpu.VMEM((CHUNK,), i32),
            pltpu.VMEM((16,), f32),
            pltpu.VMEM((16,), f32),
            pltpu.VMEM_SHARED((N, D), f32),
            pltpu.SemaphoreType.DMA,
            pltpu.SemaphoreType.DMA,
            pltpu.SemaphoreType.DMA,
            pltpu.SemaphoreType.DMA,
        ],
    )
    return kfn(x.reshape(N, D),
               pk.reshape(NW, NCHUNK, CHUNK),
               ew.reshape(NW, NCHUNK, CHUNK),
               mn16, inv16, dinv)


def _k5_body(yp_ref, x_ref, dinv_ref, w0_ref, b0_ref, w1_ref, b1_ref,
             w2_ref, b2_ref, out_ref):
    d = dinv_ref[...]
    y = yp_ref[0] + yp_ref[1] + x_ref[...] * (d * d)
    out_ref[:, 0:D] = jnp.dot(y, w0_ref[...], preferred_element_type=f32) + b0_ref[...]
    out_ref[:, D:2 * D] = jnp.dot(y, w1_ref[...], preferred_element_type=f32) + b1_ref[...]
    out_ref[:, 2 * D:3 * D] = jnp.dot(y, w2_ref[...], preferred_element_type=f32) + b2_ref[...]


def _k5(ypart, x, dinv2d, W0, b0, W1, b1, W2, b2):
    R = 1000
    grid = N // R
    wspec = pl.BlockSpec((D, D), lambda i: (0, 0))
    bspec = pl.BlockSpec((1, D), lambda i: (0, 0))
    return pl.pallas_call(
        _k5_body,
        grid=(grid,),
        in_specs=[
            pl.BlockSpec((NC, R, D), lambda i: (0, i, 0)),
            pl.BlockSpec((R, D), lambda i: (i, 0)),
            pl.BlockSpec((R, 1), lambda i: (i, 0)),
            wspec, bspec, wspec, bspec, wspec, bspec,
        ],
        out_specs=pl.BlockSpec((R, 3 * D), lambda i: (i, 0)),
        out_shape=jax.ShapeDtypeStruct((N, 3 * D), f32),
    )(ypart, x, dinv2d, W0, b0, W1, b1, W2, b2)


def kernel(x, edge_index, edge_weight, W0, b0, W1, b1, W2, b2):
    src = edge_index[0]
    dst = edge_index[1]

    mn, inv = _k1(edge_weight.reshape(E // D, D))
    mn16 = jnp.broadcast_to(mn.reshape(()), (16,))
    inv16 = jnp.broadcast_to(inv.reshape(()), (16,))

    degp = _k2(dst, edge_weight, mn16, inv16)
    dinv2d = _k3(degp)
    dinv = dinv2d.reshape(N)

    pk = jnp.bitwise_or(jnp.left_shift(dst, 16), src)
    ypart = _k4(x, pk, edge_weight, mn16, inv16, dinv)

    return _k5(ypart, x, dinv2d.reshape(N, 1), W0,
               b0.reshape(1, D), W1, b1.reshape(1, D), W2, b2.reshape(1, D))

# --- scband reference (transcript-rebuilt; emitter-appended) ---
"""Pipeline reference for scband-graph-wavelet-conv-20151986553557 (READ-ONLY COPY).

The authoritative reference and input builder live on the scoring server;
editing this copy changes nothing except your own understanding.
"""

import jax, jax.numpy as jnp
import numpy as np

N = 10000
E = 320000
D_IN = 128
D_OUT = 128
SCALES = 3


def setup_inputs(seed: int = 0) -> dict:
    key = jax.random.key(seed)
    ks = jax.random.split(key, 3 + 2 * SCALES)
    x = jax.random.normal(ks[0], (N, D_IN), dtype=jnp.float32)
    edge_index = jax.random.randint(ks[1], (2, E), 0, N, dtype=jnp.int32)
    edge_weight = jax.random.uniform(ks[2], (E,), dtype=jnp.float32)
    scale = 1.0 / np.sqrt(D_IN)
    inp = {"x": x, "edge_index": edge_index, "edge_weight": edge_weight}
    for i in range(SCALES):
        inp[f"W{i}"] = jax.random.normal(ks[3 + 2 * i], (D_IN, D_OUT), dtype=jnp.float32) * scale
        inp[f"b{i}"] = jnp.zeros((D_OUT,), dtype=jnp.float32)
    return inp


def _gcn_conv(x, src, dst, ew, W, b):
    # GCNConv with edge weights: add self-loops (weight 1), symmetric normalization,
    # linear transform, weighted scatter-add aggregation, bias.
    loop = jnp.arange(N, dtype=src.dtype)
    src_f = jnp.concatenate([src, loop])
    dst_f = jnp.concatenate([dst, loop])
    ew_f = jnp.concatenate([ew, jnp.ones((N,), dtype=jnp.float32)])
    deg = jax.ops.segment_sum(ew_f, dst_f, num_segments=N)
    # deg >= 1 because every node has a self-loop of weight 1
    dinv = jax.lax.rsqrt(deg)
    norm = dinv[src_f] * ew_f * dinv[dst_f]
    h = x @ W
    msg = h[src_f] * norm[:, None]
    out = jax.ops.segment_sum(msg, dst_f, num_segments=N)
    return out + b


def reference(x, edge_index, edge_weight, W0, b0, W1, b1, W2, b2):
    mn = edge_weight.min()
    mx = edge_weight.max()
    new = (edge_weight - mn) / (mx - mn)
    src = edge_index[0]
    dst = edge_index[1]
    wavelets = []
    for W, b in ((W0, b0), (W1, b1), (W2, b2)):
        wavelets.append(_gcn_conv(x, src, dst, new, W, b))
    return jnp.concatenate(wavelets, axis=1)

if __name__ == "__main__":
    import jax
    _d = setup_inputs()
    print(jax.jit(kernel)(*tuple(_d.values())))

</pallas_src>

<mosaic_0001>
#map = affine_map<(d0, d1) -> (0, 0)>
#map1 = affine_map<(d0, d1) -> (0, 0, 0)>
#map2 = affine_map<(d0, d1) -> (0)>
module attributes {stable_mosaic.version = 14 : i64} {
  func.func @_k4_body(%arg0: i32, %arg1: i32, %arg2: memref<10000x128xf32, #tpu.memory_space<hbm>>, %arg3: memref<32x125x80xi32, #tpu.memory_space<hbm>>, %arg4: memref<32x125x80xf32, #tpu.memory_space<hbm>>, %arg5: memref<16xf32, #tpu.memory_space<hbm>>, %arg6: memref<16xf32, #tpu.memory_space<hbm>>, %arg7: memref<10000xf32, #tpu.memory_space<hbm>>, %arg8: memref<2x10000x128xf32, #tpu.memory_space<hbm>>, %arg9: memref<10000xf32, #tpu.memory_space<vmem>>, %arg10: memref<125x80xi32, #tpu.memory_space<vmem>>, %arg11: memref<125x80xf32, #tpu.memory_space<vmem>>, %arg12: memref<80x128xf32, #tpu.memory_space<vmem>>, %arg13: memref<80x128xf32, #tpu.memory_space<vmem>>, %arg14: memref<80xi32, #tpu.memory_space<vmem>>, %arg15: memref<80xi32, #tpu.memory_space<vmem>>, %arg16: memref<80xi32, #tpu.memory_space<vmem>>, %arg17: memref<80xi32, #tpu.memory_space<vmem>>, %arg18: memref<16xf32, #tpu.memory_space<vmem>>, %arg19: memref<16xf32, #tpu.memory_space<vmem>>, %arg20: memref<10000x128xf32, #tpu.memory_space<vmem_shared>>, %arg21: memref<!tpu.dma_semaphore, #tpu.memory_space<semaphore_mem>>, %arg22: memref<!tpu.dma_semaphore, #tpu.memory_space<semaphore_mem>>, %arg23: memref<!tpu.dma_semaphore, #tpu.memory_space<semaphore_mem>>, %arg24: memref<!tpu.dma_semaphore, #tpu.memory_space<semaphore_mem>>) attributes {dimension_semantics = [#tpu.dimension_semantics<core_parallel>, #tpu.dimension_semantics<subcore_parallel>], iteration_bounds = array<i64: 2, 16>, scalar_prefetch = 0 : i64, scratch_operands = 16 : i64, tpu.core_type = #tpu.core_type<sc_vector_subcore>, window_params = [{transform_indices = #map}, {transform_indices = #map1}, {transform_indices = #map1}, {transform_indices = #map2}, {transform_indices = #map2}, {transform_indices = #map2}, {transform_indices = #map1}]} {
    %mul3A = arith.constant 16 : i32
    %mul3A_0 = arith.muli %arg0, %mul3A : i32
    %add3A = arith.addi %mul3A_0, %arg1 : i32
    %scan3A = arith.constant 0 : i32
    %scan3A_1 = arith.constant 80 : i32
    %scan3A_2 = arith.addi %scan3A, %scan3A_1 : i32
    %scan3A_3 = arith.constant 2 : i32
    scf.for %scan3A_319 = %scan3A to %scan3A_2 step %scan3A_3  : i32 {
      %mul3A_320 = arith.constant 1 : i32
      %mul3A_321 = arith.muli %scan3A_319, %mul3A_320 : i32
      %add3A_322 = arith.constant 0 : i32
      %add3A_323 = arith.addi %add3A_322, %mul3A_321 : i32
      %broadcast_in_dim3A = arith.constant 0.000000e+00 : f32
      %broadcast_in_dim3A_324 = vector.broadcast %broadcast_in_dim3A : f32 to vector<16xf32>
      %swap3A_325 = arith.index_cast %add3A_323 : i32 to index
      %swap3A_326 = arith.constant 0 : index
      %swap3A_327 = tpu.vector_load %arg12[%swap3A_325, %swap3A_326] {strides = array<i32>} : memref<80x128xf32, #tpu.memory_space<vmem>>, vector<16xf32>,
      tpu.vector_store %arg12[%swap3A_325, %swap3A_326], %broadcast_in_dim3A_324 {strides = array<i32>} : memref<80x128xf32, #tpu.memory_space<vmem>>, vector<16xf32>,
      %broadcast_in_dim3A_328 = arith.constant 0.000000e+00 : f32
      %broadcast_in_dim3A_329 = vector.broadcast %broadcast_in_dim3A_328 : f32 to vector<16xf32>
      %swap3A_330 = arith.index_cast %add3A_323 : i32 to index
      %swap3A_331 = arith.constant 16 : index
      %swap3A_332 = tpu.vector_load %arg12[%swap3A_330, %swap3A_331] {strides = array<i32>} : memref<80x128xf32, #tpu.memory_space<vmem>>, vector<16xf32>,
      tpu.vector_store %arg12[%swap3A_330, %swap3A_331], %broadcast_in_dim3A_329 {strides = array<i32>} : memref<80x128xf32, #tpu.memory_space<vmem>>, vector<16xf32>,
      %broadcast_in_dim3A_333 = arith.constant 0.000000e+00 : f32
      %broadcast_in_dim3A_334 = vector.broadcast %broadcast_in_dim3A_333 : f32 to vector<16xf32>
      %swap3A_335 = arith.index_cast %add3A_323 : i32 to index
      %swap3A_336 = arith.constant 32 : index
      %swap3A_337 = tpu.vector_load %arg12[%swap3A_335, %swap3A_336] {strides = array<i32>} : memref<80x128xf32, #tpu.memory_space<vmem>>, vector<16xf32>,
      tpu.vector_store %arg12[%swap3A_335, %swap3A_336], %broadcast_in_dim3A_334 {strides = array<i32>} : memref<80x128xf32, #tpu.memory_space<vmem>>, vector<16xf32>,
      %broadcast_in_dim3A_338 = arith.constant 0.000000e+00 : f32
      %broadcast_in_dim3A_339 = vector.broadcast %broadcast_in_dim3A_338 : f32 to vector<16xf32>
      %swap3A_340 = arith.index_cast %add3A_323 : i32 to index
      %swap3A_341 = arith.constant 48 : index
      %swap3A_342 = tpu.vector_load %arg12[%swap3A_340, %swap3A_341] {strides = array<i32>} : memref<80x128xf32, #tpu.memory_space<vmem>>, vector<16xf32>,
      tpu.vector_store %arg12[%swap3A_340, %swap3A_341], %broadcast_in_dim3A_339 {strides = array<i32>} : memref<80x128xf32, #tpu.memory_space<vmem>>, vector<16xf32>,
      %broadcast_in_dim3A_343 = arith.constant 0.000000e+00 : f32
      %broadcast_in_dim3A_344 = vector.broadcast %broadcast_in_dim3A_343 : f32 to vector<16xf32>
      %swap3A_345 = arith.index_cast %add3A_323 : i32 to index
      %swap3A_346 = arith.constant 64 : index
      %swap3A_347 = tpu.vector_load %arg12[%swap3A_345, %swap3A_346] {strides = array<i32>} : memref<80x128xf32, #tpu.memory_space<vmem>>, vector<16xf32>,
      tpu.vector_store %arg12[%swap3A_345, %swap3A_346], %broadcast_in_dim3A_344 {strides = array<i32>} : memref<80x128xf32, #tpu.memory_space<vmem>>, vector<16xf32>,
      %broadcast_in_dim3A_348 = arith.constant 0.000000e+00 : f32
      %broadcast_in_dim3A_349 = vector.broadcast %broadcast_in_dim3A_348 : f32 to vector<16xf32>
      %swap3A_350 = arith.index_cast %add3A_323 : i32 to index
      %swap3A_351 = arith.constant 80 : index
      %swap3A_352 = tpu.vector_load %arg12[%swap3A_350, %swap3A_351] {strides = array<i32>} : memref<80x128xf32, #tpu.memory_space<vmem>>, vector<16xf32>,
      tpu.vector_store %arg12[%swap3A_350, %swap3A_351], %broadcast_in_dim3A_349 {strides = array<i32>} : memref<80x128xf32, #tpu.memory_space<vmem>>, vector<16xf32>,
      %broadcast_in_dim3A_353 = arith.constant 0.000000e+00 : f32
      %broadcast_in_dim3A_354 = vector.broadcast %broadcast_in_dim3A_353 : f32 to vector<16xf32>
      %swap3A_355 = arith.index_cast %add3A_323 : i32 to index
      %swap3A_356 = arith.constant 96 : index
      %swap3A_357 = tpu.vector_load %arg12[%swap3A_355, %swap3A_356] {strides = array<i32>} : memref<80x128xf32, #tpu.memory_space<vmem>>, vector<16xf32>,
      tpu.vector_store %arg12[%swap3A_355, %swap3A_356], %broadcast_in_dim3A_354 {strides = array<i32>} : memref<80x128xf32, #tpu.memory_space<vmem>>, vector<16xf32>,
      %broadcast_in_dim3A_358 = arith.constant 0.000000e+00 : f32
      %broadcast_in_dim3A_359 = vector.broadcast %broadcast_in_dim3A_358 : f32 to vector<16xf32>
      %swap3A_360 = arith.index_cast %add3A_323 : i32 to index
      %swap3A_361 = arith.constant 112 : index
      %swap3A_362 = tpu.vector_load %arg12[%swap3A_360, %swap3A_361] {strides = array<i32>} : memref<80x128xf32, #tpu.memory_space<vmem>>, vector<16xf32>,
      tpu.vector_store %arg12[%swap3A_360, %swap3A_361], %broadcast_in_dim3A_359 {strides = array<i32>} : memref<80x128xf32, #tpu.memory_space<vmem>>, vector<16xf32>,
      %scan3A_363 = arith.constant 1 : i32
      %scan3A_364 = arith.addi %scan3A_319, %scan3A_363 : i32
      %mul3A_365 = arith.constant 1 : i32
      %mul3A_366 = arith.muli %scan3A_364, %mul3A_365 : i32
      %add3A_367 = arith.constant 0 : i32
      %add3A_368 = arith.addi %add3A_367, %mul3A_366 : i32
      %broadcast_in_dim3A_369 = arith.constant 0.000000e+00 : f32
      %broadcast_in_dim3A_370 = vector.broadcast %broadcast_in_dim3A_369 : f32 to vector<16xf32>
      %swap3A_371 = arith.index_cast %add3A_368 : i32 to index
      %swap3A_372 = arith.constant 0 : index
      %swap3A_373 = tpu.vector_load %arg12[%swap3A_371, %swap3A_372] {strides = array<i32>} : memref<80x128xf32, #tpu.memory_space<vmem>>, vector<16xf32>,
      tpu.vector_store %arg12[%swap3A_371, %swap3A_372], %broadcast_in_dim3A_370 {strides = array<i32>} : memref<80x128xf32, #tpu.memory_space<vmem>>, vector<16xf32>,
      %broadcast_in_dim3A_374 = arith.constant 0.000000e+00 : f32
      %broadcast_in_dim3A_375 = vector.broadcast %broadcast_in_dim3A_374 : f32 to vector<16xf32>
      %swap3A_376 = arith.index_cast %add3A_368 : i32 to index
      %swap3A_377 = arith.constant 16 : index
      %swap3A_378 = tpu.vector_load %arg12[%swap3A_376, %swap3A_377] {strides = array<i32>} : memref<80x128xf32, #tpu.memory_space<vmem>>, vector<16xf32>,
      tpu.vector_store %arg12[%swap3A_376, %swap3A_377], %broadcast_in_dim3A_375 {strides = array<i32>} : memref<80x128xf32, #tpu.memory_space<vmem>>, vector<16xf32>,
      %broadcast_in_dim3A_379 = arith.constant 0.000000e+00 : f32
      %broadcast_in_dim3A_380 = vector.broadcast %broadcast_in_dim3A_379 : f32 to vector<16xf32>
      %swap3A_381 = arith.index_cast %add3A_368 : i32 to index
      %swap3A_382 = arith.constant 32 : index
      %swap3A_383 = tpu.vector_load %arg12[%swap3A_381, %swap3A_382] {strides = array<i32>} : memref<80x128xf32, #tpu.memory_space<vmem>>, vector<16xf32>,
      tpu.vector_store %arg12[%swap3A_381, %swap3A_382], %broadcast_in_dim3A_380 {strides = array<i32>} : memref<80x128xf32, #tpu.memory_space<vmem>>, vector<16xf32>,
      %broadcast_in_dim3A_384 = arith.constant 0.000000e+00 : f32
      %broadcast_in_dim3A_385 = vector.broadcast %broadcast_in_dim3A_384 : f32 to vector<16xf32>
      %swap3A_386 = arith.index_cast %add3A_368 : i32 to index
      %swap3A_387 = arith.constant 48 : index
      %swap3A_388 = tpu.vector_load %arg12[%swap3A_386, %swap3A_387] {strides = array<i32>} : memref<80x128xf32, #tpu.memory_space<vmem>>, vector<16xf32>,
      tpu.vector_store %arg12[%swap3A_386, %swap3A_387], %broadcast_in_dim3A_385 {strides = array<i32>} : memref<80x128xf32, #tpu.memory_space<vmem>>, vector<16xf32>,
      %broadcast_in_dim3A_389 = arith.constant 0.000000e+00 : f32
      %broadcast_in_dim3A_390 = vector.broadcast %broadcast_in_dim3A_389 : f32 to vector<16xf32>
      %swap3A_391 = arith.index_cast %add3A_368 : i32 to index
      %swap3A_392 = arith.constant 64 : index
      %swap3A_393 = tpu.vector_load %arg12[%swap3A_391, %swap3A_392] {strides = array<i32>} : memref<80x128xf32, #tpu.memory_space<vmem>>, vector<16xf32>,
      tpu.vector_store %arg12[%swap3A_391, %swap3A_392], %broadcast_in_dim3A_390 {strides = array<i32>} : memref<80x128xf32, #tpu.memory_space<vmem>>, vector<16xf32>,
      %broadcast_in_dim3A_394 = arith.constant 0.000000e+00 : f32
      %broadcast_in_dim3A_395 = vector.broadcast %broadcast_in_dim3A_394 : f32 to vector<16xf32>
      %swap3A_396 = arith.index_cast %add3A_368 : i32 to index
      %swap3A_397 = arith.constant 80 : index
      %swap3A_398 = tpu.vector_load %arg12[%swap3A_396, %swap3A_397] {strides = array<i32>} : memref<80x128xf32, #tpu.memory_space<vmem>>, vector<16xf32>,
      tpu.vector_store %arg12[%swap3A_396, %swap3A_397], %broadcast_in_dim3A_395 {strides = array<i32>} : memref<80x128xf32, #tpu.memory_space<vmem>>, vector<16xf32>,
      %broadcast_in_dim3A_399 = arith.constant 0.000000e+00 : f32
      %broadcast_in_dim3A_400 = vector.broadcast %broadcast_in_dim3A_399 : f32 to vector<16xf32>
      %swap3A_401 = arith.index_cast %add3A_368 : i32 to index
      %swap3A_402 = arith.constant 96 : index
      %swap3A_403 = tpu.vector_load %arg12[%swap3A_401, %swap3A_402] {strides = array<i32>} : memref<80x128xf32, #tpu.memory_space<vmem>>, vector<16xf32>,
      tpu.vector_store %arg12[%swap3A_401, %swap3A_402], %broadcast_in_dim3A_400 {strides = array<i32>} : memref<80x128xf32, #tpu.memory_space<vmem>>, vector<16xf32>,
      %broadcast_in_dim3A_404 = arith.constant 0.000000e+00 : f32
      %broadcast_in_dim3A_405 = vector.broadcast %broadcast_in_dim3A_404 : f32 to vector<16xf32>
      %swap3A_406 = arith.index_cast %add3A_368 : i32 to index
      %swap3A_407 = arith.constant 112 : index
      %swap3A_408 = tpu.vector_load %arg12[%swap3A_406, %swap3A_407] {strides = array<i32>} : memref<80x128xf32, #tpu.memory_space<vmem>>, vector<16xf32>,
      tpu.vector_store %arg12[%swap3A_406, %swap3A_407], %broadcast_in_dim3A_405 {strides = array<i32>} : memref<80x128xf32, #tpu.memory_space<vmem>>, vector<16xf32>,
    }
    %scan3A_4 = arith.constant 80 : i32
    %mul3A_5 = arith.constant 625 : i32
    %mul3A_6 = arith.muli %arg1, %mul3A_5 : i32
    %add3A_7 = arith.constant 0 : i32
    %add3A_8 = arith.addi %mul3A_6, %add3A_7 : i32
    "tpu.region"() ({
      %run_scoped3A = tpu.sem_alloc : memref<!tpu.dma_semaphore, #tpu.memory_space<semaphore_mem>>
      %dma_start3A_319 = arith.constant 0 : i32
      %dma_start3A_320 = tpu.memref_slice %arg20[%add3A_8, %dma_start3A_319] : memref<10000x128xf32, #tpu.memory_space<vmem_shared>> -> memref<80x128xf32, #tpu.memory_space<vmem_shared>>
      %dma_start3A_321 = arith.constant 0 : i32
      %dma_start3A_322 = tpu.memref_slice %arg20[%add3A_8, %dma_start3A_321] : memref<10000x128xf32, #tpu.memory_space<vmem_shared>> -> memref<80x128xf32, #tpu.memory_space<vmem_shared>>
      tpu.enqueue_dma source(%arg12 : memref<80x128xf32, #tpu.memory_space<vmem>>) target(%dma_start3A_322 : memref<80x128xf32, #tpu.memory_space<vmem_shared>>) target_semaphore(%run_scoped3A : memref<!tpu.dma_semaphore, #tpu.memory_space<semaphore_mem>>)
      %dma_wait3A_323 = arith.constant 0 : i32
      %dma_wait3A_324 = tpu.memref_slice %arg20[%add3A_8, %dma_wait3A_323] : memref<10000x128xf32, #tpu.memory_space<vmem_shared>> -> memref<80x128xf32, #tpu.memory_space<vmem_shared>>
      %dma_wait3A_325 = arith.constant 0 : i32
      %dma_wait3A_326 = tpu.memref_slice %arg20[%add3A_8, %dma_wait3A_325] : memref<10000x128xf32, #tpu.memory_space<vmem_shared>> -> memref<80x128xf32, #tpu.memory_space<vmem_shared>>
      tpu.wait_dma2 semaphore(%run_scoped3A : memref<!tpu.dma_semaphore, #tpu.memory_space<semaphore_mem>>) src(%arg12 : memref<80x128xf32, #tpu.memory_space<vmem>>) dst(%dma_wait3A_326 : memref<80x128xf32, #tpu.memory_space<vmem_shared>>)
      tpu.yield
    }) : () -> ()
    %mul3A_9 = arith.constant 625 : i32
    %mul3A_10 = arith.muli %arg1, %mul3A_9 : i32
    %add3A_11 = arith.constant 80 : i32
    %add3A_12 = arith.addi %mul3A_10, %add3A_11 : i32
    "tpu.region"() ({
      %run_scoped3A = tpu.sem_alloc : memref<!tpu.dma_semaphore, #tpu.memory_space<semaphore_mem>>
      %dma_start3A_319 = arith.constant 0 : i32
      %dma_start3A_320 = tpu.memref_slice %arg20[%add3A_12, %dma_start3A_319] : memref<10000x128xf32, #tpu.memory_space<vmem_shared>> -> memref<80x128xf32, #tpu.memory_space<vmem_shared>>
      %dma_start3A_321 = arith.constant 0 : i32
      %dma_start3A_322 = tpu.memref_slice %arg20[%add3A_12, %dma_start3A_321] : memref<10000x128xf32, #tpu.memory_space<vmem_shared>> -> memref<80x128xf32, #tpu.memory_space<vmem_shared>>
      tpu.enqueue_dma source(%arg12 : memref<80x128xf32, #tpu.memory_space<vmem>>) target(%dma_start3A_322 : memref<80x128xf32, #tpu.memory_space<vmem_shared>>) target_semaphore(%run_scoped3A : memref<!tpu.dma_semaphore, #tpu.memory_space<semaphore_mem>>)
      %dma_wait3A_323 = arith.constant 0 : i32
      %dma_wait3A_324 = tpu.memref_slice %arg20[%add3A_12, %dma_wait3A_323] : memref<10000x128xf32, #tpu.memory_space<vmem_shared>> -> memref<80x128xf32, #tpu.memory_space<vmem_shared>>
      %dma_wait3A_325 = arith.constant 0 : i32
      %dma_wait3A_326 = tpu.memref_slice %arg20[%add3A_12, %dma_wait3A_325] : memref<10000x128xf32, #tpu.memory_space<vmem_shared>> -> memref<80x128xf32, #tpu.memory_space<vmem_shared>>
      tpu.wait_dma2 semaphore(%run_scoped3A : memref<!tpu.dma_semaphore, #tpu.memory_space<semaphore_mem>>) src(%arg12 : memref<80x128xf32, #tpu.memory_space<vmem>>) dst(%dma_wait3A_326 : memref<80x128xf32, #tpu.memory_space<vmem_shared>>)
      tpu.yield
    }) : () -> ()
    %mul3A_13 = arith.constant 625 : i32
    %mul3A_14 = arith.muli %arg1, %mul3A_13 : i32
    %add3A_15 = arith.constant 160 : i32
    %add3A_16 = arith.addi %mul3A_14, %add3A_15 : i32
    "tpu.region"() ({
      %run_scoped3A = tpu.sem_alloc : memref<!tpu.dma_semaphore, #tpu.memory_space<semaphore_mem>>
      %dma_start3A_319 = arith.constant 0 : i32
      %dma_start3A_320 = tpu.memref_slice %arg20[%add3A_16, %dma_start3A_319] : memref<10000x128xf32, #tpu.memory_space<vmem_shared>> -> memref<80x128xf32, #tpu.memory_space<vmem_shared>>
      %dma_start3A_321 = arith.constant 0 : i32
      %dma_start3A_322 = tpu.memref_slice %arg20[%add3A_16, %dma_start3A_321] : memref<10000x128xf32, #tpu.memory_space<vmem_shared>> -> memref<80x128xf32, #tpu.memory_space<vmem_shared>>
      tpu.enqueue_dma source(%arg12 : memref<80x128xf32, #tpu.memory_space<vmem>>) target(%dma_start3A_322 : memref<80x128xf32, #tpu.memory_space<vmem_shared>>) target_semaphore(%run_scoped3A : memref<!tpu.dma_semaphore, #tpu.memory_space<semaphore_mem>>)
      %dma_wait3A_323 = arith.constant 0 : i32
      %dma_wait3A_324 = tpu.memref_slice %arg20[%add3A_16, %dma_wait3A_323] : memref<10000x128xf32, #tpu.memory_space<vmem_shared>> -> memref<80x128xf32, #tpu.memory_space<vmem_shared>>
      %dma_wait3A_325 = arith.constant 0 : i32
      %dma_wait3A_326 = tpu.memref_slice %arg20[%add3A_16, %dma_wait3A_325] : memref<10000x128xf32, #tpu.memory_space<vmem_shared>> -> memref<80x128xf32, #tpu.memory_space<vmem_shared>>
      tpu.wait_dma2 semaphore(%run_scoped3A : memref<!tpu.dma_semaphore, #tpu.memory_space<semaphore_mem>>) src(%arg12 : memref<80x128xf32, #tpu.memory_space<vmem>>) dst(%dma_wait3A_326 : memref<80x128xf32, #tpu.memory_space<vmem_shared>>)
      tpu.yield
    }) : () -> ()
    %mul3A_17 = arith.constant 625 : i32
    %mul3A_18 = arith.muli %arg1, %mul3A_17 : i32
    %add3A_19 = arith.constant 240 : i32
    %add3A_20 = arith.addi %mul3A_18, %add3A_19 : i32
    "tpu.region"() ({
      %run_scoped3A = tpu.sem_alloc : memref<!tpu.dma_semaphore, #tpu.memory_space<semaphore_mem>>
      %dma_start3A_319 = arith.constant 0 : i32
      %dma_start3A_320 = tpu.memref_slice %arg20[%add3A_20, %dma_start3A_319] : memref<10000x128xf32, #tpu.memory_space<vmem_shared>> -> memref<80x128xf32, #tpu.memory_space<vmem_shared>>
      %dma_start3A_321 = arith.constant 0 : i32
      %dma_start3A_322 = tpu.memref_slice %arg20[%add3A_20, %dma_start3A_321] : memref<10000x128xf32, #tpu.memory_space<vmem_shared>> -> memref<80x128xf32, #tpu.memory_space<vmem_shared>>
      tpu.enqueue_dma source(%arg12 : memref<80x128xf32, #tpu.memory_space<vmem>>) target(%dma_start3A_322 : memref<80x128xf32, #tpu.memory_space<vmem_shared>>) target_semaphore(%run_scoped3A : memref<!tpu.dma_semaphore, #tpu.memory_space<semaphore_mem>>)
      %dma_wait3A_323 = arith.constant 0 : i32
      %dma_wait3A_324 = tpu.memref_slice %arg20[%add3A_20, %dma_wait3A_323] : memref<10000x128xf32, #tpu.memory_space<vmem_shared>> -> memref<80x128xf32, #tpu.memory_space<vmem_shared>>
      %dma_wait3A_325 = arith.constant 0 : i32
      %dma_wait3A_326 = tpu.memref_slice %arg20[%add3A_20, %dma_wait3A_325] : memref<10000x128xf32, #tpu.memory_space<vmem_shared>> -> memref<80x128xf32, #tpu.memory_space<vmem_shared>>
      tpu.wait_dma2 semaphore(%run_scoped3A : memref<!tpu.dma_semaphore, #tpu.memory_space<semaphore_mem>>) src(%arg12 : memref<80x128xf32, #tpu.memory_space<vmem>>) dst(%dma_wait3A_326 : memref<80x128xf32, #tpu.memory_space<vmem_shared>>)
      tpu.yield
    }) : () -> ()
    %mul3A_21 = arith.constant 625 : i32
    %mul3A_22 = arith.muli %arg1, %mul3A_21 : i32
    %add3A_23 = arith.constant 320 : i32
    %add3A_24 = arith.addi %mul3A_22, %add3A_23 : i32
    "tpu.region"() ({
      %run_scoped3A = tpu.sem_alloc : memref<!tpu.dma_semaphore, #tpu.memory_space<semaphore_mem>>
      %dma_start3A_319 = arith.constant 0 : i32
      %dma_start3A_320 = tpu.memref_slice %arg20[%add3A_24, %dma_start3A_319] : memref<10000x128xf32, #tpu.memory_space<vmem_shared>> -> memref<80x128xf32, #tpu.memory_space<vmem_shared>>
      %dma_start3A_321 = arith.constant 0 : i32
      %dma_start3A_322 = tpu.memref_slice %arg20[%add3A_24, %dma_start3A_321] : memref<10000x128xf32, #tpu.memory_space<vmem_shared>> -> memref<80x128xf32, #tpu.memory_space<vmem_shared>>
      tpu.enqueue_dma source(%arg12 : memref<80x128xf32, #tpu.memory_space<vmem>>) target(%dma_start3A_322 : memref<80x128xf32, #tpu.memory_space<vmem_shared>>) target_semaphore(%run_scoped3A : memref<!tpu.dma_semaphore, #tpu.memory_space<semaphore_mem>>)
      %dma_wait3A_323 = arith.constant 0 : i32
      %dma_wait3A_324 = tpu.memref_slice %arg20[%add3A_24, %dma_wait3A_323] : memref<10000x128xf32, #tpu.memory_space<vmem_shared>> -> memref<80x128xf32, #tpu.memory_space<vmem_shared>>
      %dma_wait3A_325 = arith.constant 0 : i32
      %dma_wait3A_326 = tpu.memref_slice %arg20[%add3A_24, %dma_wait3A_325] : memref<10000x128xf32, #tpu.memory_space<vmem_shared>> -> memref<80x128xf32, #tpu.memory_space<vmem_shared>>
      tpu.wait_dma2 semaphore(%run_scoped3A : memref<!tpu.dma_semaphore, #tpu.memory_space<semaphore_mem>>) src(%arg12 : memref<80x128xf32, #tpu.memory_space<vmem>>) dst(%dma_wait3A_326 : memref<80x128xf32, #tpu.memory_space<vmem_shared>>)
      tpu.yield
    }) : () -> ()
    %mul3A_25 = arith.constant 625 : i32
    %mul3A_26 = arith.muli %arg1, %mul3A_25 : i32
    %add3A_27 = arith.constant 400 : i32
    %add3A_28 = arith.addi %mul3A_26, %add3A_27 : i32
    "tpu.region"() ({
      %run_scoped3A = tpu.sem_alloc : memref<!tpu.dma_semaphore, #tpu.memory_space<semaphore_mem>>
      %dma_start3A_319 = arith.constant 0 : i32
      %dma_start3A_320 = tpu.memref_slice %arg20[%add3A_28, %dma_start3A_319] : memref<10000x128xf32, #tpu.memory_space<vmem_shared>> -> memref<80x128xf32, #tpu.memory_space<vmem_shared>>
      %dma_start3A_321 = arith.constant 0 : i32
      %dma_start3A_322 = tpu.memref_slice %arg20[%add3A_28, %dma_start3A_321] : memref<10000x128xf32, #tpu.memory_space<vmem_shared>> -> memref<80x128xf32, #tpu.memory_space<vmem_shared>>
      tpu.enqueue_dma source(%arg12 : memref<80x128xf32, #tpu.memory_space<vmem>>) target(%dma_start3A_322 : memref<80x128xf32, #tpu.memory_space<vmem_shared>>) target_semaphore(%run_scoped3A : memref<!tpu.dma_semaphore, #tpu.memory_space<semaphore_mem>>)
      %dma_wait3A_323 = arith.constant 0 : i32
      %dma_wait3A_324 = tpu.memref_slice %arg20[%add3A_28, %dma_wait3A_323] : memref<10000x128xf32, #tpu.memory_space<vmem_shared>> -> memref<80x128xf32, #tpu.memory_space<vmem_shared>>
      %dma_wait3A_325 = arith.constant 0 : i32
      %dma_wait3A_326 = tpu.memref_slice %arg20[%add3A_28, %dma_wait3A_325] : memref<10000x128xf32, #tpu.memory_space<vmem_shared>> -> memref<80x128xf32, #tpu.memory_space<vmem_shared>>
      tpu.wait_dma2 semaphore(%run_scoped3A : memref<!tpu.dma_semaphore, #tpu.memory_space<semaphore_mem>>) src(%arg12 : memref<80x128xf32, #tpu.memory_space<vmem>>) dst(%dma_wait3A_326 : memref<80x128xf32, #tpu.memory_space<vmem_shared>>)
      tpu.yield
    }) : () -> ()
    %mul3A_29 = arith.constant 625 : i32
    %mul3A_30 = arith.muli %arg1, %mul3A_29 : i32
    %add3A_31 = arith.constant 480 : i32
    %add3A_32 = arith.addi %mul3A_30, %add3A_31 : i32
    "tpu.region"() ({
      %run_scoped3A = tpu.sem_alloc : memref<!tpu.dma_semaphore, #tpu.memory_space<semaphore_mem>>
      %dma_start3A_319 = arith.constant 0 : i32
      %dma_start3A_320 = tpu.memref_slice %arg20[%add3A_32, %dma_start3A_319] : memref<10000x128xf32, #tpu.memory_space<vmem_shared>> -> memref<80x128xf32, #tpu.memory_space<vmem_shared>>
      %dma_start3A_321 = arith.constant 0 : i32
      %dma_start3A_322 = tpu.memref_slice %arg20[%add3A_32, %dma_start3A_321] : memref<10000x128xf32, #tpu.memory_space<vmem_shared>> -> memref<80x128xf32, #tpu.memory_space<vmem_shared>>
      tpu.enqueue_dma source(%arg12 : memref<80x128xf32, #tpu.memory_space<vmem>>) target(%dma_start3A_322 : memref<80x128xf32, #tpu.memory_space<vmem_shared>>) target_semaphore(%run_scoped3A : memref<!tpu.dma_semaphore, #tpu.memory_space<semaphore_mem>>)
      %dma_wait3A_323 = arith.constant 0 : i32
      %dma_wait3A_324 = tpu.memref_slice %arg20[%add3A_32, %dma_wait3A_323] : memref<10000x128xf32, #tpu.memory_space<vmem_shared>> -> memref<80x128xf32, #tpu.memory_space<vmem_shared>>
      %dma_wait3A_325 = arith.constant 0 : i32
      %dma_wait3A_326 = tpu.memref_slice %arg20[%add3A_32, %dma_wait3A_325] : memref<10000x128xf32, #tpu.memory_space<vmem_shared>> -> memref<80x128xf32, #tpu.memory_space<vmem_shared>>
      tpu.wait_dma2 semaphore(%run_scoped3A : memref<!tpu.dma_semaphore, #tpu.memory_space<semaphore_mem>>) src(%arg12 : memref<80x128xf32, #tpu.memory_space<vmem>>) dst(%dma_wait3A_326 : memref<80x128xf32, #tpu.memory_space<vmem_shared>>)
      tpu.yield
    }) : () -> ()
    %mul3A_33 = arith.constant 625 : i32
    %mul3A_34 = arith.muli %arg1, %mul3A_33 : i32
    %add3A_35 = arith.constant 560 : i32
    %add3A_36 = arith.addi %mul3A_34, %add3A_35 : i32
    "tpu.region"() ({
      %run_scoped3A = tpu.sem_alloc : memref<!tpu.dma_semaphore, #tpu.memory_space<semaphore_mem>>
      %dma_start3A_319 = arith.constant 0 : i32
      %dma_start3A_320 = arith.constant 0 : i32
      %dma_start3A_321 = tpu.memref_slice %arg12[%dma_start3A_319, %dma_start3A_320] : memref<80x128xf32, #tpu.memory_space<vmem>> -> memref<65x128xf32, #tpu.memory_space<vmem>>
      %dma_start3A_322 = arith.constant 0 : i32
      %dma_start3A_323 = tpu.memref_slice %arg20[%add3A_36, %dma_start3A_322] : memref<10000x128xf32, #tpu.memory_space<vmem_shared>> -> memref<65x128xf32, #tpu.memory_space<vmem_shared>>
      %dma_start3A_324 = arith.constant 0 : i32
      %dma_start3A_325 = tpu.memref_slice %arg20[%add3A_36, %dma_start3A_324] : memref<10000x128xf32, #tpu.memory_space<vmem_shared>> -> memref<65x128xf32, #tpu.memory_space<vmem_shared>>
      %dma_start3A_326 = arith.constant 0 : i32
      %dma_start3A_327 = arith.constant 0 : i32
      %dma_start3A_328 = tpu.memref_slice %arg12[%dma_start3A_326, %dma_start3A_327] : memref<80x128xf32, #tpu.memory_space<vmem>> -> memref<65x128xf32, #tpu.memory_space<vmem>>
      tpu.enqueue_dma source(%dma_start3A_328 : memref<65x128xf32, #tpu.memory_space<vmem>>) target(%dma_start3A_325 : memref<65x128xf32, #tpu.memory_space<vmem_shared>>) target_semaphore(%run_scoped3A : memref<!tpu.dma_semaphore, #tpu.memory_space<semaphore_mem>>)
      %dma_wait3A_329 = arith.constant 0 : i32
      %dma_wait3A_330 = arith.constant 0 : i32
      %dma_wait3A_331 = tpu.memref_slice %arg12[%dma_wait3A_329, %dma_wait3A_330] : memref<80x128xf32, #tpu.memory_space<vmem>> -> memref<65x128xf32, #tpu.memory_space<vmem>>
      %dma_wait3A_332 = arith.constant 0 : i32
      %dma_wait3A_333 = tpu.memref_slice %arg20[%add3A_36, %dma_wait3A_332] : memref<10000x128xf32, #tpu.memory_space<vmem_shared>> -> memref<65x128xf32, #tpu.memory_space<vmem_shared>>
      %dma_wait3A_334 = arith.constant 0 : i32
      %dma_wait3A_335 = tpu.memref_slice %arg20[%add3A_36, %dma_wait3A_334] : memref<10000x128xf32, #tpu.memory_space<vmem_shared>> -> memref<65x128xf32, #tpu.memory_space<vmem_shared>>
      %dma_wait3A_336 = arith.constant 0 : i32
      %dma_wait3A_337 = arith.constant 0 : i32
      %dma_wait3A_338 = tpu.memref_slice %arg12[%dma_wait3A_336, %dma_wait3A_337] : memref<80x128xf32, #tpu.memory_space<vmem>> -> memref<65x128xf32, #tpu.memory_space<vmem>>
      tpu.wait_dma2 semaphore(%run_scoped3A : memref<!tpu.dma_semaphore, #tpu.memory_space<semaphore_mem>>) src(%dma_wait3A_338 : memref<65x128xf32, #tpu.memory_space<vmem>>) dst(%dma_wait3A_335 : memref<65x128xf32, #tpu.memory_space<vmem_shared>>)
      tpu.yield
    }) : () -> ()
    "tpu.region"() ({
      %run_scoped3A = tpu.sem_alloc : memref<!tpu.dma_semaphore, #tpu.memory_space<semaphore_mem>>
      tpu.enqueue_dma source(%arg5 : memref<16xf32, #tpu.memory_space<hbm>>) target(%arg18 : memref<16xf32, #tpu.memory_space<vmem>>) target_semaphore(%run_scoped3A : memref<!tpu.dma_semaphore, #tpu.memory_space<semaphore_mem>>)
      tpu.wait_dma2 semaphore(%run_scoped3A : memref<!tpu.dma_semaphore, #tpu.memory_space<semaphore_mem>>) src(%arg5 : memref<16xf32, #tpu.memory_space<hbm>>) dst(%arg18 : memref<16xf32, #tpu.memory_space<vmem>>)
      tpu.yield
    }) : () -> ()
    "tpu.region"() ({
      %run_scoped3A = tpu.sem_alloc : memref<!tpu.dma_semaphore, #tpu.memory_space<semaphore_mem>>
      tpu.enqueue_dma source(%arg6 : memref<16xf32, #tpu.memory_space<hbm>>) target(%arg19 : memref<16xf32, #tpu.memory_space<vmem>>) target_semaphore(%run_scoped3A : memref<!tpu.dma_semaphore, #tpu.memory_space<semaphore_mem>>)
      tpu.wait_dma2 semaphore(%run_scoped3A : memref<!tpu.dma_semaphore, #tpu.memory_space<semaphore_mem>>) src(%arg6 : memref<16xf32, #tpu.memory_space<hbm>>) dst(%arg19 : memref<16xf32, #tpu.memory_space<vmem>>)
      tpu.yield
    }) : () -> ()
    "tpu.region"() ({
      %run_scoped3A = tpu.sem_alloc : memref<!tpu.dma_semaphore, #tpu.memory_space<semaphore_mem>>
      tpu.enqueue_dma source(%arg7 : memref<10000xf32, #tpu.memory_space<hbm>>) target(%arg9 : memref<10000xf32, #tpu.memory_space<vmem>>) target_semaphore(%run_scoped3A : memref<!tpu.dma_semaphore, #tpu.memory_space<semaphore_mem>>)
      tpu.wait_dma2 semaphore(%run_scoped3A : memref<!tpu.dma_semaphore, #tpu.memory_space<semaphore_mem>>) src(%arg7 : memref<10000xf32, #tpu.memory_space<hbm>>) dst(%arg9 : memref<10000xf32, #tpu.memory_space<vmem>>)
      tpu.yield
    }) : () -> ()
    "tpu.region"() ({
      %run_scoped3A = tpu.sem_alloc : memref<!tpu.dma_semaphore, #tpu.memory_space<semaphore_mem>>
      %dma_start3A_319 = arith.constant 0 : i32
      %dma_start3A_320 = arith.constant 0 : i32
      %dma_start3A_321 = tpu.memref_slice %arg3[%add3A, %dma_start3A_319, %dma_start3A_320] : memref<32x125x80xi32, #tpu.memory_space<hbm>> -> memref<1x125x80xi32, #tpu.memory_space<hbm>>
      %dma_start3A_322 = tpu.memref_squeeze %dma_start3A_321 : memref<1x125x80xi32, #tpu.memory_space<hbm>> -> memref<125x80xi32, #tpu.memory_space<hbm>>
      %dma_start3A_323 = arith.constant 0 : i32
      %dma_start3A_324 = arith.constant 0 : i32
      %dma_start3A_325 = tpu.memref_slice %arg3[%add3A, %dma_start3A_323, %dma_start3A_324] : memref<32x125x80xi32, #tpu.memory_space<hbm>> -> memref<1x125x80xi32, #tpu.memory_space<hbm>>
      %dma_start3A_326 = tpu.memref_squeeze %dma_start3A_325 : memref<1x125x80xi32, #tpu.memory_space<hbm>> -> memref<125x80xi32, #tpu.memory_space<hbm>>
      tpu.enqueue_dma source(%dma_start3A_326 : memref<125x80xi32, #tpu.memory_space<hbm>>) target(%arg10 : memref<125x80xi32, #tpu.memory_space<vmem>>) target_semaphore(%run_scoped3A : memref<!tpu.dma_semaphore, #tpu.memory_space<semaphore_mem>>)
      %dma_wait3A_327 = arith.constant 0 : i32
      %dma_wait3A_328 = arith.constant 0 : i32
      %dma_wait3A_329 = tpu.memref_slice %arg3[%add3A, %dma_wait3A_327, %dma_wait3A_328] : memref<32x125x80xi32, #tpu.memory_space<hbm>> -> memref<1x125x80xi32, #tpu.memory_space<hbm>>
      %dma_wait3A_330 = tpu.memref_squeeze %dma_wait3A_329 : memref<1x125x80xi32, #tpu.memory_space<hbm>> -> memref<125x80xi32, #tpu.memory_space<hbm>>
      %dma_wait3A_331 = arith.constant 0 : i32
      %dma_wait3A_332 = arith.constant 0 : i32
      %dma_wait3A_333 = tpu.memref_slice %arg3[%add3A, %dma_wait3A_331, %dma_wait3A_332] : memref<32x125x80xi32, #tpu.memory_space<hbm>> -> memref<1x125x80xi32, #tpu.memory_space<hbm>>
      %dma_wait3A_334 = tpu.memref_squeeze %dma_wait3A_333 : memref<1x125x80xi32, #tpu.memory_space<hbm>> -> memref<125x80xi32, #tpu.memory_space<hbm>>
      tpu.wait_dma2 semaphore(%run_scoped3A : memref<!tpu.dma_semaphore, #tpu.memory_space<semaphore_mem>>) src(%dma_wait3A_334 : memref<125x80xi32, #tpu.memory_space<hbm>>) dst(%arg10 : memref<125x80xi32, #tpu.memory_space<vmem>>)
      tpu.yield
    }) : () -> ()
    "tpu.region"() ({
      %run_scoped3A = tpu.sem_alloc : memref<!tpu.dma_semaphore, #tpu.memory_space<semaphore_mem>>
      %dma_start3A_319 = arith.constant 0 : i32
      %dma_start3A_320 = arith.constant 0 : i32
      %dma_start3A_321 = tpu.memref_slice %arg4[%add3A, %dma_start3A_319, %dma_start3A_320] : memref<32x125x80xf32, #tpu.memory_space<hbm>> -> memref<1x125x80xf32, #tpu.memory_space<hbm>>
      %dma_start3A_322 = tpu.memref_squeeze %dma_start3A_321 : memref<1x125x80xf32, #tpu.memory_space<hbm>> -> memref<125x80xf32, #tpu.memory_space<hbm>>
      %dma_start3A_323 = arith.constant 0 : i32
      %dma_start3A_324 = arith.constant 0 : i32
      %dma_start3A_325 = tpu.memref_slice %arg4[%add3A, %dma_start3A_323, %dma_start3A_324] : memref<32x125x80xf32, #tpu.memory_space<hbm>> -> memref<1x125x80xf32, #tpu.memory_space<hbm>>
      %dma_start3A_326 = tpu.memref_squeeze %dma_start3A_325 : memref<1x125x80xf32, #tpu.memory_space<hbm>> -> memref<125x80xf32, #tpu.memory_space<hbm>>
      tpu.enqueue_dma source(%dma_start3A_326 : memref<125x80xf32, #tpu.memory_space<hbm>>) target(%arg11 : memref<125x80xf32, #tpu.memory_space<vmem>>) target_semaphore(%run_scoped3A : memref<!tpu.dma_semaphore, #tpu.memory_space<semaphore_mem>>)
      %dma_wait3A_327 = arith.constant 0 : i32
      %dma_wait3A_328 = arith.constant 0 : i32
      %dma_wait3A_329 = tpu.memref_slice %arg4[%add3A, %dma_wait3A_327, %dma_wait3A_328] : memref<32x125x80xf32, #tpu.memory_space<hbm>> -> memref<1x125x80xf32, #tpu.memory_space<hbm>>
      %dma_wait3A_330 = tpu.memref_squeeze %dma_wait3A_329 : memref<1x125x80xf32, #tpu.memory_space<hbm>> -> memref<125x80xf32, #tpu.memory_space<hbm>>
      %dma_wait3A_331 = arith.constant 0 : i32
      %dma_wait3A_332 = arith.constant 0 : i32
      %dma_wait3A_333 = tpu.memref_slice %arg4[%add3A, %dma_wait3A_331, %dma_wait3A_332] : memref<32x125x80xf32, #tpu.memory_space<hbm>> -> memref<1x125x80xf32, #tpu.memory_space<hbm>>
      %dma_wait3A_334 = tpu.memref_squeeze %dma_wait3A_333 : memref<1x125x80xf32, #tpu.memory_space<hbm>> -> memref<125x80xf32, #tpu.memory_space<hbm>>
      tpu.wait_dma2 semaphore(%run_scoped3A : memref<!tpu.dma_semaphore, #tpu.memory_space<semaphore_mem>>) src(%dma_wait3A_334 : memref<125x80xf32, #tpu.memory_space<hbm>>) dst(%arg11 : memref<125x80xf32, #tpu.memory_space<vmem>>)
      tpu.yield
    }) : () -> ()
    %get3A = arith.constant 0 : index
    %get3A_37 = tpu.vector_load %arg18[%get3A] {strides = array<i32>} : memref<16xf32, #tpu.memory_space<vmem>>, vector<16xf32>,
    %get3A_38 = arith.constant 0 : index
    %get3A_39 = tpu.vector_load %arg19[%get3A_38] {strides = array<i32>} : memref<16xf32, #tpu.memory_space<vmem>>, vector<16xf32>,
    %scan3A_40 = arith.constant 0 : i32
    %scan3A_41 = arith.constant 124 : i32
    %scan3A_42 = arith.addi %scan3A_40, %scan3A_41 : i32
    %scan3A_43 = arith.constant 2 : i32
    scf.for %scan3A_319 = %scan3A_40 to %scan3A_42 step %scan3A_43  : i32 {
      %mul3A_320 = arith.constant 1 : i32
      %mul3A_321 = arith.muli %scan3A_319, %mul3A_320 : i32
      %add3A_322 = arith.constant 0 : i32
      %add3A_323 = arith.addi %add3A_322, %mul3A_321 : i32
      %get3A_324 = arith.index_cast %add3A_323 : i32 to index
      %get3A_325 = arith.constant 0 : index
      %get3A_326 = tpu.vector_load %arg10[%get3A_324, %get3A_325] {strides = array<i32>} : memref<125x80xi32, #tpu.memory_space<vmem>>, vector<16xi32>,
      %and3A_327 = arith.constant 65535 : i32
      %and3A_328 = vector.broadcast %and3A_327 : i32 to vector<16xi32>
      %and3A_329 = arith.andi %get3A_326, %and3A_328 : vector<16xi32>
      %shift_right_arithmetic3A_330 = arith.constant 16 : i32
      %shift_right_arithmetic3A_331 = vector.broadcast %shift_right_arithmetic3A_330 : i32 to vector<16xi32>
      %shift_right_arithmetic3A_332 = arith.shrsi %get3A_326, %shift_right_arithmetic3A_331 : vector<16xi32>
      %get3A_333 = arith.index_cast %add3A_323 : i32 to index
      %get3A_334 = arith.constant 0 : index
      %get3A_335 = tpu.vector_load %arg11[%get3A_333, %get3A_334] {strides = array<i32>} : memref<125x80xf32, #tpu.memory_space<vmem>>, vector<16xf32>,
      %sub3A_336 = arith.subf %get3A_335, %get3A_37 : vector<16xf32>
      %mul3A_337 = arith.mulf %sub3A_336, %get3A_39 : vector<16xf32>
      %gather3A_338 = tpu.vector_load_idx %arg9[%and3A_329] : memref<10000xf32, #tpu.memory_space<vmem>>[vector<16xi32>], vector<16xf32>,
      %gather3A_339 = tpu.vector_load_idx %arg9[%shift_right_arithmetic3A_332] : memref<10000xf32, #tpu.memory_space<vmem>>[vector<16xi32>], vector<16xf32>,
      %mul3A_340 = arith.mulf %gather3A_338, %mul3A_337 : vector<16xf32>
      %mul3A_341 = arith.mulf %mul3A_340, %gather3A_339 : vector<16xf32>
      %swap3A_342 = arith.index_cast %add3A_323 : i32 to index
      %swap3A_343 = arith.constant 0 : index
      %swap3A_344 = tpu.vector_load %arg11[%swap3A_342, %swap3A_343] {strides = array<i32>} : memref<125x80xf32, #tpu.memory_space<vmem>>, vector<16xf32>,
      tpu.vector_store %arg11[%swap3A_342, %swap3A_343], %mul3A_341 {strides = array<i32>} : memref<125x80xf32, #tpu.memory_space<vmem>>, vector<16xf32>,
      %get3A_345 = arith.index_cast %add3A_323 : i32 to index
      %get3A_346 = arith.constant 16 : index
      %get3A_347 = tpu.vector_load %arg10[%get3A_345, %get3A_346] {strides = array<i32>} : memref<125x80xi32, #tpu.memory_space<vmem>>, vector<16xi32>,
      %and3A_348 = arith.constant 65535 : i32
      %and3A_349 = vector.broadcast %and3A_348 : i32 to vector<16xi32>
      %and3A_350 = arith.andi %get3A_347, %and3A_349 : vector<16xi32>
      %shift_right_arithmetic3A_351 = arith.constant 16 : i32
      %shift_right_arithmetic3A_352 = vector.broadcast %shift_right_arithmetic3A_351 : i32 to vector<16xi32>
      %shift_right_arithmetic3A_353 = arith.shrsi %get3A_347, %shift_right_arithmetic3A_352 : vector<16xi32>
      %get3A_354 = arith.index_cast %add3A_323 : i32 to index
      %get3A_355 = arith.constant 16 : index
      %get3A_356 = tpu.vector_load %arg11[%get3A_354, %get3A_355] {strides = array<i32>} : memref<125x80xf32, #tpu.memory_space<vmem>>, vector<16xf32>,
      %sub3A_357 = arith.subf %get3A_356, %get3A_37 : vector<16xf32>
      %mul3A_358 = arith.mulf %sub3A_357, %get3A_39 : vector<16xf32>
      %gather3A_359 = tpu.vector_load_idx %arg9[%and3A_350] : memref<10000xf32, #tpu.memory_space<vmem>>[vector<16xi32>], vector<16xf32>,
      %gather3A_360 = tpu.vector_load_idx %arg9[%shift_right_arithmetic3A_353] : memref<10000xf32, #tpu.memory_space<vmem>>[vector<16xi32>], vector<16xf32>,
      %mul3A_361 = arith.mulf %gather3A_359, %mul3A_358 : vector<16xf32>
      %mul3A_362 = arith.mulf %mul3A_361, %gather3A_360 : vector<16xf32>
      %swap3A_363 = arith.index_cast %add3A_323 : i32 to index
      %swap3A_364 = arith.constant 16 : index
      %swap3A_365 = tpu.vector_load %arg11[%swap3A_363, %swap3A_364] {strides = array<i32>} : memref<125x80xf32, #tpu.memory_space<vmem>>, vector<16xf32>,
      tpu.vector_store %arg11[%swap3A_363, %swap3A_364], %mul3A_362 {strides = array<i32>} : memref<125x80xf32, #tpu.memory_space<vmem>>, vector<16xf32>,
      %get3A_366 = arith.index_cast %add3A_323 : i32 to index
      %get3A_367 = arith.constant 32 : index
      %get3A_368 = tpu.vector_load %arg10[%get3A_366, %get3A_367] {strides = array<i32>} : memref<125x80xi32, #tpu.memory_space<vmem>>, vector<16xi32>,
      %and3A_369 = arith.constant 65535 : i32
      %and3A_370 = vector.broadcast %and3A_369 : i32 to vector<16xi32>
      %and3A_371 = arith.andi %get3A_368, %and3A_370 : vector<16xi32>
      %shift_right_arithmetic3A_372 = arith.constant 16 : i32
      %shift_right_arithmetic3A_373 = vector.broadcast %shift_right_arithmetic3A_372 : i32 to vector<16xi32>
      %shift_right_arithmetic3A_374 = arith.shrsi %get3A_368, %shift_right_arithmetic3A_373 : vector<16xi32>
      %get3A_375 = arith.index_cast %add3A_323 : i32 to index
      %get3A_376 = arith.constant 32 : index
      %get3A_377 = tpu.vector_load %arg11[%get3A_375, %get3A_376] {strides = array<i32>} : memref<125x80xf32, #tpu.memory_space<vmem>>, vector<16xf32>,
      %sub3A_378 = arith.subf %get3A_377, %get3A_37 : vector<16xf32>
      %mul3A_379 = arith.mulf %sub3A_378, %get3A_39 : vector<16xf32>
      %gather3A_380 = tpu.vector_load_idx %arg9[%and3A_371] : memref<10000xf32, #tpu.memory_space<vmem>>[vector<16xi32>], vector<16xf32>,
      %gather3A_381 = tpu.vector_load_idx %arg9[%shift_right_arithmetic3A_374] : memref<10000xf32, #tpu.memory_space<vmem>>[vector<16xi32>], vector<16xf32>,
      %mul3A_382 = arith.mulf %gather3A_380, %mul3A_379 : vector<16xf32>
      %mul3A_383 = arith.mulf %mul3A_382, %gather3A_381 : vector<16xf32>
      %swap3A_384 = arith.index_cast %add3A_323 : i32 to index
      %swap3A_385 = arith.constant 32 : index
      %swap3A_386 = tpu.vector_load %arg11[%swap3A_384, %swap3A_385] {strides = array<i32>} : memref<125x80xf32, #tpu.memory_space<vmem>>, vector<16xf32>,
      tpu.vector_store %arg11[%swap3A_384, %swap3A_385], %mul3A_383 {strides = array<i32>} : memref<125x80xf32, #tpu.memory_space<vmem>>, vector<16xf32>,
      %get3A_387 = arith.index_cast %add3A_323 : i32 to index
      %get3A_388 = arith.constant 48 : index
      %get3A_389 = tpu.vector_load %arg10[%get3A_387, %get3A_388] {strides = array<i32>} : memref<125x80xi32, #tpu.memory_space<vmem>>, vector<16xi32>,
      %and3A_390 = arith.constant 65535 : i32
      %and3A_391 = vector.broadcast %and3A_390 : i32 to vector<16xi32>
      %and3A_392 = arith.andi %get3A_389, %and3A_391 : vector<16xi32>
      %shift_right_arithmetic3A_393 = arith.constant 16 : i32
      %shift_right_arithmetic3A_394 = vector.broadcast %shift_right_arithmetic3A_393 : i32 to vector<16xi32>
      %shift_right_arithmetic3A_395 = arith.shrsi %get3A_389, %shift_right_arithmetic3A_394 : vector<16xi32>
      %get3A_396 = arith.index_cast %add3A_323 : i32 to index
      %get3A_397 = arith.constant 48 : index
      %get3A_398 = tpu.vector_load %arg11[%get3A_396, %get3A_397] {strides = array<i32>} : memref<125x80xf32, #tpu.memory_space<vmem>>, vector<16xf32>,
      %sub3A_399 = arith.subf %get3A_398, %get3A_37 : vector<16xf32>
      %mul3A_400 = arith.mulf %sub3A_399, %get3A_39 : vector<16xf32>
      %gather3A_401 = tpu.vector_load_idx %arg9[%and3A_392] : memref<10000xf32, #tpu.memory_space<vmem>>[vector<16xi32>], vector<16xf32>,
      %gather3A_402 = tpu.vector_load_idx %arg9[%shift_right_arithmetic3A_395] : memref<10000xf32, #tpu.memory_space<vmem>>[vector<16xi32>], vector<16xf32>,
      %mul3A_403 = arith.mulf %gather3A_401, %mul3A_400 : vector<16xf32>
      %mul3A_404 = arith.mulf %mul3A_403, %gather3A_402 : vector<16xf32>
      %swap3A_405 = arith.index_cast %add3A_323 : i32 to index
      %swap3A_406 = arith.constant 48 : index
      %swap3A_407 = tpu.vector_load %arg11[%swap3A_405, %swap3A_406] {strides = array<i32>} : memref<125x80xf32, #tpu.memory_space<vmem>>, vector<16xf32>,
      tpu.vector_store %arg11[%swap3A_405, %swap3A_406], %mul3A_404 {strides = array<i32>} : memref<125x80xf32, #tpu.memory_space<vmem>>, vector<16xf32>,
      %get3A_408 = arith.index_cast %add3A_323 : i32 to index
      %get3A_409 = arith.constant 64 : index
      %get3A_410 = tpu.vector_load %arg10[%get3A_408, %get3A_409] {strides = array<i32>} : memref<125x80xi32, #tpu.memory_space<vmem>>, vector<16xi32>,
      %and3A_411 = arith.constant 65535 : i32
      %and3A_412 = vector.broadcast %and3A_411 : i32 to vector<16xi32>
      %and3A_413 = arith.andi %get3A_410, %and3A_412 : vector<16xi32>
      %shift_right_arithmetic3A_414 = arith.constant 16 : i32
      %shift_right_arithmetic3A_415 = vector.broadcast %shift_right_arithmetic3A_414 : i32 to vector<16xi32>
      %shift_right_arithmetic3A_416 = arith.shrsi %get3A_410, %shift_right_arithmetic3A_415 : vector<16xi32>
      %get3A_417 = arith.index_cast %add3A_323 : i32 to index
      %get3A_418 = arith.constant 64 : index
      %get3A_419 = tpu.vector_load %arg11[%get3A_417, %get3A_418] {strides = array<i32>} : memref<125x80xf32, #tpu.memory_space<vmem>>, vector<16xf32>,
      %sub3A_420 = arith.subf %get3A_419, %get3A_37 : vector<16xf32>
      %mul3A_421 = arith.mulf %sub3A_420, %get3A_39 : vector<16xf32>
      %gather3A_422 = tpu.vector_load_idx %arg9[%and3A_413] : memref<10000xf32, #tpu.memory_space<vmem>>[vector<16xi32>], vector<16xf32>,
      %gather3A_423 = tpu.vector_load_idx %arg9[%shift_right_arithmetic3A_416] : memref<10000xf32, #tpu.memory_space<vmem>>[vector<16xi32>], vector<16xf32>,
      %mul3A_424 = arith.mulf %gather3A_422, %mul3A_421 : vector<16xf32>
      %mul3A_425 = arith.mulf %mul3A_424, %gather3A_423 : vector<16xf32>
      %swap3A_426 = arith.index_cast %add3A_323 : i32 to index
      %swap3A_427 = arith.constant 64 : index
      %swap3A_428 = tpu.vector_load %arg11[%swap3A_426, %swap3A_427] {strides = array<i32>} : memref<125x80xf32, #tpu.memory_space<vmem>>, vector<16xf32>,
      tpu.vector_store %arg11[%swap3A_426, %swap3A_427], %mul3A_425 {strides = array<i32>} : memref<125x80xf32, #tpu.memory_space<vmem>>, vector<16xf32>,
      %scan3A_429 = arith.constant 1 : i32
      %scan3A_430 = arith.addi %scan3A_319, %scan3A_429 : i32
      %mul3A_431 = arith.constant 1 : i32
      %mul3A_432 = arith.muli %scan3A_430, %mul3A_431 : i32
      %add3A_433 = arith.constant 0 : i32
      %add3A_434 = arith.addi %add3A_433, %mul3A_432 : i32
      %get3A_435 = arith.index_cast %add3A_434 : i32 to index
      %get3A_436 = arith.constant 0 : index
      %get3A_437 = tpu.vector_load %arg10[%get3A_435, %get3A_436] {strides = array<i32>} : memref<125x80xi32, #tpu.memory_space<vmem>>, vector<16xi32>,
      %and3A_438 = arith.constant 65535 : i32
      %and3A_439 = vector.broadcast %and3A_438 : i32 to vector<16xi32>
      %and3A_440 = arith.andi %get3A_437, %and3A_439 : vector<16xi32>
      %shift_right_arithmetic3A_441 = arith.constant 16 : i32
      %shift_right_arithmetic3A_442 = vector.broadcast %shift_right_arithmetic3A_441 : i32 to vector<16xi32>
      %shift_right_arithmetic3A_443 = arith.shrsi %get3A_437, %shift_right_arithmetic3A_442 : vector<16xi32>
      %get3A_444 = arith.index_cast %add3A_434 : i32 to index
      %get3A_445 = arith.constant 0 : index
      %get3A_446 = tpu.vector_load %arg11[%get3A_444, %get3A_445] {strides = array<i32>} : memref<125x80xf32, #tpu.memory_space<vmem>>, vector<16xf32>,
      %sub3A_447 = arith.subf %get3A_446, %get3A_37 : vector<16xf32>
      %mul3A_448 = arith.mulf %sub3A_447, %get3A_39 : vector<16xf32>
      %gather3A_449 = tpu.vector_load_idx %arg9[%and3A_440] : memref<10000xf32, #tpu.memory_space<vmem>>[vector<16xi32>], vector<16xf32>,
      %gather3A_450 = tpu.vector_load_idx %arg9[%shift_right_arithmetic3A_443] : memref<10000xf32, #tpu.memory_space<vmem>>[vector<16xi32>], vector<16xf32>,
      %mul3A_451 = arith.mulf %gather3A_449, %mul3A_448 : vector<16xf32>
      %mul3A_452 = arith.mulf %mul3A_451, %gather3A_450 : vector<16xf32>
      %swap3A_453 = arith.index_cast %add3A_434 : i32 to index
      %swap3A_454 = arith.constant 0 : index
      %swap3A_455 = tpu.vector_load %arg11[%swap3A_453, %swap3A_454] {strides = array<i32>} : memref<125x80xf32, #tpu.memory_space<vmem>>, vector<16xf32>,
      tpu.vector_store %arg11[%swap3A_453, %swap3A_454], %mul3A_452 {strides = array<i32>} : memref<125x80xf32, #tpu.memory_space<vmem>>, vector<16xf32>,
      %get3A_456 = arith.index_cast %add3A_434 : i32 to index
      %get3A_457 = arith.constant 16 : index
      %get3A_458 = tpu.vector_load %arg10[%get3A_456, %get3A_457] {strides = array<i32>} : memref<125x80xi32, #tpu.memory_space<vmem>>, vector<16xi32>,
      %and3A_459 = arith.constant 65535 : i32
      %and3A_460 = vector.broadcast %and3A_459 : i32 to vector<16xi32>
      %and3A_461 = arith.andi %get3A_458, %and3A_460 : vector<16xi32>
      %shift_right_arithmetic3A_462 = arith.constant 16 : i32
      %shift_right_arithmetic3A_463 = vector.broadcast %shift_right_arithmetic3A_462 : i32 to vector<16xi32>
      %shift_right_arithmetic3A_464 = arith.shrsi %get3A_458, %shift_right_arithmetic3A_463 : vector<16xi32>
      %get3A_465 = arith.index_cast %add3A_434 : i32 to index
      %get3A_466 = arith.constant 16 : index
      %get3A_467 = tpu.vector_load %arg11[%get3A_465, %get3A_466] {strides = array<i32>} : memref<125x80xf32, #tpu.memory_space<vmem>>, vector<16xf32>,
      %sub3A_468 = arith.subf %get3A_467, %get3A_37 : vector<16xf32>
      %mul3A_469 = arith.mulf %sub3A_468, %get3A_39 : vector<16xf32>
      %gather3A_470 = tpu.vector_load_idx %arg9[%and3A_461] : memref<10000xf32, #tpu.memory_space<vmem>>[vector<16xi32>], vector<16xf32>,
      %gather3A_471 = tpu.vector_load_idx %arg9[%shift_right_arithmetic3A_464] : memref<10000xf32, #tpu.memory_space<vmem>>[vector<16xi32>], vector<16xf32>,
      %mul3A_472 = arith.mulf %gather3A_470, %mul3A_469 : vector<16xf32>
      %mul3A_473 = arith.mulf %mul3A_472, %gather3A_471 : vector<16xf32>
      %swap3A_474 = arith.index_cast %add3A_434 : i32 to index
      %swap3A_475 = arith.constant 16 : index
      %swap3A_476 = tpu.vector_load %arg11[%swap3A_474, %swap3A_475] {strides = array<i32>} : memref<125x80xf32, #tpu.memory_space<vmem>>, vector<16xf32>,
      tpu.vector_store %arg11[%swap3A_474, %swap3A_475], %mul3A_473 {strides = array<i32>} : memref<125x80xf32, #tpu.memory_space<vmem>>, vector<16xf32>,
      %get3A_477 = arith.index_cast %add3A_434 : i32 to index
      %get3A_478 = arith.constant 32 : index
      %get3A_479 = tpu.vector_load %arg10[%get3A_477, %get3A_478] {strides = array<i32>} : memref<125x80xi32, #tpu.memory_space<vmem>>, vector<16xi32>,
      %and3A_480 = arith.constant 65535 : i32
      %and3A_481 = vector.broadcast %and3A_480 : i32 to vector<16xi32>
      %and3A_482 = arith.andi %get3A_479, %and3A_481 : vector<16xi32>
      %shift_right_arithmetic3A_483 = arith.constant 16 : i32
      %shift_right_arithmetic3A_484 = vector.broadcast %shift_right_arithmetic3A_483 : i32 to vector<16xi32>
      %shift_right_arithmetic3A_485 = arith.shrsi %get3A_479, %shift_right_arithmetic3A_484 : vector<16xi32>
      %get3A_486 = arith.index_cast %add3A_434 : i32 to index
      %get3A_487 = arith.constant 32 : index
      %get3A_488 = tpu.vector_load %arg11[%get3A_486, %get3A_487] {strides = array<i32>} : memref<125x80xf32, #tpu.memory_space<vmem>>, vector<16xf32>,
      %sub3A_489 = arith.subf %get3A_488, %get3A_37 : vector<16xf32>
      %mul3A_490 = arith.mulf %sub3A_489, %get3A_39 : vector<16xf32>
      %gather3A_491 = tpu.vector_load_idx %arg9[%and3A_482] : memref<10000xf32, #tpu.memory_space<vmem>>[vector<16xi32>], vector<16xf32>,
      %gather3A_492 = tpu.vector_load_idx %arg9[%shift_right_arithmetic3A_485] : memref<10000xf32, #tpu.memory_space<vmem>>[vector<16xi32>], vector<16xf32>,
      %mul3A_493 = arith.mulf %gather3A_491, %mul3A_490 : vector<16xf32>
      %mul3A_494 = arith.mulf %mul3A_493, %gather3A_492 : vector<16xf32>
      %swap3A_495 = arith.index_cast %add3A_434 : i32 to index
      %swap3A_496 = arith.constant 32 : index
      %swap3A_497 = tpu.vector_load %arg11[%swap3A_495, %swap3A_496] {strides = array<i32>} : memref<125x80xf32, #tpu.memory_space<vmem>>, vector<16xf32>,
      tpu.vector_store %arg11[%swap3A_495, %swap3A_496], %mul3A_494 {strides = array<i32>} : memref<125x80xf32, #tpu.memory_space<vmem>>, vector<16xf32>,
      %get3A_498 = arith.index_cast %add3A_434 : i32 to index
      %get3A_499 = arith.constant 48 : index
      %get3A_500 = tpu.vector_load %arg10[%get3A_498, %get3A_499] {strides = array<i32>} : memref<125x80xi32, #tpu.memory_space<vmem>>, vector<16xi32>,
      %and3A_501 = arith.constant 65535 : i32
      %and3A_502 = vector.broadcast %and3A_501 : i32 to vector<16xi32>
      %and3A_503 = arith.andi %get3A_500, %and3A_502 : vector<16xi32>
      %shift_right_arithmetic3A_504 = arith.constant 16 : i32
      %shift_right_arithmetic3A_505 = vector.broadcast %shift_right_arithmetic3A_504 : i32 to vector<16xi32>
      %shift_right_arithmetic3A_506 = arith.shrsi %get3A_500, %shift_right_arithmetic3A_505 : vector<16xi32>
      %get3A_507 = arith.index_cast %add3A_434 : i32 to index
      %get3A_508 = arith.constant 48 : index
      %get3A_509 = tpu.vector_load %arg11[%get3A_507, %get3A_508] {strides = array<i32>} : memref<125x80xf32, #tpu.memory_space<vmem>>, vector<16xf32>,
      %sub3A_510 = arith.subf %get3A_509, %get3A_37 : vector<16xf32>
      %mul3A_511 = arith.mulf %sub3A_510, %get3A_39 : vector<16xf32>
      %gather3A_512 = tpu.vector_load_idx %arg9[%and3A_503] : memref<10000xf32, #tpu.memory_space<vmem>>[vector<16xi32>], vector<16xf32>,
      %gather3A_513 = tpu.vector_load_idx %arg9[%shift_right_arithmetic3A_506] : memref<10000xf32, #tpu.memory_space<vmem>>[vector<16xi32>], vector<16xf32>,
      %mul3A_514 = arith.mulf %gather3A_512, %mul3A_511 : vector<16xf32>
      %mul3A_515 = arith.mulf %mul3A_514, %gather3A_513 : vector<16xf32>
      %swap3A_516 = arith.index_cast %add3A_434 : i32 to index
      %swap3A_517 = arith.constant 48 : index
      %swap3A_518 = tpu.vector_load %arg11[%swap3A_516, %swap3A_517] {strides = array<i32>} : memref<125x80xf32, #tpu.memory_space<vmem>>, vector<16xf32>,
      tpu.vector_store %arg11[%swap3A_516, %swap3A_517], %mul3A_515 {strides = array<i32>} : memref<125x80xf32, #tpu.memory_space<vmem>>, vector<16xf32>,
      %get3A_519 = arith.index_cast %add3A_434 : i32 to index
      %get3A_520 = arith.constant 64 : index
      %get3A_521 = tpu.vector_load %arg10[%get3A_519, %get3A_520] {strides = array<i32>} : memref<125x80xi32, #tpu.memory_space<vmem>>, vector<16xi32>,
      %and3A_522 = arith.constant 65535 : i32
      %and3A_523 = vector.broadcast %and3A_522 : i32 to vector<16xi32>
      %and3A_524 = arith.andi %get3A_521, %and3A_523 : vector<16xi32>
      %shift_right_arithmetic3A_525 = arith.constant 16 : i32
      %shift_right_arithmetic3A_526 = vector.broadcast %shift_right_arithmetic3A_525 : i32 to vector<16xi32>
      %shift_right_arithmetic3A_527 = arith.shrsi %get3A_521, %shift_right_arithmetic3A_526 : vector<16xi32>
      %get3A_528 = arith.index_cast %add3A_434 : i32 to index
      %get3A_529 = arith.constant 64 : index
      %get3A_530 = tpu.vector_load %arg11[%get3A_528, %get3A_529] {strides = array<i32>} : memref<125x80xf32, #tpu.memory_space<vmem>>, vector<16xf32>,
      %sub3A_531 = arith.subf %get3A_530, %get3A_37 : vector<16xf32>
      %mul3A_532 = arith.mulf %sub3A_531, %get3A_39 : vector<16xf32>
      %gather3A_533 = tpu.vector_load_idx %arg9[%and3A_524] : memref<10000xf32, #tpu.memory_space<vmem>>[vector<16xi32>], vector<16xf32>,
      %gather3A_534 = tpu.vector_load_idx %arg9[%shift_right_arithmetic3A_527] : memref<10000xf32, #tpu.memory_space<vmem>>[vector<16xi32>], vector<16xf32>,
      %mul3A_535 = arith.mulf %gather3A_533, %mul3A_532 : vector<16xf32>
      %mul3A_536 = arith.mulf %mul3A_535, %gather3A_534 : vector<16xf32>
      %swap3A_537 = arith.index_cast %add3A_434 : i32 to index
      %swap3A_538 = arith.constant 64 : index
      %swap3A_539 = tpu.vector_load %arg11[%swap3A_537, %swap3A_538] {strides = array<i32>} : memref<125x80xf32, #tpu.memory_space<vmem>>, vector<16xf32>,
      tpu.vector_store %arg11[%swap3A_537, %swap3A_538], %mul3A_536 {strides = array<i32>} : memref<125x80xf32, #tpu.memory_space<vmem>>, vector<16xf32>,
    }
    %scan3A_44 = arith.constant 124 : i32
    %scan3A_45 = arith.addi %scan3A_40, %scan3A_44 : i32
    %mul3A_46 = arith.constant 1 : i32
    %mul3A_47 = arith.muli %scan3A_45, %mul3A_46 : i32
    %add3A_48 = arith.constant 0 : i32
    %add3A_49 = arith.addi %add3A_48, %mul3A_47 : i32
    %get3A_50 = arith.index_cast %add3A_49 : i32 to index
    %get3A_51 = arith.constant 0 : index
    %get3A_52 = tpu.vector_load %arg10[%get3A_50, %get3A_51] {strides = array<i32>} : memref<125x80xi32, #tpu.memory_space<vmem>>, vector<16xi32>,
    %and3A = arith.constant 65535 : i32
    %and3A_53 = vector.broadcast %and3A : i32 to vector<16xi32>
    %and3A_54 = arith.andi %get3A_52, %and3A_53 : vector<16xi32>
    %shift_right_arithmetic3A = arith.constant 16 : i32
    %shift_right_arithmetic3A_55 = vector.broadcast %shift_right_arithmetic3A : i32 to vector<16xi32>
    %shift_right_arithmetic3A_56 = arith.shrsi %get3A_52, %shift_right_arithmetic3A_55 : vector<16xi32>
    %get3A_57 = arith.index_cast %add3A_49 : i32 to index
    %get3A_58 = arith.constant 0 : index
    %get3A_59 = tpu.vector_load %arg11[%get3A_57, %get3A_58] {strides = array<i32>} : memref<125x80xf32, #tpu.memory_space<vmem>>, vector<16xf32>,
    %sub3A = arith.subf %get3A_59, %get3A_37 : vector<16xf32>
    %mul3A_60 = arith.mulf %sub3A, %get3A_39 : vector<16xf32>
    %gather3A = tpu.vector_load_idx %arg9[%and3A_54] : memref<10000xf32, #tpu.memory_space<vmem>>[vector<16xi32>], vector<16xf32>,
    %gather3A_61 = tpu.vector_load_idx %arg9[%shift_right_arithmetic3A_56] : memref<10000xf32, #tpu.memory_space<vmem>>[vector<16xi32>], vector<16xf32>,
    %mul3A_62 = arith.mulf %gather3A, %mul3A_60 : vector<16xf32>
    %mul3A_63 = arith.mulf %mul3A_62, %gather3A_61 : vector<16xf32>
    %swap3A = arith.index_cast %add3A_49 : i32 to index
    %swap3A_64 = arith.constant 0 : index
    %swap3A_65 = tpu.vector_load %arg11[%swap3A, %swap3A_64] {strides = array<i32>} : memref<125x80xf32, #tpu.memory_space<vmem>>, vector<16xf32>,
    tpu.vector_store %arg11[%swap3A, %swap3A_64], %mul3A_63 {strides = array<i32>} : memref<125x80xf32, #tpu.memory_space<vmem>>, vector<16xf32>,
    %get3A_66 = arith.index_cast %add3A_49 : i32 to index
    %get3A_67 = arith.constant 16 : index
    %get3A_68 = tpu.vector_load %arg10[%get3A_66, %get3A_67] {strides = array<i32>} : memref<125x80xi32, #tpu.memory_space<vmem>>, vector<16xi32>,
    %and3A_69 = arith.constant 65535 : i32
    %and3A_70 = vector.broadcast %and3A_69 : i32 to vector<16xi32>
    %and3A_71 = arith.andi %get3A_68, %and3A_70 : vector<16xi32>
    %shift_right_arithmetic3A_72 = arith.constant 16 : i32
    %shift_right_arithmetic3A_73 = vector.broadcast %shift_right_arithmetic3A_72 : i32 to vector<16xi32>
    %shift_right_arithmetic3A_74 = arith.shrsi %get3A_68, %shift_right_arithmetic3A_73 : vector<16xi32>
    %get3A_75 = arith.index_cast %add3A_49 : i32 to index
    %get3A_76 = arith.constant 16 : index
    %get3A_77 = tpu.vector_load %arg11[%get3A_75, %get3A_76] {strides = array<i32>} : memref<125x80xf32, #tpu.memory_space<vmem>>, vector<16xf32>,
    %sub3A_78 = arith.subf %get3A_77, %get3A_37 : vector<16xf32>
    %mul3A_79 = arith.mulf %sub3A_78, %get3A_39 : vector<16xf32>
    %gather3A_80 = tpu.vector_load_idx %arg9[%and3A_71] : memref<10000xf32, #tpu.memory_space<vmem>>[vector<16xi32>], vector<16xf32>,
    %gather3A_81 = tpu.vector_load_idx %arg9[%shift_right_arithmetic3A_74] : memref<10000xf32, #tpu.memory_space<vmem>>[vector<16xi32>], vector<16xf32>,
    %mul3A_82 = arith.mulf %gather3A_80, %mul3A_79 : vector<16xf32>
    %mul3A_83 = arith.mulf %mul3A_82, %gather3A_81 : vector<16xf32>
    %swap3A_84 = arith.index_cast %add3A_49 : i32 to index
    %swap3A_85 = arith.constant 16 : index
    %swap3A_86 = tpu.vector_load %arg11[%swap3A_84, %swap3A_85] {strides = array<i32>} : memref<125x80xf32, #tpu.memory_space<vmem>>, vector<16xf32>,
    tpu.vector_store %arg11[%swap3A_84, %swap3A_85], %mul3A_83 {strides = array<i32>} : memref<125x80xf32, #tpu.memory_space<vmem>>, vector<16xf32>,
    %get3A_87 = arith.index_cast %add3A_49 : i32 to index
    %get3A_88 = arith.constant 32 : index
    %get3A_89 = tpu.vector_load %arg10[%get3A_87, %get3A_88] {strides = array<i32>} : memref<125x80xi32, #tpu.memory_space<vmem>>, vector<16xi32>,
    %and3A_90 = arith.constant 65535 : i32
    %and3A_91 = vector.broadcast %and3A_90 : i32 to vector<16xi32>
    %and3A_92 = arith.andi %get3A_89, %and3A_91 : vector<16xi32>
    %shift_right_arithmetic3A_93 = arith.constant 16 : i32
    %shift_right_arithmetic3A_94 = vector.broadcast %shift_right_arithmetic3A_93 : i32 to vector<16xi32>
    %shift_right_arithmetic3A_95 = arith.shrsi %get3A_89, %shift_right_arithmetic3A_94 : vector<16xi32>
    %get3A_96 = arith.index_cast %add3A_49 : i32 to index
    %get3A_97 = arith.constant 32 : index
    %get3A_98 = tpu.vector_load %arg11[%get3A_96, %get3A_97] {strides = array<i32>} : memref<125x80xf32, #tpu.memory_space<vmem>>, vector<16xf32>,
    %sub3A_99 = arith.subf %get3A_98, %get3A_37 : vector<16xf32>
    %mul3A_100 = arith.mulf %sub3A_99, %get3A_39 : vector<16xf32>
    %gather3A_101 = tpu.vector_load_idx %arg9[%and3A_92] : memref<10000xf32, #tpu.memory_space<vmem>>[vector<16xi32>], vector<16xf32>,
    %gather3A_102 = tpu.vector_load_idx %arg9[%shift_right_arithmetic3A_95] : memref<10000xf32, #tpu.memory_space<vmem>>[vector<16xi32>], vector<16xf32>,
    %mul3A_103 = arith.mulf %gather3A_101, %mul3A_100 : vector<16xf32>
    %mul3A_104 = arith.mulf %mul3A_103, %gather3A_102 : vector<16xf32>
    %swap3A_105 = arith.index_cast %add3A_49 : i32 to index
    %swap3A_106 = arith.constant 32 : index
    %swap3A_107 = tpu.vector_load %arg11[%swap3A_105, %swap3A_106] {strides = array<i32>} : memref<125x80xf32, #tpu.memory_space<vmem>>, vector<16xf32>,
    tpu.vector_store %arg11[%swap3A_105, %swap3A_106], %mul3A_104 {strides = array<i32>} : memref<125x80xf32, #tpu.memory_space<vmem>>, vector<16xf32>,
    %get3A_108 = arith.index_cast %add3A_49 : i32 to index
    %get3A_109 = arith.constant 48 : index
    %get3A_110 = tpu.vector_load %arg10[%get3A_108, %get3A_109] {strides = array<i32>} : memref<125x80xi32, #tpu.memory_space<vmem>>, vector<16xi32>,
    %and3A_111 = arith.constant 65535 : i32
    %and3A_112 = vector.broadcast %and3A_111 : i32 to vector<16xi32>
    %and3A_113 = arith.andi %get3A_110, %and3A_112 : vector<16xi32>
    %shift_right_arithmetic3A_114 = arith.constant 16 : i32
    %shift_right_arithmetic3A_115 = vector.broadcast %shift_right_arithmetic3A_114 : i32 to vector<16xi32>
    %shift_right_arithmetic3A_116 = arith.shrsi %get3A_110, %shift_right_arithmetic3A_115 : vector<16xi32>
    %get3A_117 = arith.index_cast %add3A_49 : i32 to index
    %get3A_118 = arith.constant 48 : index
    %get3A_119 = tpu.vector_load %arg11[%get3A_117, %get3A_118] {strides = array<i32>} : memref<125x80xf32, #tpu.memory_space<vmem>>, vector<16xf32>,
    %sub3A_120 = arith.subf %get3A_119, %get3A_37 : vector<16xf32>
    %mul3A_121 = arith.mulf %sub3A_120, %get3A_39 : vector<16xf32>
    %gather3A_122 = tpu.vector_load_idx %arg9[%and3A_113] : memref<10000xf32, #tpu.memory_space<vmem>>[vector<16xi32>], vector<16xf32>,
    %gather3A_123 = tpu.vector_load_idx %arg9[%shift_right_arithmetic3A_116] : memref<10000xf32, #tpu.memory_space<vmem>>[vector<16xi32>], vector<16xf32>,
    %mul3A_124 = arith.mulf %gather3A_122, %mul3A_121 : vector<16xf32>
    %mul3A_125 = arith.mulf %mul3A_124, %gather3A_123 : vector<16xf32>
    %swap3A_126 = arith.index_cast %add3A_49 : i32 to index
    %swap3A_127 = arith.constant 48 : index
    %swap3A_128 = tpu.vector_load %arg11[%swap3A_126, %swap3A_127] {strides = array<i32>} : memref<125x80xf32, #tpu.memory_space<vmem>>, vector<16xf32>,
    tpu.vector_store %arg11[%swap3A_126, %swap3A_127], %mul3A_125 {strides = array<i32>} : memref<125x80xf32, #tpu.memory_space<vmem>>, vector<16xf32>,
    %get3A_129 = arith.index_cast %add3A_49 : i32 to index
    %get3A_130 = arith.constant 64 : index
    %get3A_131 = tpu.vector_load %arg10[%get3A_129, %get3A_130] {strides = array<i32>} : memref<125x80xi32, #tpu.memory_space<vmem>>, vector<16xi32>,
    %and3A_132 = arith.constant 65535 : i32
    %and3A_133 = vector.broadcast %and3A_132 : i32 to vector<16xi32>
    %and3A_134 = arith.andi %get3A_131, %and3A_133 : vector<16xi32>
    %shift_right_arithmetic3A_135 = arith.constant 16 : i32
    %shift_right_arithmetic3A_136 = vector.broadcast %shift_right_arithmetic3A_135 : i32 to vector<16xi32>
    %shift_right_arithmetic3A_137 = arith.shrsi %get3A_131, %shift_right_arithmetic3A_136 : vector<16xi32>
    %get3A_138 = arith.index_cast %add3A_49 : i32 to index
    %get3A_139 = arith.constant 64 : index
    %get3A_140 = tpu.vector_load %arg11[%get3A_138, %get3A_139] {strides = array<i32>} : memref<125x80xf32, #tpu.memory_space<vmem>>, vector<16xf32>,
    %sub3A_141 = arith.subf %get3A_140, %get3A_37 : vector<16xf32>
    %mul3A_142 = arith.mulf %sub3A_141, %get3A_39 : vector<16xf32>
    %gather3A_143 = tpu.vector_load_idx %arg9[%and3A_134] : memref<10000xf32, #tpu.memory_space<vmem>>[vector<16xi32>], vector<16xf32>,
    %gather3A_144 = tpu.vector_load_idx %arg9[%shift_right_arithmetic3A_137] : memref<10000xf32, #tpu.memory_space<vmem>>[vector<16xi32>], vector<16xf32>,
    %mul3A_145 = arith.mulf %gather3A_143, %mul3A_142 : vector<16xf32>
    %mul3A_146 = arith.mulf %mul3A_145, %gather3A_144 : vector<16xf32>
    %swap3A_147 = arith.index_cast %add3A_49 : i32 to index
    %swap3A_148 = arith.constant 64 : index
    %swap3A_149 = tpu.vector_load %arg11[%swap3A_147, %swap3A_148] {strides = array<i32>} : memref<125x80xf32, #tpu.memory_space<vmem>>, vector<16xf32>,
    tpu.vector_store %arg11[%swap3A_147, %swap3A_148], %mul3A_146 {strides = array<i32>} : memref<125x80xf32, #tpu.memory_space<vmem>>, vector<16xf32>,
    %scan3A_150 = arith.constant 125 : i32
    %get3A_151 = arith.constant 0 : i32
    %get3A_152 = arith.index_cast %get3A_151 : i32 to index
    %get3A_153 = arith.constant 0 : index
    %get3A_154 = tpu.vector_load %arg10[%get3A_152, %get3A_153] {strides = array<i32>} : memref<125x80xi32, #tpu.memory_space<vmem>>, vector<16xi32>,
    %and3A_155 = arith.constant 65535 : i32
    %and3A_156 = vector.broadcast %and3A_155 : i32 to vector<16xi32>
    %and3A_157 = arith.andi %get3A_154, %and3A_156 : vector<16xi32>
    %swap3A_158 = arith.constant 0 : index
    %swap3A_159 = tpu.vector_load %arg14[%swap3A_158] {strides = array<i32>} : memref<80xi32, #tpu.memory_space<vmem>>, vector<16xi32>,
    tpu.vector_store %arg14[%swap3A_158], %and3A_157 {strides = array<i32>} : memref<80xi32, #tpu.memory_space<vmem>>, vector<16xi32>,
    %shift_right_arithmetic3A_160 = arith.constant 16 : i32
    %shift_right_arithmetic3A_161 = vector.broadcast %shift_right_arithmetic3A_160 : i32 to vector<16xi32>
    %shift_right_arithmetic3A_162 = arith.shrsi %get3A_154, %shift_right_arithmetic3A_161 : vector<16xi32>
    %swap3A_163 = arith.constant 0 : index
    %swap3A_164 = tpu.vector_load %arg15[%swap3A_163] {strides = array<i32>} : memref<80xi32, #tpu.memory_space<vmem>>, vector<16xi32>,
    tpu.vector_store %arg15[%swap3A_163], %shift_right_arithmetic3A_162 {strides = array<i32>} : memref<80xi32, #tpu.memory_space<vmem>>, vector<16xi32>,
    %get3A_165 = arith.constant 0 : i32
    %get3A_166 = arith.index_cast %get3A_165 : i32 to index
    %get3A_167 = arith.constant 16 : index
    %get3A_168 = tpu.vector_load %arg10[%get3A_166, %get3A_167] {strides = array<i32>} : memref<125x80xi32, #tpu.memory_space<vmem>>, vector<16xi32>,
    %and3A_169 = arith.constant 65535 : i32
    %and3A_170 = vector.broadcast %and3A_169 : i32 to vector<16xi32>
    %and3A_171 = arith.andi %get3A_168, %and3A_170 : vector<16xi32>
    %swap3A_172 = arith.constant 16 : index
    %swap3A_173 = tpu.vector_load %arg14[%swap3A_172] {strides = array<i32>} : memref<80xi32, #tpu.memory_space<vmem>>, vector<16xi32>,
    tpu.vector_store %arg14[%swap3A_172], %and3A_171 {strides = array<i32>} : memref<80xi32, #tpu.memory_space<vmem>>, vector<16xi32>,
    %shift_right_arithmetic3A_174 = arith.constant 16 : i32
    %shift_right_arithmetic3A_175 = vector.broadcast %shift_right_arithmetic3A_174 : i32 to vector<16xi32>
    %shift_right_arithmetic3A_176 = arith.shrsi %get3A_168, %shift_right_arithmetic3A_175 : vector<16xi32>
    %swap3A_177 = arith.constant 16 : index
    %swap3A_178 = tpu.vector_load %arg15[%swap3A_177] {strides = array<i32>} : memref<80xi32, #tpu.memory_space<vmem>>, vector<16xi32>,
    tpu.vector_store %arg15[%swap3A_177], %shift_right_arithmetic3A_176 {strides = array<i32>} : memref<80xi32, #tpu.memory_space<vmem>>, vector<16xi32>,
    %get3A_179 = arith.constant 0 : i32
    %get3A_180 = arith.index_cast %get3A_179 : i32 to index
    %get3A_181 = arith.constant 32 : index
    %get3A_182 = tpu.vector_load %arg10[%get3A_180, %get3A_181] {strides = array<i32>} : memref<125x80xi32, #tpu.memory_space<vmem>>, vector<16xi32>,
    %and3A_183 = arith.constant 65535 : i32
    %and3A_184 = vector.broadcast %and3A_183 : i32 to vector<16xi32>
    %and3A_185 = arith.andi %get3A_182, %and3A_184 : vector<16xi32>
    %swap3A_186 = arith.constant 32 : index
    %swap3A_187 = tpu.vector_load %arg14[%swap3A_186] {strides = array<i32>} : memref<80xi32, #tpu.memory_space<vmem>>, vector<16xi32>,
    tpu.vector_store %arg14[%swap3A_186], %and3A_185 {strides = array<i32>} : memref<80xi32, #tpu.memory_space<vmem>>, vector<16xi32>,
    %shift_right_arithmetic3A_188 = arith.constant 16 : i32
    %shift_right_arithmetic3A_189 = vector.broadcast %shift_right_arithmetic3A_188 : i32 to vector<16xi32>
    %shift_right_arithmetic3A_190 = arith.shrsi %get3A_182, %shift_right_arithmetic3A_189 : vector<16xi32>
    %swap3A_191 = arith.constant 32 : index
    %swap3A_192 = tpu.vector_load %arg15[%swap3A_191] {strides = array<i32>} : memref<80xi32, #tpu.memory_space<vmem>>, vector<16xi32>,
    tpu.vector_store %arg15[%swap3A_191], %shift_right_arithmetic3A_190 {strides = array<i32>} : memref<80xi32, #tpu.memory_space<vmem>>, vector<16xi32>,
    %get3A_193 = arith.constant 0 : i32
    %get3A_194 = arith.index_cast %get3A_193 : i32 to index
    %get3A_195 = arith.constant 48 : index
    %get3A_196 = tpu.vector_load %arg10[%get3A_194, %get3A_195] {strides = array<i32>} : memref<125x80xi32, #tpu.memory_space<vmem>>, vector<16xi32>,
    %and3A_197 = arith.constant 65535 : i32
    %and3A_198 = vector.broadcast %and3A_197 : i32 to vector<16xi32>
    %and3A_199 = arith.andi %get3A_196, %and3A_198 : vector<16xi32>
    %swap3A_200 = arith.constant 48 : index
    %swap3A_201 = tpu.vector_load %arg14[%swap3A_200] {strides = array<i32>} : memref<80xi32, #tpu.memory_space<vmem>>, vector<16xi32>,
    tpu.vector_store %arg14[%swap3A_200], %and3A_199 {strides = array<i32>} : memref<80xi32, #tpu.memory_space<vmem>>, vector<16xi32>,
    %shift_right_arithmetic3A_202 = arith.constant 16 : i32
    %shift_right_arithmetic3A_203 = vector.broadcast %shift_right_arithmetic3A_202 : i32 to vector<16xi32>
    %shift_right_arithmetic3A_204 = arith.shrsi %get3A_196, %shift_right_arithmetic3A_203 : vector<16xi32>
    %swap3A_205 = arith.constant 48 : index
    %swap3A_206 = tpu.vector_load %arg15[%swap3A_205] {strides = array<i32>} : memref<80xi32, #tpu.memory_space<vmem>>, vector<16xi32>,
    tpu.vector_store %arg15[%swap3A_205], %shift_right_arithmetic3A_204 {strides = array<i32>} : memref<80xi32, #tpu.memory_space<vmem>>, vector<16xi32>,
    %get3A_207 = arith.constant 0 : i32
    %get3A_208 = arith.index_cast %get3A_207 : i32 to index
    %get3A_209 = arith.constant 64 : index
    %get3A_210 = tpu.vector_load %arg10[%get3A_208, %get3A_209] {strides = array<i32>} : memref<125x80xi32, #tpu.memory_space<vmem>>, vector<16xi32>,
    %and3A_211 = arith.constant 65535 : i32
    %and3A_212 = vector.broadcast %and3A_211 : i32 to vector<16xi32>
    %and3A_213 = arith.andi %get3A_210, %and3A_212 : vector<16xi32>
    %swap3A_214 = arith.constant 64 : index
    %swap3A_215 = tpu.vector_load %arg14[%swap3A_214] {strides = array<i32>} : memref<80xi32, #tpu.memory_space<vmem>>, vector<16xi32>,
    tpu.vector_store %arg14[%swap3A_214], %and3A_213 {strides = array<i32>} : memref<80xi32, #tpu.memory_space<vmem>>, vector<16xi32>,
    %shift_right_arithmetic3A_216 = arith.constant 16 : i32
    %shift_right_arithmetic3A_217 = vector.broadcast %shift_right_arithmetic3A_216 : i32 to vector<16xi32>
    %shift_right_arithmetic3A_218 = arith.shrsi %get3A_210, %shift_right_arithmetic3A_217 : vector<16xi32>
    %swap3A_219 = arith.constant 64 : index
    %swap3A_220 = tpu.vector_load %arg15[%swap3A_219] {strides = array<i32>} : memref<80xi32, #tpu.memory_space<vmem>>, vector<16xi32>,
    tpu.vector_store %arg15[%swap3A_219], %shift_right_arithmetic3A_218 {strides = array<i32>} : memref<80xi32, #tpu.memory_space<vmem>>, vector<16xi32>,
    %get3A_221 = arith.constant 1 : i32
    %get3A_222 = arith.index_cast %get3A_221 : i32 to index
    %get3A_223 = arith.constant 0 : index
    %get3A_224 = tpu.vector_load %arg10[%get3A_222, %get3A_223] {strides = array<i32>} : memref<125x80xi32, #tpu.memory_space<vmem>>, vector<16xi32>,
    %and3A_225 = arith.constant 65535 : i32
    %and3A_226 = vector.broadcast %and3A_225 : i32 to vector<16xi32>
    %and3A_227 = arith.andi %get3A_224, %and3A_226 : vector<16xi32>
    %swap3A_228 = arith.constant 0 : index
    %swap3A_229 = tpu.vector_load %arg16[%swap3A_228] {strides = array<i32>} : memref<80xi32, #tpu.memory_space<vmem>>, vector<16xi32>,
    tpu.vector_store %arg16[%swap3A_228], %and3A_227 {strides = array<i32>} : memref<80xi32, #tpu.memory_space<vmem>>, vector<16xi32>,
    %shift_right_arithmetic3A_230 = arith.constant 16 : i32
    %shift_right_arithmetic3A_231 = vector.broadcast %shift_right_arithmetic3A_230 : i32 to vector<16xi32>
    %shift_right_arithmetic3A_232 = arith.shrsi %get3A_224, %shift_right_arithmetic3A_231 : vector<16xi32>
    %swap3A_233 = arith.constant 0 : index
    %swap3A_234 = tpu.vector_load %arg17[%swap3A_233] {strides = array<i32>} : memref<80xi32, #tpu.memory_space<vmem>>, vector<16xi32>,
    tpu.vector_store %arg17[%swap3A_233], %shift_right_arithmetic3A_232 {strides = array<i32>} : memref<80xi32, #tpu.memory_space<vmem>>, vector<16xi32>,
    %get3A_235 = arith.constant 1 : i32
    %get3A_236 = arith.index_cast %get3A_235 : i32 to index
    %get3A_237 = arith.constant 16 : index
    %get3A_238 = tpu.vector_load %arg10[%get3A_236, %get3A_237] {strides = array<i32>} : memref<125x80xi32, #tpu.memory_space<vmem>>, vector<16xi32>,
    %and3A_239 = arith.constant 65535 : i32
    %and3A_240 = vector.broadcast %and3A_239 : i32 to vector<16xi32>
    %and3A_241 = arith.andi %get3A_238, %and3A_240 : vector<16xi32>
    %swap3A_242 = arith.constant 16 : index
    %swap3A_243 = tpu.vector_load %arg16[%swap3A_242] {strides = array<i32>} : memref<80xi32, #tpu.memory_space<vmem>>, vector<16xi32>,
    tpu.vector_store %arg16[%swap3A_242], %and3A_241 {strides = array<i32>} : memref<80xi32, #tpu.memory_space<vmem>>, vector<16xi32>,
    %shift_right_arithmetic3A_244 = arith.constant 16 : i32
    %shift_right_arithmetic3A_245 = vector.broadcast %shift_right_arithmetic3A_244 : i32 to vector<16xi32>
    %shift_right_arithmetic3A_246 = arith.shrsi %get3A_238, %shift_right_arithmetic3A_245 : vector<16xi32>
    %swap3A_247 = arith.constant 16 : index
    %swap3A_248 = tpu.vector_load %arg17[%swap3A_247] {strides = array<i32>} : memref<80xi32, #tpu.memory_space<vmem>>, vector<16xi32>,
    tpu.vector_store %arg17[%swap3A_247], %shift_right_arithmetic3A_246 {strides = array<i32>} : memref<80xi32, #tpu.memory_space<vmem>>, vector<16xi32>,
    %get3A_249 = arith.constant 1 : i32
    %get3A_250 = arith.index_cast %get3A_249 : i32 to index
    %get3A_251 = arith.constant 32 : index
    %get3A_252 = tpu.vector_load %arg10[%get3A_250, %get3A_251] {strides = array<i32>} : memref<125x80xi32, #tpu.memory_space<vmem>>, vector<16xi32>,
    %and3A_253 = arith.constant 65535 : i32
    %and3A_254 = vector.broadcast %and3A_253 : i32 to vector<16xi32>
    %and3A_255 = arith.andi %get3A_252, %and3A_254 : vector<16xi32>
    %swap3A_256 = arith.constant 32 : index
    %swap3A_257 = tpu.vector_load %arg16[%swap3A_256] {strides = array<i32>} : memref<80xi32, #tpu.memory_space<vmem>>, vector<16xi32>,
    tpu.vector_store %arg16[%swap3A_256], %and3A_255 {strides = array<i32>} : memref<80xi32, #tpu.memory_space<vmem>>, vector<16xi32>,
    %shift_right_arithmetic3A_258 = arith.constant 16 : i32
    %shift_right_arithmetic3A_259 = vector.broadcast %shift_right_arithmetic3A_258 : i32 to vector<16xi32>
    %shift_right_arithmetic3A_260 = arith.shrsi %get3A_252, %shift_right_arithmetic3A_259 : vector<16xi32>
    %swap3A_261 = arith.constant 32 : index
    %swap3A_262 = tpu.vector_load %arg17[%swap3A_261] {strides = array<i32>} : memref<80xi32, #tpu.memory_space<vmem>>, vector<16xi32>,
    tpu.vector_store %arg17[%swap3A_261], %shift_right_arithmetic3A_260 {strides = array<i32>} : memref<80xi32, #tpu.memory_space<vmem>>, vector<16xi32>,
    %get3A_263 = arith.constant 1 : i32
    %get3A_264 = arith.index_cast %get3A_263 : i32 to index
    %get3A_265 = arith.constant 48 : index
    %get3A_266 = tpu.vector_load %arg10[%get3A_264, %get3A_265] {strides = array<i32>} : memref<125x80xi32, #tpu.memory_space<vmem>>, vector<16xi32>,
    %and3A_267 = arith.constant 65535 : i32
    %and3A_268 = vector.broadcast %and3A_267 : i32 to vector<16xi32>
    %and3A_269 = arith.andi %get3A_266, %and3A_268 : vector<16xi32>
    %swap3A_270 = arith.constant 48 : index
    %swap3A_271 = tpu.vector_load %arg16[%swap3A_270] {strides = array<i32>} : memref<80xi32, #tpu.memory_space<vmem>>, vector<16xi32>,
    tpu.vector_store %arg16[%swap3A_270], %and3A_269 {strides = array<i32>} : memref<80xi32, #tpu.memory_space<vmem>>, vector<16xi32>,
    %shift_right_arithmetic3A_272 = arith.constant 16 : i32
    %shift_right_arithmetic3A_273 = vector.broadcast %shift_right_arithmetic3A_272 : i32 to vector<16xi32>
    %shift_right_arithmetic3A_274 = arith.shrsi %get3A_266, %shift_right_arithmetic3A_273 : vector<16xi32>
    %swap3A_275 = arith.constant 48 : index
    %swap3A_276 = tpu.vector_load %arg17[%swap3A_275] {strides = array<i32>} : memref<80xi32, #tpu.memory_space<vmem>>, vector<16xi32>,
    tpu.vector_store %arg17[%swap3A_275], %shift_right_arithmetic3A_274 {strides = array<i32>} : memref<80xi32, #tpu.memory_space<vmem>>, vector<16xi32>,
    %get3A_277 = arith.constant 1 : i32
    %get3A_278 = arith.index_cast %get3A_277 : i32 to index
    %get3A_279 = arith.constant 64 : index
    %get3A_280 = tpu.vector_load %arg10[%get3A_278, %get3A_279] {strides = array<i32>} : memref<125x80xi32, #tpu.memory_space<vmem>>, vector<16xi32>,
    %and3A_281 = arith.constant 65535 : i32
    %and3A_282 = vector.broadcast %and3A_281 : i32 to vector<16xi32>
    %and3A_283 = arith.andi %get3A_280, %and3A_282 : vector<16xi32>
    %swap3A_284 = arith.constant 64 : index
    %swap3A_285 = tpu.vector_load %arg16[%swap3A_284] {strides = array<i32>} : memref<80xi32, #tpu.memory_space<vmem>>, vector<16xi32>,
    tpu.vector_store %arg16[%swap3A_284], %and3A_283 {strides = array<i32>} : memref<80xi32, #tpu.memory_space<vmem>>, vector<16xi32>,
    %shift_right_arithmetic3A_286 = arith.constant 16 : i32
    %shift_right_arithmetic3A_287 = vector.broadcast %shift_right_arithmetic3A_286 : i32 to vector<16xi32>
    %shift_right_arithmetic3A_288 = arith.shrsi %get3A_280, %shift_right_arithmetic3A_287 : vector<16xi32>
    %swap3A_289 = arith.constant 64 : index
    %swap3A_290 = tpu.vector_load %arg17[%swap3A_289] {strides = array<i32>} : memref<80xi32, #tpu.memory_space<vmem>>, vector<16xi32>,
    tpu.vector_store %arg17[%swap3A_289], %shift_right_arithmetic3A_288 {strides = array<i32>} : memref<80xi32, #tpu.memory_space<vmem>>, vector<16xi32>,
    %dma_start3A = arith.constant 0 : i32
    %dma_start3A_291 = arith.constant 0 : i32
    %dma_start3A_292 = tpu.memref_slice %arg2[%dma_start3A, %dma_start3A_291] : memref<10000x128xf32, #tpu.memory_space<hbm>> -> memref<10000x128xf32, #tpu.memory_space<hbm>>
    tpu.enqueue_indirect_dma source(%dma_start3A_292 : memref<10000x128xf32, #tpu.memory_space<hbm>>) target(%arg12 : memref<80x128xf32, #tpu.memory_space<vmem>>) offsets(%arg14 : memref<80xi32, #tpu.memory_space<vmem>>) semaphore(%arg21 : memref<!tpu.dma_semaphore, #tpu.memory_space<semaphore_mem>>)
    %dma_start3A_293 = arith.constant 0 : i32
    %dma_start3A_294 = arith.constant 0 : i32
    %dma_start3A_295 = tpu.memref_slice %arg2[%dma_start3A_293, %dma_start3A_294] : memref<10000x128xf32, #tpu.memory_space<hbm>> -> memref<10000x128xf32, #tpu.memory_space<hbm>>
    tpu.enqueue_indirect_dma source(%dma_start3A_295 : memref<10000x128xf32, #tpu.memory_space<hbm>>) target(%arg13 : memref<80x128xf32, #tpu.memory_space<vmem>>) offsets(%arg16 : memref<80xi32, #tpu.memory_space<vmem>>) semaphore(%arg22 : memref<!tpu.dma_semaphore, #tpu.memory_space<semaphore_mem>>)
    %barrier3A = arith.constant 0 : index
    tpu.barrier barrier_id(%barrier3A)
    %scan3A_296 = arith.constant 0 : i32
    %scan3A_297 = arith.constant 62 : i32
    %scan3A_298 = arith.addi %scan3A_296, %scan3A_297 : i32
    %scan3A_299 = arith.constant 1 : i32
    scf.for %scan3A_319 = %scan3A_296 to %scan3A_298 step %scan3A_299  : i32 {
      %mul3A_320 = arith.constant 1 : i32
      %mul3A_321 = arith.muli %scan3A_319, %mul3A_320 : i32
      %add3A_322 = arith.constant 0 : i32
      %add3A_323 = arith.addi %add3A_322, %mul3A_321 : i32
      %mul3A_324 = arith.constant 2 : i32
      %mul3A_325 = arith.muli %mul3A_324, %add3A_323 : i32
      %mul3A_326 = arith.constant 2 : i32
      %mul3A_327 = arith.muli %mul3A_326, %add3A_323 : i32
      %add3A_328 = arith.constant 1 : i32
      %add3A_329 = arith.addi %mul3A_327, %add3A_328 : i32
      %dma_wait3A_330 = arith.constant 0 : i32
      %dma_wait3A_331 = arith.constant 0 : i32
      %dma_wait3A_332 = tpu.memref_slice %arg2[%dma_wait3A_330, %dma_wait3A_331] : memref<10000x128xf32, #tpu.memory_space<hbm>> -> memref<10000x128xf32, #tpu.memory_space<hbm>>
      tpu.wait_indirect_dma semaphore(%arg21 : memref<!tpu.dma_semaphore, #tpu.memory_space<semaphore_mem>>) src(%dma_wait3A_332 : memref<10000x128xf32, #tpu.memory_space<hbm>>) dst(%arg12 : memref<80x128xf32, #tpu.memory_space<vmem>>)
      %scan3A_333 = arith.constant 0 : i32
      %scan3A_334 = arith.constant 80 : i32
      %scan3A_335 = arith.addi %scan3A_333, %scan3A_334 : i32
      %scan3A_336 = arith.constant 2 : i32
      scf.for %scan3A_418 = %scan3A_333 to %scan3A_335 step %scan3A_336  : i32 {
        %mul3A_419 = arith.constant 1 : i32
        %mul3A_420 = arith.muli %scan3A_418, %mul3A_419 : i32
        %add3A_421 = arith.constant 0 : i32
        %add3A_422 = arith.addi %add3A_421, %mul3A_420 : i32
        %broadcast_in_dim3A = vector.broadcast %mul3A_325 : i32 to vector<16xi32>
        %broadcast_in_dim3A_423 = vector.broadcast %add3A_422 : i32 to vector<16xi32>
        %gather3A_424 = tpu.vector_load_idx %arg11[%broadcast_in_dim3A, %broadcast_in_dim3A_423] : memref<125x80xf32, #tpu.memory_space<vmem>>[vector<16xi32>, vector<16xi32>], vector<16xf32>,
        %get3A_425 = arith.index_cast %add3A_422 : i32 to index
        %get3A_426 = arith.constant 0 : index
        %get3A_427 = tpu.vector_load %arg12[%get3A_425, %get3A_426] {strides = array<i32>} : memref<80x128xf32, #tpu.memory_space<vmem>>, vector<16xf32>,
        %mul3A_428 = arith.mulf %get3A_427, %gather3A_424 : vector<16xf32>
        %swap3A_429 = arith.index_cast %add3A_422 : i32 to index
        %swap3A_430 = arith.constant 0 : index
        %swap3A_431 = tpu.vector_load %arg12[%swap3A_429, %swap3A_430] {strides = array<i32>} : memref<80x128xf32, #tpu.memory_space<vmem>>, vector<16xf32>,
        tpu.vector_store %arg12[%swap3A_429, %swap3A_430], %mul3A_428 {strides = array<i32>} : memref<80x128xf32, #tpu.memory_space<vmem>>, vector<16xf32>,
        %get3A_432 = arith.index_cast %add3A_422 : i32 to index
        %get3A_433 = arith.constant 16 : index
        %get3A_434 = tpu.vector_load %arg12[%get3A_432, %get3A_433] {strides = array<i32>} : memref<80x128xf32, #tpu.memory_space<vmem>>, vector<16xf32>,
        %mul3A_435 = arith.mulf %get3A_434, %gather3A_424 : vector<16xf32>
        %swap3A_436 = arith.index_cast %add3A_422 : i32 to index
        %swap3A_437 = arith.constant 16 : index
        %swap3A_438 = tpu.vector_load %arg12[%swap3A_436, %swap3A_437] {strides = array<i32>} : memref<80x128xf32, #tpu.memory_space<vmem>>, vector<16xf32>,
        tpu.vector_store %arg12[%swap3A_436, %swap3A_437], %mul3A_435 {strides = array<i32>} : memref<80x128xf32, #tpu.memory_space<vmem>>, vector<16xf32>,
        %get3A_439 = arith.index_cast %add3A_422 : i32 to index
        %get3A_440 = arith.constant 32 : index
        %get3A_441 = tpu.vector_load %arg12[%get3A_439, %get3A_440] {strides = array<i32>} : memref<80x128xf32, #tpu.memory_space<vmem>>, vector<16xf32>,
        %mul3A_442 = arith.mulf %get3A_441, %gather3A_424 : vector<16xf32>
        %swap3A_443 = arith.index_cast %add3A_422 : i32 to index
        %swap3A_444 = arith.constant 32 : index
        %swap3A_445 = tpu.vector_load %arg12[%swap3A_443, %swap3A_444] {strides = array<i32>} : memref<80x128xf32, #tpu.memory_space<vmem>>, vector<16xf32>,
        tpu.vector_store %arg12[%swap3A_443, %swap3A_444], %mul3A_442 {strides = array<i32>} : memref<80x128xf32, #tpu.memory_space<vmem>>, vector<16xf32>,
        %get3A_446 = arith.index_cast %add3A_422 : i32 to index
        %get3A_447 = arith.constant 48 : index
        %get3A_448 = tpu.vector_load %arg12[%get3A_446, %get3A_447] {strides = array<i32>} : memref<80x128xf32, #tpu.memory_space<vmem>>, vector<16xf32>,
        %mul3A_449 = arith.mulf %get3A_448, %gather3A_424 : vector<16xf32>
        %swap3A_450 = arith.index_cast %add3A_422 : i32 to index
        %swap3A_451 = arith.constant 48 : index
        %swap3A_452 = tpu.vector_load %arg12[%swap3A_450, %swap3A_451] {strides = array<i32>} : memref<80x128xf32, #tpu.memory_space<vmem>>, vector<16xf32>,
        tpu.vector_store %arg12[%swap3A_450, %swap3A_451], %mul3A_449 {strides = array<i32>} : memref<80x128xf32, #tpu.memory_space<vmem>>, vector<16xf32>,
        %get3A_453 = arith.index_cast %add3A_422 : i32 to index
        %get3A_454 = arith.constant 64 : index
        %get3A_455 = tpu.vector_load %arg12[%get3A_453, %get3A_454] {strides = array<i32>} : memref<80x128xf32, #tpu.memory_space<vmem>>, vector<16xf32>,
        %mul3A_456 = arith.mulf %get3A_455, %gather3A_424 : vector<16xf32>
        %swap3A_457 = arith.index_cast %add3A_422 : i32 to index
        %swap3A_458 = arith.constant 64 : index
        %swap3A_459 = tpu.vector_load %arg12[%swap3A_457, %swap3A_458] {strides = array<i32>} : memref<80x128xf32, #tpu.memory_space<vmem>>, vector<16xf32>,
        tpu.vector_store %arg12[%swap3A_457, %swap3A_458], %mul3A_456 {strides = array<i32>} : memref<80x128xf32, #tpu.memory_space<vmem>>, vector<16xf32>,
        %get3A_460 = arith.index_cast %add3A_422 : i32 to index
        %get3A_461 = arith.constant 80 : index
        %get3A_462 = tpu.vector_load %arg12[%get3A_460, %get3A_461] {strides = array<i32>} : memref<80x128xf32, #tpu.memory_space<vmem>>, vector<16xf32>,
        %mul3A_463 = arith.mulf %get3A_462, %gather3A_424 : vector<16xf32>
        %swap3A_464 = arith.index_cast %add3A_422 : i32 to index
        %swap3A_465 = arith.constant 80 : index
        %swap3A_466 = tpu.vector_load %arg12[%swap3A_464, %swap3A_465] {strides = array<i32>} : memref<80x128xf32, #tpu.memory_space<vmem>>, vector<16xf32>,
        tpu.vector_store %arg12[%swap3A_464, %swap3A_465], %mul3A_463 {strides = array<i32>} : memref<80x128xf32, #tpu.memory_space<vmem>>, vector<16xf32>,
        %get3A_467 = arith.index_cast %add3A_422 : i32 to index
        %get3A_468 = arith.constant 96 : index
        %get3A_469 = tpu.vector_load %arg12[%get3A_467, %get3A_468] {strides = array<i32>} : memref<80x128xf32, #tpu.memory_space<vmem>>, vector<16xf32>,
        %mul3A_470 = arith.mulf %get3A_469, %gather3A_424 : vector<16xf32>
        %swap3A_471 = arith.index_cast %add3A_422 : i32 to index
        %swap3A_472 = arith.constant 96 : index
        %swap3A_473 = tpu.vector_load %arg12[%swap3A_471, %swap3A_472] {strides = array<i32>} : memref<80x128xf32, #tpu.memory_space<vmem>>, vector<16xf32>,
        tpu.vector_store %arg12[%swap3A_471, %swap3A_472], %mul3A_470 {strides = array<i32>} : memref<80x128xf32, #tpu.memory_space<vmem>>, vector<16xf32>,
        %get3A_474 = arith.index_cast %add3A_422 : i32 to index
        %get3A_475 = arith.constant 112 : index
        %get3A_476 = tpu.vector_load %arg12[%get3A_474, %get3A_475] {strides = array<i32>} : memref<80x128xf32, #tpu.memory_space<vmem>>, vector<16xf32>,
        %mul3A_477 = arith.mulf %get3A_476, %gather3A_424 : vector<16xf32>
        %swap3A_478 = arith.index_cast %add3A_422 : i32 to index
        %swap3A_479 = arith.constant 112 : index
        %swap3A_480 = tpu.vector_load %arg12[%swap3A_478, %swap3A_479] {strides = array<i32>} : memref<80x128xf32, #tpu.memory_space<vmem>>, vector<16xf32>,
        tpu.vector_store %arg12[%swap3A_478, %swap3A_479], %mul3A_477 {strides = array<i32>} : memref<80x128xf32, #tpu.memory_space<vmem>>, vector<16xf32>,
        %scan3A_481 = arith.constant 1 : i32
        %scan3A_482 = arith.addi %scan3A_418, %scan3A_481 : i32
        %mul3A_483 = arith.constant 1 : i32
        %mul3A_484 = arith.muli %scan3A_482, %mul3A_483 : i32
        %add3A_485 = arith.constant 0 : i32
        %add3A_486 = arith.addi %add3A_485, %mul3A_484 : i32
        %broadcast_in_dim3A_487 = vector.broadcast %mul3A_325 : i32 to vector<16xi32>
        %broadcast_in_dim3A_488 = vector.broadcast %add3A_486 : i32 to vector<16xi32>
        %gather3A_489 = tpu.vector_load_idx %arg11[%broadcast_in_dim3A_487, %broadcast_in_dim3A_488] : memref<125x80xf32, #tpu.memory_space<vmem>>[vector<16xi32>, vector<16xi32>], vector<16xf32>,
        %get3A_490 = arith.index_cast %add3A_486 : i32 to index
        %get3A_491 = arith.constant 0 : index
        %get3A_492 = tpu.vector_load %arg12[%get3A_490, %get3A_491] {strides = array<i32>} : memref<80x128xf32, #tpu.memory_space<vmem>>, vector<16xf32>,
        %mul3A_493 = arith.mulf %get3A_492, %gather3A_489 : vector<16xf32>
        %swap3A_494 = arith.index_cast %add3A_486 : i32 to index
        %swap3A_495 = arith.constant 0 : index
        %swap3A_496 = tpu.vector_load %arg12[%swap3A_494, %swap3A_495] {strides = array<i32>} : memref<80x128xf32, #tpu.memory_space<vmem>>, vector<16xf32>,
        tpu.vector_store %arg12[%swap3A_494, %swap3A_495], %mul3A_493 {strides = array<i32>} : memref<80x128xf32, #tpu.memory_space<vmem>>, vector<16xf32>,
        %get3A_497 = arith.index_cast %add3A_486 : i32 to index
        %get3A_498 = arith.constant 16 : index
        %get3A_499 = tpu.vector_load %arg12[%get3A_497, %get3A_498] {strides = array<i32>} : memref<80x128xf32, #tpu.memory_space<vmem>>, vector<16xf32>,
        %mul3A_500 = arith.mulf %get3A_499, %gather3A_489 : vector<16xf32>
        %swap3A_501 = arith.index_cast %add3A_486 : i32 to index
        %swap3A_502 = arith.constant 16 : index
        %swap3A_503 = tpu.vector_load %arg12[%swap3A_501, %swap3A_502] {strides = array<i32>} : memref<80x128xf32, #tpu.memory_space<vmem>>, vector<16xf32>,
        tpu.vector_store %arg12[%swap3A_501, %swap3A_502], %mul3A_500 {strides = array<i32>} : memref<80x128xf32, #tpu.memory_space<vmem>>, vector<16xf32>,
        %get3A_504 = arith.index_cast %add3A_486 : i32 to index
        %get3A_505 = arith.constant 32 : index
        %get3A_506 = tpu.vector_load %arg12[%get3A_504, %get3A_505] {strides = array<i32>} : memref<80x128xf32, #tpu.memory_space<vmem>>, vector<16xf32>,
        %mul3A_507 = arith.mulf %get3A_506, %gather3A_489 : vector<16xf32>
        %swap3A_508 = arith.index_cast %add3A_486 : i32 to index
        %swap3A_509 = arith.constant 32 : index
        %swap3A_510 = tpu.vector_load %arg12[%swap3A_508, %swap3A_509] {strides = array<i32>} : memref<80x128xf32, #tpu.memory_space<vmem>>, vector<16xf32>,
        tpu.vector_store %arg12[%swap3A_508, %swap3A_509], %mul3A_507 {strides = array<i32>} : memref<80x128xf32, #tpu.memory_space<vmem>>, vector<16xf32>,
        %get3A_511 = arith.index_cast %add3A_486 : i32 to index
        %get3A_512 = arith.constant 48 : index
        %get3A_513 = tpu.vector_load %arg12[%get3A_511, %get3A_512] {strides = array<i32>} : memref<80x128xf32, #tpu.memory_space<vmem>>, vector<16xf32>,
        %mul3A_514 = arith.mulf %get3A_513, %gather3A_489 : vector<16xf32>
        %swap3A_515 = arith.index_cast %add3A_486 : i32 to index
        %swap3A_516 = arith.constant 48 : index
        %swap3A_517 = tpu.vector_load %arg12[%swap3A_515, %swap3A_516] {strides = array<i32>} : memref<80x128xf32, #tpu.memory_space<vmem>>, vector<16xf32>,
        tpu.vector_store %arg12[%swap3A_515, %swap3A_516], %mul3A_514 {strides = array<i32>} : memref<80x128xf32, #tpu.memory_space<vmem>>, vector<16xf32>,
        %get3A_518 = arith.index_cast %add3A_486 : i32 to index
        %get3A_519 = arith.constant 64 : index
        %get3A_520 = tpu.vector_load %arg12[%get3A_518, %get3A_519] {strides = array<i32>} : memref<80x128xf32, #tpu.memory_space<vmem>>, vector<16xf32>,
        %mul3A_521 = arith.mulf %get3A_520, %gather3A_489 : vector<16xf32>
        %swap3A_522 = arith.index_cast %add3A_486 : i32 to index
        %swap3A_523 = arith.constant 64 : index
        %swap3A_524 = tpu.vector_load %arg12[%swap3A_522, %swap3A_523] {strides = array<i32>} : memref<80x128xf32, #tpu.memory_space<vmem>>, vector<16xf32>,
        tpu.vector_store %arg12[%swap3A_522, %swap3A_523], %mul3A_521 {strides = array<i32>} : memref<80x128xf32, #tpu.memory_space<vmem>>, vector<16xf32>,
        %get3A_525 = arith.index_cast %add3A_486 : i32 to index
        %get3A_526 = arith.constant 80 : index
        %get3A_527 = tpu.vector_load %arg12[%get3A_525, %get3A_526] {strides = array<i32>} : memref<80x128xf32, #tpu.memory_space<vmem>>, vector<16xf32>,
        %mul3A_528 = arith.mulf %get3A_527, %gather3A_489 : vector<16xf32>
        %swap3A_529 = arith.index_cast %add3A_486 : i32 to index
        %swap3A_530 = arith.constant 80 : index
        %swap3A_531 = tpu.vector_load %arg12[%swap3A_529, %swap3A_530] {strides = array<i32>} : memref<80x128xf32, #tpu.memory_space<vmem>>, vector<16xf32>,
        tpu.vector_store %arg12[%swap3A_529, %swap3A_530], %mul3A_528 {strides = array<i32>} : memref<80x128xf32, #tpu.memory_space<vmem>>, vector<16xf32>,
        %get3A_532 = arith.index_cast %add3A_486 : i32 to index
        %get3A_533 = arith.constant 96 : index
        %get3A_534 = tpu.vector_load %arg12[%get3A_532, %get3A_533] {strides = array<i32>} : memref<80x128xf32, #tpu.memory_space<vmem>>, vector<16xf32>,
        %mul3A_535 = arith.mulf %get3A_534, %gather3A_489 : vector<16xf32>
        %swap3A_536 = arith.index_cast %add3A_486 : i32 to index
        %swap3A_537 = arith.constant 96 : index
        %swap3A_538 = tpu.vector_load %arg12[%swap3A_536, %swap3A_537] {strides = array<i32>} : memref<80x128xf32, #tpu.memory_space<vmem>>, vector<16xf32>,
        tpu.vector_store %arg12[%swap3A_536, %swap3A_537], %mul3A_535 {strides = array<i32>} : memref<80x128xf32, #tpu.memory_space<vmem>>, vector<16xf32>,
        %get3A_539 = arith.index_cast %add3A_486 : i32 to index
        %get3A_540 = arith.constant 112 : index
        %get3A_541 = tpu.vector_load %arg12[%get3A_539, %get3A_540] {strides = array<i32>} : memref<80x128xf32, #tpu.memory_space<vmem>>, vector<16xf32>,
        %mul3A_542 = arith.mulf %get3A_541, %gather3A_489 : vector<16xf32>
        %swap3A_543 = arith.index_cast %add3A_486 : i32 to index
        %swap3A_544 = arith.constant 112 : index
        %swap3A_545 = tpu.vector_load %arg12[%swap3A_543, %swap3A_544] {strides = array<i32>} : memref<80x128xf32, #tpu.memory_space<vmem>>, vector<16xf32>,
        tpu.vector_store %arg12[%swap3A_543, %swap3A_544], %mul3A_542 {strides = array<i32>} : memref<80x128xf32, #tpu.memory_space<vmem>>, vector<16xf32>,
      }
      %scan3A_337 = arith.constant 80 : i32
      %dma_wait3A_338 = arith.constant 0 : i32
      %dma_wait3A_339 = arith.constant 0 : i32
      %dma_wait3A_340 = tpu.memref_slice %arg2[%dma_wait3A_338, %dma_wait3A_339] : memref<10000x128xf32, #tpu.memory_space<hbm>> -> memref<10000x128xf32, #tpu.memory_space<hbm>>
      tpu.wait_indirect_dma semaphore(%arg22 : memref<!tpu.dma_semaphore, #tpu.memory_space<semaphore_mem>>) src(%dma_wait3A_340 : memref<10000x128xf32, #tpu.memory_space<hbm>>) dst(%arg13 : memref<80x128xf32, #tpu.memory_space<vmem>>)
      %scan3A_341 = arith.constant 0 : i32
      %scan3A_342 = arith.constant 80 : i32
      %scan3A_343 = arith.addi %scan3A_341, %scan3A_342 : i32
      %scan3A_344 = arith.constant 2 : i32
      scf.for %scan3A_418 = %scan3A_341 to %scan3A_343 step %scan3A_344  : i32 {
        %mul3A_419 = arith.constant 1 : i32
        %mul3A_420 = arith.muli %scan3A_418, %mul3A_419 : i32
        %add3A_421 = arith.constant 0 : i32
        %add3A_422 = arith.addi %add3A_421, %mul3A_420 : i32
        %broadcast_in_dim3A = vector.broadcast %add3A_329 : i32 to vector<16xi32>
        %broadcast_in_dim3A_423 = vector.broadcast %add3A_422 : i32 to vector<16xi32>
        %gather3A_424 = tpu.vector_load_idx %arg11[%broadcast_in_dim3A, %broadcast_in_dim3A_423] : memref<125x80xf32, #tpu.memory_space<vmem>>[vector<16xi32>, vector<16xi32>], vector<16xf32>,
        %get3A_425 = arith.index_cast %add3A_422 : i32 to index
        %get3A_426 = arith.constant 0 : index
        %get3A_427 = tpu.vector_load %arg13[%get3A_425, %get3A_426] {strides = array<i32>} : memref<80x128xf32, #tpu.memory_space<vmem>>, vector<16xf32>,
        %mul3A_428 = arith.mulf %get3A_427, %gather3A_424 : vector<16xf32>
        %swap3A_429 = arith.index_cast %add3A_422 : i32 to index
        %swap3A_430 = arith.constant 0 : index
        %swap3A_431 = tpu.vector_load %arg13[%swap3A_429, %swap3A_430] {strides = array<i32>} : memref<80x128xf32, #tpu.memory_space<vmem>>, vector<16xf32>,
        tpu.vector_store %arg13[%swap3A_429, %swap3A_430], %mul3A_428 {strides = array<i32>} : memref<80x128xf32, #tpu.memory_space<vmem>>, vector<16xf32>,
        %get3A_432 = arith.index_cast %add3A_422 : i32 to index
        %get3A_433 = arith.constant 16 : index
        %get3A_434 = tpu.vector_load %arg13[%get3A_432, %get3A_433] {strides = array<i32>} : memref<80x128xf32, #tpu.memory_space<vmem>>, vector<16xf32>,
        %mul3A_435 = arith.mulf %get3A_434, %gather3A_424 : vector<16xf32>
        %swap3A_436 = arith.index_cast %add3A_422 : i32 to index
        %swap3A_437 = arith.constant 16 : index
        %swap3A_438 = tpu.vector_load %arg13[%swap3A_436, %swap3A_437] {strides = array<i32>} : memref<80x128xf32, #tpu.memory_space<vmem>>, vector<16xf32>,
        tpu.vector_store %arg13[%swap3A_436, %swap3A_437], %mul3A_435 {strides = array<i32>} : memref<80x128xf32, #tpu.memory_space<vmem>>, vector<16xf32>,
        %get3A_439 = arith.index_cast %add3A_422 : i32 to index
        %get3A_440 = arith.constant 32 : index
        %get3A_441 = tpu.vector_load %arg13[%get3A_439, %get3A_440] {strides = array<i32>} : memref<80x128xf32, #tpu.memory_space<vmem>>, vector<16xf32>,
        %mul3A_442 = arith.mulf %get3A_441, %gather3A_424 : vector<16xf32>
        %swap3A_443 = arith.index_cast %add3A_422 : i32 to index
        %swap3A_444 = arith.constant 32 : index
        %swap3A_445 = tpu.vector_load %arg13[%swap3A_443, %swap3A_444] {strides = array<i32>} : memref<80x128xf32, #tpu.memory_space<vmem>>, vector<16xf32>,
        tpu.vector_store %arg13[%swap3A_443, %swap3A_444], %mul3A_442 {strides = array<i32>} : memref<80x128xf32, #tpu.memory_space<vmem>>, vector<16xf32>,
        %get3A_446 = arith.index_cast %add3A_422 : i32 to index
        %get3A_447 = arith.constant 48 : index
        %get3A_448 = tpu.vector_load %arg13[%get3A_446, %get3A_447] {strides = array<i32>} : memref<80x128xf32, #tpu.memory_space<vmem>>, vector<16xf32>,
        %mul3A_449 = arith.mulf %get3A_448, %gather3A_424 : vector<16xf32>
        %swap3A_450 = arith.index_cast %add3A_422 : i32 to index
        %swap3A_451 = arith.constant 48 : index
        %swap3A_452 = tpu.vector_load %arg13[%swap3A_450, %swap3A_451] {strides = array<i32>} : memref<80x128xf32, #tpu.memory_space<vmem>>, vector<16xf32>,
        tpu.vector_store %arg13[%swap3A_450, %swap3A_451], %mul3A_449 {strides = array<i32>} : memref<80x128xf32, #tpu.memory_space<vmem>>, vector<16xf32>,
        %get3A_453 = arith.index_cast %add3A_422 : i32 to index
        %get3A_454 = arith.constant 64 : index
        %get3A_455 = tpu.vector_load %arg13[%get3A_453, %get3A_454] {strides = array<i32>} : memref<80x128xf32, #tpu.memory_space<vmem>>, vector<16xf32>,
        %mul3A_456 = arith.mulf %get3A_455, %gather3A_424 : vector<16xf32>
        %swap3A_457 = arith.index_cast %add3A_422 : i32 to index
        %swap3A_458 = arith.constant 64 : index
        %swap3A_459 = tpu.vector_load %arg13[%swap3A_457, %swap3A_458] {strides = array<i32>} : memref<80x128xf32, #tpu.memory_space<vmem>>, vector<16xf32>,
        tpu.vector_store %arg13[%swap3A_457, %swap3A_458], %mul3A_456 {strides = array<i32>} : memref<80x128xf32, #tpu.memory_space<vmem>>, vector<16xf32>,
        %get3A_460 = arith.index_cast %add3A_422 : i32 to index
        %get3A_461 = arith.constant 80 : index
        %get3A_462 = tpu.vector_load %arg13[%get3A_460, %get3A_461] {strides = array<i32>} : memref<80x128xf32, #tpu.memory_space<vmem>>, vector<16xf32>,
        %mul3A_463 = arith.mulf %get3A_462, %gather3A_424 : vector<16xf32>
        %swap3A_464 = arith.index_cast %add3A_422 : i32 to index
        %swap3A_465 = arith.constant 80 : index
        %swap3A_466 = tpu.vector_load %arg13[%swap3A_464, %swap3A_465] {strides = array<i32>} : memref<80x128xf32, #tpu.memory_space<vmem>>, vector<16xf32>,
        tpu.vector_store %arg13[%swap3A_464, %swap3A_465], %mul3A_463 {strides = array<i32>} : memref<80x128xf32, #tpu.memory_space<vmem>>, vector<16xf32>,
        %get3A_467 = arith.index_cast %add3A_422 : i32 to index
        %get3A_468 = arith.constant 96 : index
        %get3A_469 = tpu.vector_load %arg13[%get3A_467, %get3A_468] {strides = array<i32>} : memref<80x128xf32, #tpu.memory_space<vmem>>, vector<16xf32>,
        %mul3A_470 = arith.mulf %get3A_469, %gather3A_424 : vector<16xf32>
        %swap3A_471 = arith.index_cast %add3A_422 : i32 to index
        %swap3A_472 = arith.constant 96 : index
        %swap3A_473 = tpu.vector_load %arg13[%swap3A_471, %swap3A_472] {strides = array<i32>} : memref<80x128xf32, #tpu.memory_space<vmem>>, vector<16xf32>,
        tpu.vector_store %arg13[%swap3A_471, %swap3A_472], %mul3A_470 {strides = array<i32>} : memref<80x128xf32, #tpu.memory_space<vmem>>, vector<16xf32>,
        %get3A_474 = arith.index_cast %add3A_422 : i32 to index
        %get3A_475 = arith.constant 112 : index
        %get3A_476 = tpu.vector_load %arg13[%get3A_474, %get3A_475] {strides = array<i32>} : memref<80x128xf32, #tpu.memory_space<vmem>>, vector<16xf32>,
        %mul3A_477 = arith.mulf %get3A_476, %gather3A_424 : vector<16xf32>
        %swap3A_478 = arith.index_cast %add3A_422 : i32 to index
        %swap3A_479 = arith.constant 112 : index
        %swap3A_480 = tpu.vector_load %arg13[%swap3A_478, %swap3A_479] {strides = array<i32>} : memref<80x128xf32, #tpu.memory_space<vmem>>, vector<16xf32>,
        tpu.vector_store %arg13[%swap3A_478, %swap3A_479], %mul3A_477 {strides = array<i32>} : memref<80x128xf32, #tpu.memory_space<vmem>>, vector<16xf32>,
        %scan3A_481 = arith.constant 1 : i32
        %scan3A_482 = arith.addi %scan3A_418, %scan3A_481 : i32
        %mul3A_483 = arith.constant 1 : i32
        %mul3A_484 = arith.muli %scan3A_482, %mul3A_483 : i32
        %add3A_485 = arith.constant 0 : i32
        %add3A_486 = arith.addi %add3A_485, %mul3A_484 : i32
        %broadcast_in_dim3A_487 = vector.broadcast %add3A_329 : i32 to vector<16xi32>
        %broadcast_in_dim3A_488 = vector.broadcast %add3A_486 : i32 to vector<16xi32>
        %gather3A_489 = tpu.vector_load_idx %arg11[%broadcast_in_dim3A_487, %broadcast_in_dim3A_488] : memref<125x80xf32, #tpu.memory_space<vmem>>[vector<16xi32>, vector<16xi32>], vector<16xf32>,
        %get3A_490 = arith.index_cast %add3A_486 : i32 to index
        %get3A_491 = arith.constant 0 : index
        %get3A_492 = tpu.vector_load %arg13[%get3A_490, %get3A_491] {strides = array<i32>} : memref<80x128xf32, #tpu.memory_space<vmem>>, vector<16xf32>,
        %mul3A_493 = arith.mulf %get3A_492, %gather3A_489 : vector<16xf32>
        %swap3A_494 = arith.index_cast %add3A_486 : i32 to index
        %swap3A_495 = arith.constant 0 : index
        %swap3A_496 = tpu.vector_load %arg13[%swap3A_494, %swap3A_495] {strides = array<i32>} : memref<80x128xf32, #tpu.memory_space<vmem>>, vector<16xf32>,
        tpu.vector_store %arg13[%swap3A_494, %swap3A_495], %mul3A_493 {strides = array<i32>} : memref<80x128xf32, #tpu.memory_space<vmem>>, vector<16xf32>,
        %get3A_497 = arith.index_cast %add3A_486 : i32 to index
        %get3A_498 = arith.constant 16 : index
        %get3A_499 = tpu.vector_load %arg13[%get3A_497, %get3A_498] {strides = array<i32>} : memref<80x128xf32, #tpu.memory_space<vmem>>, vector<16xf32>,
        %mul3A_500 = arith.mulf %get3A_499, %gather3A_489 : vector<16xf32>
        %swap3A_501 = arith.index_cast %add3A_486 : i32 to index
        %swap3A_502 = arith.constant 16 : index
        %swap3A_503 = tpu.vector_load %arg13[%swap3A_501, %swap3A_502] {strides = array<i32>} : memref<80x128xf32, #tpu.memory_space<vmem>>, vector<16xf32>,
        tpu.vector_store %arg13[%swap3A_501, %swap3A_502], %mul3A_500 {strides = array<i32>} : memref<80x128xf32, #tpu.memory_space<vmem>>, vector<16xf32>,
        %get3A_504 = arith.index_cast %add3A_486 : i32 to index
        %get3A_505 = arith.constant 32 : index
        %get3A_506 = tpu.vector_load %arg13[%get3A_504, %get3A_505] {strides = array<i32>} : memref<80x128xf32, #tpu.memory_space<vmem>>, vector<16xf32>,
        %mul3A_507 = arith.mulf %get3A_506, %gather3A_489 : vector<16xf32>
        %swap3A_508 = arith.index_cast %add3A_486 : i32 to index
        %swap3A_509 = arith.constant 32 : index
        %swap3A_510 = tpu.vector_load %arg13[%swap3A_508, %swap3A_509] {strides = array<i32>} : memref<80x128xf32, #tpu.memory_space<vmem>>, vector<16xf32>,
        tpu.vector_store %arg13[%swap3A_508, %swap3A_509], %mul3A_507 {strides = array<i32>} : memref<80x128xf32, #tpu.memory_space<vmem>>, vector<16xf32>,
        %get3A_511 = arith.index_cast %add3A_486 : i32 to index
        %get3A_512 = arith.constant 48 : index
        %get3A_513 = tpu.vector_load %arg13[%get3A_511, %get3A_512] {strides = array<i32>} : memref<80x128xf32, #tpu.memory_space<vmem>>, vector<16xf32>,
        %mul3A_514 = arith.mulf %get3A_513, %gather3A_489 : vector<16xf32>
        %swap3A_515 = arith.index_cast %add3A_486 : i32 to index
        %swap3A_516 = arith.constant 48 : index
        %swap3A_517 = tpu.vector_load %arg13[%swap3A_515, %swap3A_516] {strides = array<i32>} : memref<80x128xf32, #tpu.memory_space<vmem>>, vector<16xf32>,
        tpu.vector_store %arg13[%swap3A_515, %swap3A_516], %mul3A_514 {strides = array<i32>} : memref<80x128xf32, #tpu.memory_space<vmem>>, vector<16xf32>,
        %get3A_518 = arith.index_cast %add3A_486 : i32 to index
        %get3A_519 = arith.constant 64 : index
        %get3A_520 = tpu.vector_load %arg13[%get3A_518, %get3A_519] {strides = array<i32>} : memref<80x128xf32, #tpu.memory_space<vmem>>, vector<16xf32>,
        %mul3A_521 = arith.mulf %get3A_520, %gather3A_489 : vector<16xf32>
        %swap3A_522 = arith.index_cast %add3A_486 : i32 to index
        %swap3A_523 = arith.constant 64 : index
        %swap3A_524 = tpu.vector_load %arg13[%swap3A_522, %swap3A_523] {strides = array<i32>} : memref<80x128xf32, #tpu.memory_space<vmem>>, vector<16xf32>,
        tpu.vector_store %arg13[%swap3A_522, %swap3A_523], %mul3A_521 {strides = array<i32>} : memref<80x128xf32, #tpu.memory_space<vmem>>, vector<16xf32>,
        %get3A_525 = arith.index_cast %add3A_486 : i32 to index
        %get3A_526 = arith.constant 80 : index
        %get3A_527 = tpu.vector_load %arg13[%get3A_525, %get3A_526] {strides = array<i32>} : memref<80x128xf32, #tpu.memory_space<vmem>>, vector<16xf32>,
        %mul3A_528 = arith.mulf %get3A_527, %gather3A_489 : vector<16xf32>
        %swap3A_529 = arith.index_cast %add3A_486 : i32 to index
        %swap3A_530 = arith.constant 80 : index
        %swap3A_531 = tpu.vector_load %arg13[%swap3A_529, %swap3A_530] {strides = array<i32>} : memref<80x128xf32, #tpu.memory_space<vmem>>, vector<16xf32>,
        tpu.vector_store %arg13[%swap3A_529, %swap3A_530], %mul3A_528 {strides = array<i32>} : memref<80x128xf32, #tpu.memory_space<vmem>>, vector<16xf32>,
        %get3A_532 = arith.index_cast %add3A_486 : i32 to index
        %get3A_533 = arith.constant 96 : index
        %get3A_534 = tpu.vector_load %arg13[%get3A_532, %get3A_533] {strides = array<i32>} : memref<80x128xf32, #tpu.memory_space<vmem>>, vector<16xf32>,
        %mul3A_535 = arith.mulf %get3A_534, %gather3A_489 : vector<16xf32>
        %swap3A_536 = arith.index_cast %add3A_486 : i32 to index
        %swap3A_537 = arith.constant 96 : index
        %swap3A_538 = tpu.vector_load %arg13[%swap3A_536, %swap3A_537] {strides = array<i32>} : memref<80x128xf32, #tpu.memory_space<vmem>>, vector<16xf32>,
        tpu.vector_store %arg13[%swap3A_536, %swap3A_537], %mul3A_535 {strides = array<i32>} : memref<80x128xf32, #tpu.memory_space<vmem>>, vector<16xf32>,
        %get3A_539 = arith.index_cast %add3A_486 : i32 to index
        %get3A_540 = arith.constant 112 : index
        %get3A_541 = tpu.vector_load %arg13[%get3A_539, %get3A_540] {strides = array<i32>} : memref<80x128xf32, #tpu.memory_space<vmem>>, vector<16xf32>,
        %mul3A_542 = arith.mulf %get3A_541, %gather3A_489 : vector<16xf32>
        %swap3A_543 = arith.index_cast %add3A_486 : i32 to index
        %swap3A_544 = arith.constant 112 : index
        %swap3A_545 = tpu.vector_load %arg13[%swap3A_543, %swap3A_544] {strides = array<i32>} : memref<80x128xf32, #tpu.memory_space<vmem>>, vector<16xf32>,
        tpu.vector_store %arg13[%swap3A_543, %swap3A_544], %mul3A_542 {strides = array<i32>} : memref<80x128xf32, #tpu.memory_space<vmem>>, vector<16xf32>,
      }
      %scan3A_345 = arith.constant 80 : i32
      %add3A_346 = arith.constant 2 : i32
      %add3A_347 = arith.addi %mul3A_325, %add3A_346 : i32
      %get3A_348 = arith.index_cast %add3A_347 : i32 to index
      %get3A_349 = arith.constant 0 : index
      %get3A_350 = tpu.vector_load %arg10[%get3A_348, %get3A_349] {strides = array<i32>} : memref<125x80xi32, #tpu.memory_space<vmem>>, vector<16xi32>,
      %and3A_351 = arith.constant 65535 : i32
      %and3A_352 = vector.broadcast %and3A_351 : i32 to vector<16xi32>
      %and3A_353 = arith.andi %get3A_350, %and3A_352 : vector<16xi32>
      %swap3A_354 = arith.constant 0 : index
      %swap3A_355 = tpu.vector_load %arg14[%swap3A_354] {strides = array<i32>} : memref<80xi32, #tpu.memory_space<vmem>>, vector<16xi32>,
      tpu.vector_store %arg14[%swap3A_354], %and3A_353 {strides = array<i32>} : memref<80xi32, #tpu.memory_space<vmem>>, vector<16xi32>,
      %shift_right_arithmetic3A_356 = arith.constant 16 : i32
      %shift_right_arithmetic3A_357 = vector.broadcast %shift_right_arithmetic3A_356 : i32 to vector<16xi32>
      %shift_right_arithmetic3A_358 = arith.shrsi %get3A_350, %shift_right_arithmetic3A_357 : vector<16xi32>
      %swap3A_359 = arith.constant 0 : index
      %swap3A_360 = tpu.vector_load %arg15[%swap3A_359] {strides = array<i32>} : memref<80xi32, #tpu.memory_space<vmem>>, vector<16xi32>,
      tpu.vector_store %arg15[%swap3A_359], %shift_right_arithmetic3A_358 {strides = array<i32>} : memref<80xi32, #tpu.memory_space<vmem>>, vector<16xi32>,
      %get3A_361 = arith.index_cast %add3A_347 : i32 to index
      %get3A_362 = arith.constant 16 : index
      %get3A_363 = tpu.vector_load %arg10[%get3A_361, %get3A_362] {strides = array<i32>} : memref<125x80xi32, #tpu.memory_space<vmem>>, vector<16xi32>,
      %and3A_364 = arith.constant 65535 : i32
      %and3A_365 = vector.broadcast %and3A_364 : i32 to vector<16xi32>
      %and3A_366 = arith.andi %get3A_363, %and3A_365 : vector<16xi32>
      %swap3A_367 = arith.constant 16 : index
      %swap3A_368 = tpu.vector_load %arg14[%swap3A_367] {strides = array<i32>} : memref<80xi32, #tpu.memory_space<vmem>>, vector<16xi32>,
      tpu.vector_store %arg14[%swap3A_367], %and3A_366 {strides = array<i32>} : memref<80xi32, #tpu.memory_space<vmem>>, vector<16xi32>,
      %shift_right_arithmetic3A_369 = arith.constant 16 : i32
      %shift_right_arithmetic3A_370 = vector.broadcast %shift_right_arithmetic3A_369 : i32 to vector<16xi32>
      %shift_right_arithmetic3A_371 = arith.shrsi %get3A_363, %shift_right_arithmetic3A_370 : vector<16xi32>
      %swap3A_372 = arith.constant 16 : index
      %swap3A_373 = tpu.vector_load %arg15[%swap3A_372] {strides = array<i32>} : memref<80xi32, #tpu.memory_space<vmem>>, vector<16xi32>,
      tpu.vector_store %arg15[%swap3A_372], %shift_right_arithmetic3A_371 {strides = array<i32>} : memref<80xi32, #tpu.memory_space<vmem>>, vector<16xi32>,
      %get3A_374 = arith.index_cast %add3A_347 : i32 to index
      %get3A_375 = arith.constant 32 : index
      %get3A_376 = tpu.vector_load %arg10[%get3A_374, %get3A_375] {strides = array<i32>} : memref<125x80xi32, #tpu.memory_space<vmem>>, vector<16xi32>,
      %and3A_377 = arith.constant 65535 : i32
      %and3A_378 = vector.broadcast %and3A_377 : i32 to vector<16xi32>
      %and3A_379 = arith.andi %get3A_376, %and3A_378 : vector<16xi32>
      %swap3A_380 = arith.constant 32 : index
      %swap3A_381 = tpu.vector_load %arg14[%swap3A_380] {strides = array<i32>} : memref<80xi32, #tpu.memory_space<vmem>>, vector<16xi32>,
      tpu.vector_store %arg14[%swap3A_380], %and3A_379 {strides = array<i32>} : memref<80xi32, #tpu.memory_space<vmem>>, vector<16xi32>,
      %shift_right_arithmetic3A_382 = arith.constant 16 : i32
      %shift_right_arithmetic3A_383 = vector.broadcast %shift_right_arithmetic3A_382 : i32 to vector<16xi32>
      %shift_right_arithmetic3A_384 = arith.shrsi %get3A_376, %shift_right_arithmetic3A_383 : vector<16xi32>
      %swap3A_385 = arith.constant 32 : index
      %swap3A_386 = tpu.vector_load %arg15[%swap3A_385] {strides = array<i32>} : memref<80xi32, #tpu.memory_space<vmem>>, vector<16xi32>,
      tpu.vector_store %arg15[%swap3A_385], %shift_right_arithmetic3A_384 {strides = array<i32>} : memref<80xi32, #tpu.memory_space<vmem>>, vector<16xi32>,
      %get3A_387 = arith.index_cast %add3A_347 : i32 to index
      %get3A_388 = arith.constant 48 : index
      %get3A_389 = tpu.vector_load %arg10[%get3A_387, %get3A_388] {strides = array<i32>} : memref<125x80xi32, #tpu.memory_space<vmem>>, vector<16xi32>,
      %and3A_390 = arith.constant 65535 : i32
      %and3A_391 = vector.broadcast %and3A_390 : i32 to vector<16xi32>
      %and3A_392 = arith.andi %get3A_389, %and3A_391 : vector<16xi32>
      %swap3A_393 = arith.constant 48 : index
      %swap3A_394 = tpu.vector_load %arg14[%swap3A_393] {strides = array<i32>} : memref<80xi32, #tpu.memory_space<vmem>>, vector<16xi32>,
      tpu.vector_store %arg14[%swap3A_393], %and3A_392 {strides = array<i32>} : memref<80xi32, #tpu.memory_space<vmem>>, vector<16xi32>,
      %shift_right_arithmetic3A_395 = arith.constant 16 : i32
      %shift_right_arithmetic3A_396 = vector.broadcast %shift_right_arithmetic3A_395 : i32 to vector<16xi32>
      %shift_right_arithmetic3A_397 = arith.shrsi %get3A_389, %shift_right_arithmetic3A_396 : vector<16xi32>
      %swap3A_398 = arith.constant 48 : index
      %swap3A_399 = tpu.vector_load %arg15[%swap3A_398] {strides = array<i32>} : memref<80xi32, #tpu.memory_space<vmem>>, vector<16xi32>,
      tpu.vector_store %arg15[%swap3A_398], %shift_right_arithmetic3A_397 {strides = array<i32>} : memref<80xi32, #tpu.memory_space<vmem>>, vector<16xi32>,
      %get3A_400 = arith.index_cast %add3A_347 : i32 to index
      %get3A_401 = arith.constant 64 : index
      %get3A_402 = tpu.vector_load %arg10[%get3A_400, %get3A_401] {strides = array<i32>} : memref<125x80xi32, #tpu.memory_space<vmem>>, vector<16xi32>,
      %and3A_403 = arith.constant 65535 : i32
      %and3A_404 = vector.broadcast %and3A_403 : i32 to vector<16xi32>
      %and3A_405 = arith.andi %get3A_402, %and3A_404 : vector<16xi32>
      %swap3A_406 = arith.constant 64 : index
      %swap3A_407 = tpu.vector_load %arg14[%swap3A_406] {strides = array<i32>} : memref<80xi32, #tpu.memory_space<vmem>>, vector<16xi32>,
      tpu.vector_store %arg14[%swap3A_406], %and3A_405 {strides = array<i32>} : memref<80xi32, #tpu.memory_space<vmem>>, vector<16xi32>,
      %shift_right_arithmetic3A_408 = arith.constant 16 : i32
      %shift_right_arithmetic3A_409 = vector.broadcast %shift_right_arithmetic3A_408 : i32 to vector<16xi32>
      %shift_right_arithmetic3A_410 = arith.shrsi %get3A_402, %shift_right_arithmetic3A_409 : vector<16xi32>
      %swap3A_411 = arith.constant 64 : index
      %swap3A_412 = tpu.vector_load %arg15[%swap3A_411] {strides = array<i32>} : memref<80xi32, #tpu.memory_space<vmem>>, vector<16xi32>,
      tpu.vector_store %arg15[%swap3A_411], %shift_right_arithmetic3A_410 {strides = array<i32>} : memref<80xi32, #tpu.memory_space<vmem>>, vector<16xi32>,
      %dma_start3A_413 = arith.constant 0 : i32
      %dma_start3A_414 = arith.constant 0 : i32
      %dma_start3A_415 = tpu.memref_slice %arg2[%dma_start3A_413, %dma_start3A_414] : memref<10000x128xf32, #tpu.memory_space<hbm>> -> memref<10000x128xf32, #tpu.memory_space<hbm>>
      tpu.enqueue_indirect_dma source(%dma_start3A_415 : memref<10000x128xf32, #tpu.memory_space<hbm>>) target(%arg12 : memref<80x128xf32, #tpu.memory_space<vmem>>) offsets(%arg14 : memref<80xi32, #tpu.memory_space<vmem>>) semaphore(%arg21 : memref<!tpu.dma_semaphore, #tpu.memory_space<semaphore_mem>>)
      %lt3A = arith.constant 61 : i32
      %lt3A_416 = arith.cmpi slt, %add3A_323, %lt3A : i32
      %convert_element_type3A = arith.extui %lt3A_416 : i1 to i32
      %cond3A = arith.constant 0 : i32
      %cond3A_417 = arith.cmpi ne, %convert_element_type3A, %cond3A : i32
      scf.if %cond3A_417 {
        %add3A_418 = arith.constant 2 : i32
        %add3A_419 = arith.addi %add3A_329, %add3A_418 : i32
        %get3A_420 = arith.index_cast %add3A_419 : i32 to index
        %get3A_421 = arith.constant 0 : index
        %get3A_422 = tpu.vector_load %arg10[%get3A_420, %get3A_421] {strides = array<i32>} : memref<125x80xi32, #tpu.memory_space<vmem>>, vector<16xi32>,
        %and3A_423 = arith.constant 65535 : i32
        %and3A_424 = vector.broadcast %and3A_423 : i32 to vector<16xi32>
        %and3A_425 = arith.andi %get3A_422, %and3A_424 : vector<16xi32>
        %swap3A_426 = arith.constant 0 : index
        %swap3A_427 = tpu.vector_load %arg16[%swap3A_426] {strides = array<i32>} : memref<80xi32, #tpu.memory_space<vmem>>, vector<16xi32>,
        tpu.vector_store %arg16[%swap3A_426], %and3A_425 {strides = array<i32>} : memref<80xi32, #tpu.memory_space<vmem>>, vector<16xi32>,
        %shift_right_arithmetic3A_428 = arith.constant 16 : i32
        %shift_right_arithmetic3A_429 = vector.broadcast %shift_right_arithmetic3A_428 : i32 to vector<16xi32>
        %shift_right_arithmetic3A_430 = arith.shrsi %get3A_422, %shift_right_arithmetic3A_429 : vector<16xi32>
        %swap3A_431 = arith.constant 0 : index
        %swap3A_432 = tpu.vector_load %arg17[%swap3A_431] {strides = array<i32>} : memref<80xi32, #tpu.memory_space<vmem>>, vector<16xi32>,
        tpu.vector_store %arg17[%swap3A_431], %shift_right_arithmetic3A_430 {strides = array<i32>} : memref<80xi32, #tpu.memory_space<vmem>>, vector<16xi32>,
        %get3A_433 = arith.index_cast %add3A_419 : i32 to index
        %get3A_434 = arith.constant 16 : index
        %get3A_435 = tpu.vector_load %arg10[%get3A_433, %get3A_434] {strides = array<i32>} : memref<125x80xi32, #tpu.memory_space<vmem>>, vector<16xi32>,
        %and3A_436 = arith.constant 65535 : i32
        %and3A_437 = vector.broadcast %and3A_436 : i32 to vector<16xi32>
        %and3A_438 = arith.andi %get3A_435, %and3A_437 : vector<16xi32>
        %swap3A_439 = arith.constant 16 : index
        %swap3A_440 = tpu.vector_load %arg16[%swap3A_439] {strides = array<i32>} : memref<80xi32, #tpu.memory_space<vmem>>, vector<16xi32>,
        tpu.vector_store %arg16[%swap3A_439], %and3A_438 {strides = array<i32>} : memref<80xi32, #tpu.memory_space<vmem>>, vector<16xi32>,
        %shift_right_arithmetic3A_441 = arith.constant 16 : i32
        %shift_right_arithmetic3A_442 = vector.broadcast %shift_right_arithmetic3A_441 : i32 to vector<16xi32>
        %shift_right_arithmetic3A_443 = arith.shrsi %get3A_435, %shift_right_arithmetic3A_442 : vector<16xi32>
        %swap3A_444 = arith.constant 16 : index
        %swap3A_445 = tpu.vector_load %arg17[%swap3A_444] {strides = array<i32>} : memref<80xi32, #tpu.memory_space<vmem>>, vector<16xi32>,
        tpu.vector_store %arg17[%swap3A_444], %shift_right_arithmetic3A_443 {strides = array<i32>} : memref<80xi32, #tpu.memory_space<vmem>>, vector<16xi32>,
        %get3A_446 = arith.index_cast %add3A_419 : i32 to index
        %get3A_447 = arith.constant 32 : index
        %get3A_448 = tpu.vector_load %arg10[%get3A_446, %get3A_447] {strides = array<i32>} : memref<125x80xi32, #tpu.memory_space<vmem>>, vector<16xi32>,
        %and3A_449 = arith.constant 65535 : i32
        %and3A_450 = vector.broadcast %and3A_449 : i32 to vector<16xi32>
        %and3A_451 = arith.andi %get3A_448, %and3A_450 : vector<16xi32>
        %swap3A_452 = arith.constant 32 : index
        %swap3A_453 = tpu.vector_load %arg16[%swap3A_452] {strides = array<i32>} : memref<80xi32, #tpu.memory_space<vmem>>, vector<16xi32>,
        tpu.vector_store %arg16[%swap3A_452], %and3A_451 {strides = array<i32>} : memref<80xi32, #tpu.memory_space<vmem>>, vector<16xi32>,
        %shift_right_arithmetic3A_454 = arith.constant 16 : i32
        %shift_right_arithmetic3A_455 = vector.broadcast %shift_right_arithmetic3A_454 : i32 to vector<16xi32>
        %shift_right_arithmetic3A_456 = arith.shrsi %get3A_448, %shift_right_arithmetic3A_455 : vector<16xi32>
        %swap3A_457 = arith.constant 32 : index
        %swap3A_458 = tpu.vector_load %arg17[%swap3A_457] {strides = array<i32>} : memref<80xi32, #tpu.memory_space<vmem>>, vector<16xi32>,
        tpu.vector_store %arg17[%swap3A_457], %shift_right_arithmetic3A_456 {strides = array<i32>} : memref<80xi32, #tpu.memory_space<vmem>>, vector<16xi32>,
        %get3A_459 = arith.index_cast %add3A_419 : i32 to index
        %get3A_460 = arith.constant 48 : index
        %get3A_461 = tpu.vector_load %arg10[%get3A_459, %get3A_460] {strides = array<i32>} : memref<125x80xi32, #tpu.memory_space<vmem>>, vector<16xi32>,
        %and3A_462 = arith.constant 65535 : i32
        %and3A_463 = vector.broadcast %and3A_462 : i32 to vector<16xi32>
        %and3A_464 = arith.andi %get3A_461, %and3A_463 : vector<16xi32>
        %swap3A_465 = arith.constant 48 : index
        %swap3A_466 = tpu.vector_load %arg16[%swap3A_465] {strides = array<i32>} : memref<80xi32, #tpu.memory_space<vmem>>, vector<16xi32>,
        tpu.vector_store %arg16[%swap3A_465], %and3A_464 {strides = array<i32>} : memref<80xi32, #tpu.memory_space<vmem>>, vector<16xi32>,
        %shift_right_arithmetic3A_467 = arith.constant 16 : i32
        %shift_right_arithmetic3A_468 = vector.broadcast %shift_right_arithmetic3A_467 : i32 to vector<16xi32>
        %shift_right_arithmetic3A_469 = arith.shrsi %get3A_461, %shift_right_arithmetic3A_468 : vector<16xi32>
        %swap3A_470 = arith.constant 48 : index
        %swap3A_471 = tpu.vector_load %arg17[%swap3A_470] {strides = array<i32>} : memref<80xi32, #tpu.memory_space<vmem>>, vector<16xi32>,
        tpu.vector_store %arg17[%swap3A_470], %shift_right_arithmetic3A_469 {strides = array<i32>} : memref<80xi32, #tpu.memory_space<vmem>>, vector<16xi32>,
        %get3A_472 = arith.index_cast %add3A_419 : i32 to index
        %get3A_473 = arith.constant 64 : index
        %get3A_474 = tpu.vector_load %arg10[%get3A_472, %get3A_473] {strides = array<i32>} : memref<125x80xi32, #tpu.memory_space<vmem>>, vector<16xi32>,
        %and3A_475 = arith.constant 65535 : i32
        %and3A_476 = vector.broadcast %and3A_475 : i32 to vector<16xi32>
        %and3A_477 = arith.andi %get3A_474, %and3A_476 : vector<16xi32>
        %swap3A_478 = arith.constant 64 : index
        %swap3A_479 = tpu.vector_load %arg16[%swap3A_478] {strides = array<i32>} : memref<80xi32, #tpu.memory_space<vmem>>, vector<16xi32>,
        tpu.vector_store %arg16[%swap3A_478], %and3A_477 {strides = array<i32>} : memref<80xi32, #tpu.memory_space<vmem>>, vector<16xi32>,
        %shift_right_arithmetic3A_480 = arith.constant 16 : i32
        %shift_right_arithmetic3A_481 = vector.broadcast %shift_right_arithmetic3A_480 : i32 to vector<16xi32>
        %shift_right_arithmetic3A_482 = arith.shrsi %get3A_474, %shift_right_arithmetic3A_481 : vector<16xi32>
        %swap3A_483 = arith.constant 64 : index
        %swap3A_484 = tpu.vector_load %arg17[%swap3A_483] {strides = array<i32>} : memref<80xi32, #tpu.memory_space<vmem>>, vector<16xi32>,
        tpu.vector_store %arg17[%swap3A_483], %shift_right_arithmetic3A_482 {strides = array<i32>} : memref<80xi32, #tpu.memory_space<vmem>>, vector<16xi32>,
        %dma_start3A_485 = arith.constant 0 : i32
        %dma_start3A_486 = arith.constant 0 : i32
        %dma_start3A_487 = tpu.memref_slice %arg2[%dma_start3A_485, %dma_start3A_486] : memref<10000x128xf32, #tpu.memory_space<hbm>> -> memref<10000x128xf32, #tpu.memory_space<hbm>>
        tpu.enqueue_indirect_dma source(%dma_start3A_487 : memref<10000x128xf32, #tpu.memory_space<hbm>>) target(%arg13 : memref<80x128xf32, #tpu.memory_space<vmem>>) offsets(%arg16 : memref<80xi32, #tpu.memory_space<vmem>>) semaphore(%arg22 : memref<!tpu.dma_semaphore, #tpu.memory_space<semaphore_mem>>)
      } else {
      }
    }
    %scan3A_300 = arith.constant 62 : i32
    %dma_wait3A = arith.constant 0 : i32
    %dma_wait3A_301 = arith.constant 0 : i32
    %dma_wait3A_302 = tpu.memref_slice %arg2[%dma_wait3A, %dma_wait3A_301] : memref<10000x128xf32, #tpu.memory_space<hbm>> -> memref<10000x128xf32, #tpu.memory_space<hbm>>
    tpu.wait_indirect_dma semaphore(%arg21 : memref<!tpu.dma_semaphore, #tpu.memory_space<semaphore_mem>>) src(%dma_wait3A_302 : memref<10000x128xf32, #tpu.memory_space<hbm>>) dst(%arg12 : memref<80x128xf32, #tpu.memory_space<vmem>>)
    %scan3A_303 = arith.constant 0 : i32
    %scan3A_304 = arith.constant 80 : i32
    %scan3A_305 = arith.addi %scan3A_303, %scan3A_304 : i32
    %scan3A_306 = arith.constant 2 : i32
    scf.for %scan3A_319 = %scan3A_303 to %scan3A_305 step %scan3A_306  : i32 {
      %mul3A_320 = arith.constant 1 : i32
      %mul3A_321 = arith.muli %scan3A_319, %mul3A_320 : i32
      %add3A_322 = arith.constant 0 : i32
      %add3A_323 = arith.addi %add3A_322, %mul3A_321 : i32
      %broadcast_in_dim3A = arith.constant 124 : i32
      %broadcast_in_dim3A_324 = vector.broadcast %broadcast_in_dim3A : i32 to vector<16xi32>
      %broadcast_in_dim3A_325 = vector.broadcast %add3A_323 : i32 to vector<16xi32>
      %gather3A_326 = tpu.vector_load_idx %arg11[%broadcast_in_dim3A_324, %broadcast_in_dim3A_325] : memref<125x80xf32, #tpu.memory_space<vmem>>[vector<16xi32>, vector<16xi32>], vector<16xf32>,
      %get3A_327 = arith.index_cast %add3A_323 : i32 to index
      %get3A_328 = arith.constant 0 : index
      %get3A_329 = tpu.vector_load %arg12[%get3A_327, %get3A_328] {strides = array<i32>} : memref<80x128xf32, #tpu.memory_space<vmem>>, vector<16xf32>,
      %mul3A_330 = arith.mulf %get3A_329, %gather3A_326 : vector<16xf32>
      %swap3A_331 = arith.index_cast %add3A_323 : i32 to index
      %swap3A_332 = arith.constant 0 : index
      %swap3A_333 = tpu.vector_load %arg12[%swap3A_331, %swap3A_332] {strides = array<i32>} : memref<80x128xf32, #tpu.memory_space<vmem>>, vector<16xf32>,
      tpu.vector_store %arg12[%swap3A_331, %swap3A_332], %mul3A_330 {strides = array<i32>} : memref<80x128xf32, #tpu.memory_space<vmem>>, vector<16xf32>,
      %get3A_334 = arith.index_cast %add3A_323 : i32 to index
      %get3A_335 = arith.constant 16 : index
      %get3A_336 = tpu.vector_load %arg12[%get3A_334, %get3A_335] {strides = array<i32>} : memref<80x128xf32, #tpu.memory_space<vmem>>, vector<16xf32>,
      %mul3A_337 = arith.mulf %get3A_336, %gather3A_326 : vector<16xf32>
      %swap3A_338 = arith.index_cast %add3A_323 : i32 to index
      %swap3A_339 = arith.constant 16 : index
      %swap3A_340 = tpu.vector_load %arg12[%swap3A_338, %swap3A_339] {strides = array<i32>} : memref<80x128xf32, #tpu.memory_space<vmem>>, vector<16xf32>,
      tpu.vector_store %arg12[%swap3A_338, %swap3A_339], %mul3A_337 {strides = array<i32>} : memref<80x128xf32, #tpu.memory_space<vmem>>, vector<16xf32>,
      %get3A_341 = arith.index_cast %add3A_323 : i32 to index
      %get3A_342 = arith.constant 32 : index
      %get3A_343 = tpu.vector_load %arg12[%get3A_341, %get3A_342] {strides = array<i32>} : memref<80x128xf32, #tpu.memory_space<vmem>>, vector<16xf32>,
      %mul3A_344 = arith.mulf %get3A_343, %gather3A_326 : vector<16xf32>
      %swap3A_345 = arith.index_cast %add3A_323 : i32 to index
      %swap3A_346 = arith.constant 32 : index
      %swap3A_347 = tpu.vector_load %arg12[%swap3A_345, %swap3A_346] {strides = array<i32>} : memref<80x128xf32, #tpu.memory_space<vmem>>, vector<16xf32>,
      tpu.vector_store %arg12[%swap3A_345, %swap3A_346], %mul3A_344 {strides = array<i32>} : memref<80x128xf32, #tpu.memory_space<vmem>>, vector<16xf32>,
      %get3A_348 = arith.index_cast %add3A_323 : i32 to index
      %get3A_349 = arith.constant 48 : index
      %get3A_350 = tpu.vector_load %arg12[%get3A_348, %get3A_349] {strides = array<i32>} : memref<80x128xf32, #tpu.memory_space<vmem>>, vector<16xf32>,
      %mul3A_351 = arith.mulf %get3A_350, %gather3A_326 : vector<16xf32>
      %swap3A_352 = arith.index_cast %add3A_323 : i32 to index
      %swap3A_353 = arith.constant 48 : index
      %swap3A_354 = tpu.vector_load %arg12[%swap3A_352, %swap3A_353] {strides = array<i32>} : memref<80x128xf32, #tpu.memory_space<vmem>>, vector<16xf32>,
      tpu.vector_store %arg12[%swap3A_352, %swap3A_353], %mul3A_351 {strides = array<i32>} : memref<80x128xf32, #tpu.memory_space<vmem>>, vector<16xf32>,
      %get3A_355 = arith.index_cast %add3A_323 : i32 to index
      %get3A_356 = arith.constant 64 : index
      %get3A_357 = tpu.vector_load %arg12[%get3A_355, %get3A_356] {strides = array<i32>} : memref<80x128xf32, #tpu.memory_space<vmem>>, vector<16xf32>,
      %mul3A_358 = arith.mulf %get3A_357, %gather3A_326 : vector<16xf32>
      %swap3A_359 = arith.index_cast %add3A_323 : i32 to index
      %swap3A_360 = arith.constant 64 : index
      %swap3A_361 = tpu.vector_load %arg12[%swap3A_359, %swap3A_360] {strides = array<i32>} : memref<80x128xf32, #tpu.memory_space<vmem>>, vector<16xf32>,
      tpu.vector_store %arg12[%swap3A_359, %swap3A_360], %mul3A_358 {strides = array<i32>} : memref<80x128xf32, #tpu.memory_space<vmem>>, vector<16xf32>,
      %get3A_362 = arith.index_cast %add3A_323 : i32 to index
      %get3A_363 = arith.constant 80 : index
      %get3A_364 = tpu.vector_load %arg12[%get3A_362, %get3A_363] {strides = array<i32>} : memref<80x128xf32, #tpu.memory_space<vmem>>, vector<16xf32>,
      %mul3A_365 = arith.mulf %get3A_364, %gather3A_326 : vector<16xf32>
      %swap3A_366 = arith.index_cast %add3A_323 : i32 to index
      %swap3A_367 = arith.constant 80 : index
      %swap3A_368 = tpu.vector_load %arg12[%swap3A_366, %swap3A_367] {strides = array<i32>} : memref<80x128xf32, #tpu.memory_space<vmem>>, vector<16xf32>,
      tpu.vector_store %arg12[%swap3A_366, %swap3A_367], %mul3A_365 {strides = array<i32>} : memref<80x128xf32, #tpu.memory_space<vmem>>, vector<16xf32>,
      %get3A_369 = arith.index_cast %add3A_323 : i32 to index
      %get3A_370 = arith.constant 96 : index
      %get3A_371 = tpu.vector_load %arg12[%get3A_369, %get3A_370] {strides = array<i32>} : memref<80x128xf32, #tpu.memory_space<vmem>>, vector<16xf32>,
      %mul3A_372 = arith.mulf %get3A_371, %gather3A_326 : vector<16xf32>
      %swap3A_373 = arith.index_cast %add3A_323 : i32 to index
      %swap3A_374 = arith.constant 96 : index
      %swap3A_375 = tpu.vector_load %arg12[%swap3A_373, %swap3A_374] {strides = array<i32>} : memref<80x128xf32, #tpu.memory_space<vmem>>, vector<16xf32>,
      tpu.vector_store %arg12[%swap3A_373, %swap3A_374], %mul3A_372 {strides = array<i32>} : memref<80x128xf32, #tpu.memory_space<vmem>>, vector<16xf32>,
      %get3A_376 = arith.index_cast %add3A_323 : i32 to index
      %get3A_377 = arith.constant 112 : index
      %get3A_378 = tpu.vector_load %arg12[%get3A_376, %get3A_377] {strides = array<i32>} : memref<80x128xf32, #tpu.memory_space<vmem>>, vector<16xf32>,
      %mul3A_379 = arith.mulf %get3A_378, %gather3A_326 : vector<16xf32>
      %swap3A_380 = arith.index_cast %add3A_323 : i32 to index
      %swap3A_381 = arith.constant 112 : index
      %swap3A_382 = tpu.vector_load %arg12[%swap3A_380, %swap3A_381] {strides = array<i32>} : memref<80x128xf32, #tpu.memory_space<vmem>>, vector<16xf32>,
      tpu.vector_store %arg12[%swap3A_380, %swap3A_381], %mul3A_379 {strides = array<i32>} : memref<80x128xf32, #tpu.memory_space<vmem>>, vector<16xf32>,
      %scan3A_383 = arith.constant 1 : i32
      %scan3A_384 = arith.addi %scan3A_319, %scan3A_383 : i32
      %mul3A_385 = arith.constant 1 : i32
      %mul3A_386 = arith.muli %scan3A_384, %mul3A_385 : i32
      %add3A_387 = arith.constant 0 : i32
      %add3A_388 = arith.addi %add3A_387, %mul3A_386 : i32
      %broadcast_in_dim3A_389 = arith.constant 124 : i32
      %broadcast_in_dim3A_390 = vector.broadcast %broadcast_in_dim3A_389 : i32 to vector<16xi32>
      %broadcast_in_dim3A_391 = vector.broadcast %add3A_388 : i32 to vector<16xi32>
      %gather3A_392 = tpu.vector_load_idx %arg11[%broadcast_in_dim3A_390, %broadcast_in_dim3A_391] : memref<125x80xf32, #tpu.memory_space<vmem>>[vector<16xi32>, vector<16xi32>], vector<16xf32>,
      %get3A_393 = arith.index_cast %add3A_388 : i32 to index
      %get3A_394 = arith.constant 0 : index
      %get3A_395 = tpu.vector_load %arg12[%get3A_393, %get3A_394] {strides = array<i32>} : memref<80x128xf32, #tpu.memory_space<vmem>>, vector<16xf32>,
      %mul3A_396 = arith.mulf %get3A_395, %gather3A_392 : vector<16xf32>
      %swap3A_397 = arith.index_cast %add3A_388 : i32 to index
      %swap3A_398 = arith.constant 0 : index
      %swap3A_399 = tpu.vector_load %arg12[%swap3A_397, %swap3A_398] {strides = array<i32>} : memref<80x128xf32, #tpu.memory_space<vmem>>, vector<16xf32>,
      tpu.vector_store %arg12[%swap3A_397, %swap3A_398], %mul3A_396 {strides = array<i32>} : memref<80x128xf32, #tpu.memory_space<vmem>>, vector<16xf32>,
      %get3A_400 = arith.index_cast %add3A_388 : i32 to index
      %get3A_401 = arith.constant 16 : index
      %get3A_402 = tpu.vector_load %arg12[%get3A_400, %get3A_401] {strides = array<i32>} : memref<80x128xf32, #tpu.memory_space<vmem>>, vector<16xf32>,
      %mul3A_403 = arith.mulf %get3A_402, %gather3A_392 : vector<16xf32>
      %swap3A_404 = arith.index_cast %add3A_388 : i32 to index
      %swap3A_405 = arith.constant 16 : index
      %swap3A_406 = tpu.vector_load %arg12[%swap3A_404, %swap3A_405] {strides = array<i32>} : memref<80x128xf32, #tpu.memory_space<vmem>>, vector<16xf32>,
      tpu.vector_store %arg12[%swap3A_404, %swap3A_405], %mul3A_403 {strides = array<i32>} : memref<80x128xf32, #tpu.memory_space<vmem>>, vector<16xf32>,
      %get3A_407 = arith.index_cast %add3A_388 : i32 to index
      %get3A_408 = arith.constant 32 : index
      %get3A_409 = tpu.vector_load %arg12[%get3A_407, %get3A_408] {strides = array<i32>} : memref<80x128xf32, #tpu.memory_space<vmem>>, vector<16xf32>,
      %mul3A_410 = arith.mulf %get3A_409, %gather3A_392 : vector<16xf32>
      %swap3A_411 = arith.index_cast %add3A_388 : i32 to index
      %swap3A_412 = arith.constant 32 : index
      %swap3A_413 = tpu.vector_load %arg12[%swap3A_411, %swap3A_412] {strides = array<i32>} : memref<80x128xf32, #tpu.memory_space<vmem>>, vector<16xf32>,
      tpu.vector_store %arg12[%swap3A_411, %swap3A_412], %mul3A_410 {strides = array<i32>} : memref<80x128xf32, #tpu.memory_space<vmem>>, vector<16xf32>,
      %get3A_414 = arith.index_cast %add3A_388 : i32 to index
      %get3A_415 = arith.constant 48 : index
      %get3A_416 = tpu.vector_load %arg12[%get3A_414, %get3A_415] {strides = array<i32>} : memref<80x128xf32, #tpu.memory_space<vmem>>, vector<16xf32>,
      %mul3A_417 = arith.mulf %get3A_416, %gather3A_392 : vector<16xf32>
      %swap3A_418 = arith.index_cast %add3A_388 : i32 to index
      %swap3A_419 = arith.constant 48 : index
      %swap3A_420 = tpu.vector_load %arg12[%swap3A_418, %swap3A_419] {strides = array<i32>} : memref<80x128xf32, #tpu.memory_space<vmem>>, vector<16xf32>,
      tpu.vector_store %arg12[%swap3A_418, %swap3A_419], %mul3A_417 {strides = array<i32>} : memref<80x128xf32, #tpu.memory_space<vmem>>, vector<16xf32>,
      %get3A_421 = arith.index_cast %add3A_388 : i32 to index
      %get3A_422 = arith.constant 64 : index
      %get3A_423 = tpu.vector_load %arg12[%get3A_421, %get3A_422] {strides = array<i32>} : memref<80x128xf32, #tpu.memory_space<vmem>>, vector<16xf32>,
      %mul3A_424 = arith.mulf %get3A_423, %gather3A_392 : vector<16xf32>
      %swap3A_425 = arith.index_cast %add3A_388 : i32 to index
      %swap3A_426 = arith.constant 64 : index
      %swap3A_427 = tpu.vector_load %arg12[%swap3A_425, %swap3A_426] {strides = array<i32>} : memref<80x128xf32, #tpu.memory_space<vmem>>, vector<16xf32>,
      tpu.vector_store %arg12[%swap3A_425, %swap3A_426], %mul3A_424 {strides = array<i32>} : memref<80x128xf32, #tpu.memory_space<vmem>>, vector<16xf32>,
      %get3A_428 = arith.index_cast %add3A_388 : i32 to index
      %get3A_429 = arith.constant 80 : index
      %get3A_430 = tpu.vector_load %arg12[%get3A_428, %get3A_429] {strides = array<i32>} : memref<80x128xf32, #tpu.memory_space<vmem>>, vector<16xf32>,
      %mul3A_431 = arith.mulf %get3A_430, %gather3A_392 : vector<16xf32>
      %swap3A_432 = arith.index_cast %add3A_388 : i32 to index
      %swap3A_433 = arith.constant 80 : index
      %swap3A_434 = tpu.vector_load %arg12[%swap3A_432, %swap3A_433] {strides = array<i32>} : memref<80x128xf32, #tpu.memory_space<vmem>>, vector<16xf32>,
      tpu.vector_store %arg12[%swap3A_432, %swap3A_433], %mul3A_431 {strides = array<i32>} : memref<80x128xf32, #tpu.memory_space<vmem>>, vector<16xf32>,
      %get3A_435 = arith.index_cast %add3A_388 : i32 to index
      %get3A_436 = arith.constant 96 : index
      %get3A_437 = tpu.vector_load %arg12[%get3A_435, %get3A_436] {strides = array<i32>} : memref<80x128xf32, #tpu.memory_space<vmem>>, vector<16xf32>,
      %mul3A_438 = arith.mulf %get3A_437, %gather3A_392 : vector<16xf32>
      %swap3A_439 = arith.index_cast %add3A_388 : i32 to index
      %swap3A_440 = arith.constant 96 : index
      %swap3A_441 = tpu.vector_load %arg12[%swap3A_439, %swap3A_440] {strides = array<i32>} : memref<80x128xf32, #tpu.memory_space<vmem>>, vector<16xf32>,
      tpu.vector_store %arg12[%swap3A_439, %swap3A_440], %mul3A_438 {strides = array<i32>} : memref<80x128xf32, #tpu.memory_space<vmem>>, vector<16xf32>,
      %get3A_442 = arith.index_cast %add3A_388 : i32 to index
      %get3A_443 = arith.constant 112 : index
      %get3A_444 = tpu.vector_load %arg12[%get3A_442, %get3A_443] {strides = array<i32>} : memref<80x128xf32, #tpu.memory_space<vmem>>, vector<16xf32>,
      %mul3A_445 = arith.mulf %get3A_444, %gather3A_392 : vector<16xf32>
      %swap3A_446 = arith.index_cast %add3A_388 : i32 to index
      %swap3A_447 = arith.constant 112 : index
      %swap3A_448 = tpu.vector_load %arg12[%swap3A_446, %swap3A_447] {strides = array<i32>} : memref<80x128xf32, #tpu.memory_space<vmem>>, vector<16xf32>,
      tpu.vector_store %arg12[%swap3A_446, %swap3A_447], %mul3A_445 {strides = array<i32>} : memref<80x128xf32, #tpu.memory_space<vmem>>, vector<16xf32>,
    }
    %scan3A_307 = arith.constant 80 : i32
    %dma_start3A_308 = arith.constant 0 : i32
    %dma_start3A_309 = arith.constant 0 : i32
    %dma_start3A_310 = tpu.memref_slice %arg20[%dma_start3A_308, %dma_start3A_309] : memref<10000x128xf32, #tpu.memory_space<vmem_shared>> -> memref<10000x128xf32, #tpu.memory_space<vmem_shared>>
    tpu.enqueue_indirect_dma source(%arg12 : memref<80x128xf32, #tpu.memory_space<vmem>>) target(%dma_start3A_310 : memref<10000x128xf32, #tpu.memory_space<vmem_shared>>) offsets(%arg15 : memref<80xi32, #tpu.memory_space<vmem>>) semaphore(%arg23 : memref<!tpu.dma_semaphore, #tpu.memory_space<semaphore_mem>>) {add = true}
    %dma_wait3A_311 = arith.constant 0 : i32
    %dma_wait3A_312 = arith.constant 0 : i32
    %dma_wait3A_313 = tpu.memref_slice %arg20[%dma_wait3A_311, %dma_wait3A_312] : memref<10000x128xf32, #tpu.memory_space<vmem_shared>> -> memref<10000x128xf32, #tpu.memory_space<vmem_shared>>
    tpu.wait_indirect_dma semaphore(%arg23 : memref<!tpu.dma_semaphore, #tpu.memory_space<semaphore_mem>>) src(%arg12 : memref<80x128xf32, #tpu.memory_space<vmem>>) dst(%dma_wait3A_313 : memref<10000x128xf32, #tpu.memory_space<vmem_shared>>)
    %barrier3A_314 = arith.constant 0 : index
    tpu.barrier barrier_id(%barrier3A_314)
    %mul3A_315 = arith.constant 625 : i32
    %mul3A_316 = arith.muli %arg1, %mul3A_315 : i32
    %mul3A_317 = arith.constant 625 : i32
    %mul3A_318 = arith.muli %arg1, %mul3A_317 : i32
    "tpu.region"() ({
      %run_scoped3A = tpu.sem_alloc : memref<!tpu.dma_semaphore, #tpu.memory_space<semaphore_mem>>
      %dma_start3A_319 = arith.constant 0 : i32
      %dma_start3A_320 = tpu.memref_slice %arg8[%arg0, %mul3A_318, %dma_start3A_319] : memref<2x10000x128xf32, #tpu.memory_space<hbm>> -> memref<1x625x128xf32, #tpu.memory_space<hbm>>
      %dma_start3A_321 = tpu.memref_squeeze %dma_start3A_320 : memref<1x625x128xf32, #tpu.memory_space<hbm>> -> memref<625x128xf32, #tpu.memory_space<hbm>>
      %dma_start3A_322 = arith.constant 0 : i32
      %dma_start3A_323 = tpu.memref_slice %arg20[%mul3A_316, %dma_start3A_322] : memref<10000x128xf32, #tpu.memory_space<vmem_shared>> -> memref<625x128xf32, #tpu.memory_space<vmem_shared>>
      tpu.enqueue_dma source(%dma_start3A_323 : memref<625x128xf32, #tpu.memory_space<vmem_shared>>) target(%dma_start3A_321 : memref<625x128xf32, #tpu.memory_space<hbm>>) target_semaphore(%run_scoped3A : memref<!tpu.dma_semaphore, #tpu.memory_space<semaphore_mem>>)
      %dma_wait3A_324 = arith.constant 0 : i32
      %dma_wait3A_325 = tpu.memref_slice %arg8[%arg0, %mul3A_318, %dma_wait3A_324] : memref<2x10000x128xf32, #tpu.memory_space<hbm>> -> memref<1x625x128xf32, #tpu.memory_space<hbm>>
      %dma_wait3A_326 = tpu.memref_squeeze %dma_wait3A_325 : memref<1x625x128xf32, #tpu.memory_space<hbm>> -> memref<625x128xf32, #tpu.memory_space<hbm>>
      %dma_wait3A_327 = arith.constant 0 : i32
      %dma_wait3A_328 = tpu.memref_slice %arg20[%mul3A_316, %dma_wait3A_327] : memref<10000x128xf32, #tpu.memory_space<vmem_shared>> -> memref<625x128xf32, #tpu.memory_space<vmem_shared>>
      tpu.wait_dma2 semaphore(%run_scoped3A : memref<!tpu.dma_semaphore, #tpu.memory_space<semaphore_mem>>) src(%dma_wait3A_328 : memref<625x128xf32, #tpu.memory_space<vmem_shared>>) dst(%dma_wait3A_326 : memref<625x128xf32, #tpu.memory_space<hbm>>)
      tpu.yield
    }) : () -> ()
    return
  }
}

#map = affine_map<(d0, d1) -> (0)>
#map1 = affine_map<(d0, d1) -> (0, 0)>
module attributes {stable_mosaic.version = 14 : i64} {
  func.func @_k2_body(%arg0: i32, %arg1: i32, %arg2: memref<320000xi32, #tpu.memory_space<hbm>>, %arg3: memref<320000xf32, #tpu.memory_space<hbm>>, %arg4: memref<16xf32, #tpu.memory_space<hbm>>, %arg5: memref<16xf32, #tpu.memory_space<hbm>>, %arg6: memref<32x10000xf32, #tpu.memory_space<hbm>>, %arg7: memref<10000xf32, #tpu.memory_space<vmem>>, %arg8: memref<2000xi32, #tpu.memory_space<vmem>>, %arg9: memref<2000xf32, #tpu.memory_space<vmem>>, %arg10: memref<16xf32, #tpu.memory_space<vmem>>, %arg11: memref<16xf32, #tpu.memory_space<vmem>>) attributes {dimension_semantics = [#tpu.dimension_semantics<core_parallel>, #tpu.dimension_semantics<subcore_parallel>], iteration_bounds = array<i64: 2, 16>, scalar_prefetch = 0 : i64, scratch_operands = 5 : i64, tpu.core_type = #tpu.core_type<sc_vector_subcore>, window_params = [{transform_indices = #map}, {transform_indices = #map}, {transform_indices = #map}, {transform_indices = #map}, {transform_indices = #map1}]} {
    %mul3A = arith.constant 16 : i32
    %mul3A_0 = arith.muli %arg0, %mul3A : i32
    %add3A = arith.addi %mul3A_0, %arg1 : i32
    %mul3A_1 = arith.constant 10000 : i32
    %mul3A_2 = arith.muli %add3A, %mul3A_1 : i32
    %scan3A = arith.constant 0 : i32
    %scan3A_3 = arith.constant 624 : i32
    %scan3A_4 = arith.addi %scan3A, %scan3A_3 : i32
    %scan3A_5 = arith.constant 4 : i32
    scf.for %scan3A_134 = %scan3A to %scan3A_4 step %scan3A_5  : i32 {
      %mul3A_135 = arith.constant 1 : i32
      %mul3A_136 = arith.muli %scan3A_134, %mul3A_135 : i32
      %add3A_137 = arith.constant 0 : i32
      %add3A_138 = arith.addi %add3A_137, %mul3A_136 : i32
      %broadcast_in_dim3A_139 = arith.constant 0.000000e+00 : f32
      %broadcast_in_dim3A_140 = vector.broadcast %broadcast_in_dim3A_139 : f32 to vector<16xf32>
      %mul3A_141 = arith.constant 16 : i32
      %mul3A_142 = arith.muli %add3A_138, %mul3A_141 : i32
      %swap3A_143 = arith.index_cast %mul3A_142 : i32 to index
      %swap3A_144 = tpu.vector_load %arg7[%swap3A_143] {strides = array<i32>} : memref<10000xf32, #tpu.memory_space<vmem>>, vector<16xf32>,
      tpu.vector_store %arg7[%swap3A_143], %broadcast_in_dim3A_140 {strides = array<i32>} : memref<10000xf32, #tpu.memory_space<vmem>>, vector<16xf32>,
      %scan3A_145 = arith.constant 1 : i32
      %scan3A_146 = arith.addi %scan3A_134, %scan3A_145 : i32
      %mul3A_147 = arith.constant 1 : i32
      %mul3A_148 = arith.muli %scan3A_146, %mul3A_147 : i32
      %add3A_149 = arith.constant 0 : i32
      %add3A_150 = arith.addi %add3A_149, %mul3A_148 : i32
      %broadcast_in_dim3A_151 = arith.constant 0.000000e+00 : f32
      %broadcast_in_dim3A_152 = vector.broadcast %broadcast_in_dim3A_151 : f32 to vector<16xf32>
      %mul3A_153 = arith.constant 16 : i32
      %mul3A_154 = arith.muli %add3A_150, %mul3A_153 : i32
      %swap3A_155 = arith.index_cast %mul3A_154 : i32 to index
      %swap3A_156 = tpu.vector_load %arg7[%swap3A_155] {strides = array<i32>} : memref<10000xf32, #tpu.memory_space<vmem>>, vector<16xf32>,
      tpu.vector_store %arg7[%swap3A_155], %broadcast_in_dim3A_152 {strides = array<i32>} : memref<10000xf32, #tpu.memory_space<vmem>>, vector<16xf32>,
      %scan3A_157 = arith.constant 2 : i32
      %scan3A_158 = arith.addi %scan3A_134, %scan3A_157 : i32
      %mul3A_159 = arith.constant 1 : i32
      %mul3A_160 = arith.muli %scan3A_158, %mul3A_159 : i32
      %add3A_161 = arith.constant 0 : i32
      %add3A_162 = arith.addi %add3A_161, %mul3A_160 : i32
      %broadcast_in_dim3A_163 = arith.constant 0.000000e+00 : f32
      %broadcast_in_dim3A_164 = vector.broadcast %broadcast_in_dim3A_163 : f32 to vector<16xf32>
      %mul3A_165 = arith.constant 16 : i32
      %mul3A_166 = arith.muli %add3A_162, %mul3A_165 : i32
      %swap3A_167 = arith.index_cast %mul3A_166 : i32 to index
      %swap3A_168 = tpu.vector_load %arg7[%swap3A_167] {strides = array<i32>} : memref<10000xf32, #tpu.memory_space<vmem>>, vector<16xf32>,
      tpu.vector_store %arg7[%swap3A_167], %broadcast_in_dim3A_164 {strides = array<i32>} : memref<10000xf32, #tpu.memory_space<vmem>>, vector<16xf32>,
      %scan3A_169 = arith.constant 3 : i32
      %scan3A_170 = arith.addi %scan3A_134, %scan3A_169 : i32
      %mul3A_171 = arith.constant 1 : i32
      %mul3A_172 = arith.muli %scan3A_170, %mul3A_171 : i32
      %add3A_173 = arith.constant 0 : i32
      %add3A_174 = arith.addi %add3A_173, %mul3A_172 : i32
      %broadcast_in_dim3A_175 = arith.constant 0.000000e+00 : f32
      %broadcast_in_dim3A_176 = vector.broadcast %broadcast_in_dim3A_175 : f32 to vector<16xf32>
      %mul3A_177 = arith.constant 16 : i32
      %mul3A_178 = arith.muli %add3A_174, %mul3A_177 : i32
      %swap3A_179 = arith.index_cast %mul3A_178 : i32 to index
      %swap3A_180 = tpu.vector_load %arg7[%swap3A_179] {strides = array<i32>} : memref<10000xf32, #tpu.memory_space<vmem>>, vector<16xf32>,
      tpu.vector_store %arg7[%swap3A_179], %broadcast_in_dim3A_176 {strides = array<i32>} : memref<10000xf32, #tpu.memory_space<vmem>>, vector<16xf32>,
    }
    %scan3A_6 = arith.constant 624 : i32
    %scan3A_7 = arith.addi %scan3A, %scan3A_6 : i32
    %mul3A_8 = arith.constant 1 : i32
    %mul3A_9 = arith.muli %scan3A_7, %mul3A_8 : i32
    %add3A_10 = arith.constant 0 : i32
    %add3A_11 = arith.addi %add3A_10, %mul3A_9 : i32
    %broadcast_in_dim3A = arith.constant 0.000000e+00 : f32
    %broadcast_in_dim3A_12 = vector.broadcast %broadcast_in_dim3A : f32 to vector<16xf32>
    %mul3A_13 = arith.constant 16 : i32
    %mul3A_14 = arith.muli %add3A_11, %mul3A_13 : i32
    %swap3A = arith.index_cast %mul3A_14 : i32 to index
    %swap3A_15 = tpu.vector_load %arg7[%swap3A] {strides = array<i32>} : memref<10000xf32, #tpu.memory_space<vmem>>, vector<16xf32>,
    tpu.vector_store %arg7[%swap3A], %broadcast_in_dim3A_12 {strides = array<i32>} : memref<10000xf32, #tpu.memory_space<vmem>>, vector<16xf32>,
    %scan3A_16 = arith.constant 625 : i32
    "tpu.region"() ({
      %run_scoped3A = tpu.sem_alloc : memref<!tpu.dma_semaphore, #tpu.memory_space<semaphore_mem>>
      tpu.enqueue_dma source(%arg4 : memref<16xf32, #tpu.memory_space<hbm>>) target(%arg10 : memref<16xf32, #tpu.memory_space<vmem>>) target_semaphore(%run_scoped3A : memref<!tpu.dma_semaphore, #tpu.memory_space<semaphore_mem>>)
      tpu.wait_dma2 semaphore(%run_scoped3A : memref<!tpu.dma_semaphore, #tpu.memory_space<semaphore_mem>>) src(%arg4 : memref<16xf32, #tpu.memory_space<hbm>>) dst(%arg10 : memref<16xf32, #tpu.memory_space<vmem>>)
      tpu.yield
    }) : () -> ()
    "tpu.region"() ({
      %run_scoped3A = tpu.sem_alloc : memref<!tpu.dma_semaphore, #tpu.memory_space<semaphore_mem>>
      tpu.enqueue_dma source(%arg5 : memref<16xf32, #tpu.memory_space<hbm>>) target(%arg11 : memref<16xf32, #tpu.memory_space<vmem>>) target_semaphore(%run_scoped3A : memref<!tpu.dma_semaphore, #tpu.memory_space<semaphore_mem>>)
      tpu.wait_dma2 semaphore(%run_scoped3A : memref<!tpu.dma_semaphore, #tpu.memory_space<semaphore_mem>>) src(%arg5 : memref<16xf32, #tpu.memory_space<hbm>>) dst(%arg11 : memref<16xf32, #tpu.memory_space<vmem>>)
      tpu.yield
    }) : () -> ()
    %get3A = arith.constant 0 : index
    %get3A_17 = tpu.vector_load %arg10[%get3A] {strides = array<i32>} : memref<16xf32, #tpu.memory_space<vmem>>, vector<16xf32>,
    %get3A_18 = arith.constant 0 : index
    %get3A_19 = tpu.vector_load %arg11[%get3A_18] {strides = array<i32>} : memref<16xf32, #tpu.memory_space<vmem>>, vector<16xf32>,
    %add3A_20 = arith.constant 0 : i32
    %add3A_21 = arith.addi %mul3A_2, %add3A_20 : i32
    "tpu.region"() ({
      %run_scoped3A = tpu.sem_alloc : memref<!tpu.dma_semaphore, #tpu.memory_space<semaphore_mem>>
      %dma_start3A = tpu.memref_slice %arg2[%add3A_21] : memref<320000xi32, #tpu.memory_space<hbm>> -> memref<2000xi32, #tpu.memory_space<hbm>>
      %dma_start3A_134 = tpu.memref_slice %arg2[%add3A_21] : memref<320000xi32, #tpu.memory_space<hbm>> -> memref<2000xi32, #tpu.memory_space<hbm>>
      tpu.enqueue_dma source(%dma_start3A_134 : memref<2000xi32, #tpu.memory_space<hbm>>) target(%arg8 : memref<2000xi32, #tpu.memory_space<vmem>>) target_semaphore(%run_scoped3A : memref<!tpu.dma_semaphore, #tpu.memory_space<semaphore_mem>>)
      %dma_wait3A = tpu.memref_slice %arg2[%add3A_21] : memref<320000xi32, #tpu.memory_space<hbm>> -> memref<2000xi32, #tpu.memory_space<hbm>>
      %dma_wait3A_135 = tpu.memref_slice %arg2[%add3A_21] : memref<320000xi32, #tpu.memory_space<hbm>> -> memref<2000xi32, #tpu.memory_space<hbm>>
      tpu.wait_dma2 semaphore(%run_scoped3A : memref<!tpu.dma_semaphore, #tpu.memory_space<semaphore_mem>>) src(%dma_wait3A_135 : memref<2000xi32, #tpu.memory_space<hbm>>) dst(%arg8 : memref<2000xi32, #tpu.memory_space<vmem>>)
      tpu.yield
    }) : () -> ()
    "tpu.region"() ({
      %run_scoped3A = tpu.sem_alloc : memref<!tpu.dma_semaphore, #tpu.memory_space<semaphore_mem>>
      %dma_start3A = tpu.memref_slice %arg3[%add3A_21] : memref<320000xf32, #tpu.memory_space<hbm>> -> memref<2000xf32, #tpu.memory_space<hbm>>
      %dma_start3A_134 = tpu.memref_slice %arg3[%add3A_21] : memref<320000xf32, #tpu.memory_space<hbm>> -> memref<2000xf32, #tpu.memory_space<hbm>>
      tpu.enqueue_dma source(%dma_start3A_134 : memref<2000xf32, #tpu.memory_space<hbm>>) target(%arg9 : memref<2000xf32, #tpu.memory_space<vmem>>) target_semaphore(%run_scoped3A : memref<!tpu.dma_semaphore, #tpu.memory_space<semaphore_mem>>)
      %dma_wait3A = tpu.memref_slice %arg3[%add3A_21] : memref<320000xf32, #tpu.memory_space<hbm>> -> memref<2000xf32, #tpu.memory_space<hbm>>
      %dma_wait3A_135 = tpu.memref_slice %arg3[%add3A_21] : memref<320000xf32, #tpu.memory_space<hbm>> -> memref<2000xf32, #tpu.memory_space<hbm>>
      tpu.wait_dma2 semaphore(%run_scoped3A : memref<!tpu.dma_semaphore, #tpu.memory_space<semaphore_mem>>) src(%dma_wait3A_135 : memref<2000xf32, #tpu.memory_space<hbm>>) dst(%arg9 : memref<2000xf32, #tpu.memory_space<vmem>>)
      tpu.yield
    }) : () -> ()
    %scan3A_22 = arith.constant 0 : i32
    %scan3A_23 = arith.constant 124 : i32
    %scan3A_24 = arith.addi %scan3A_22, %scan3A_23 : i32
    %scan3A_25 = arith.constant 4 : i32
    scf.for %scan3A_134 = %scan3A_22 to %scan3A_24 step %scan3A_25  : i32 {
      %mul3A_135 = arith.constant 1 : i32
      %mul3A_136 = arith.muli %scan3A_134, %mul3A_135 : i32
      %add3A_137 = arith.constant 0 : i32
      %add3A_138 = arith.addi %add3A_137, %mul3A_136 : i32
      %mul3A_139 = arith.constant 16 : i32
      %mul3A_140 = arith.muli %add3A_138, %mul3A_139 : i32
      %get3A_141 = arith.index_cast %mul3A_140 : i32 to index
      %get3A_142 = tpu.vector_load %arg8[%get3A_141] {strides = array<i32>} : memref<2000xi32, #tpu.memory_space<vmem>>, vector<16xi32>,
      %mul3A_143 = arith.constant 16 : i32
      %mul3A_144 = arith.muli %add3A_138, %mul3A_143 : i32
      %get3A_145 = arith.index_cast %mul3A_144 : i32 to index
      %get3A_146 = tpu.vector_load %arg9[%get3A_145] {strides = array<i32>} : memref<2000xf32, #tpu.memory_space<vmem>>, vector<16xf32>,
      %sub3A_147 = arith.subf %get3A_146, %get3A_17 : vector<16xf32>
      %mul3A_148 = arith.mulf %sub3A_147, %get3A_19 : vector<16xf32>
      tpu.vector_store_idx %arg7[%get3A_142], %mul3A_148 {add = true} : memref<10000xf32, #tpu.memory_space<vmem>>[vector<16xi32>], vector<16xf32>,
      %scan3A_149 = arith.constant 1 : i32
      %scan3A_150 = arith.addi %scan3A_134, %scan3A_149 : i32
      %mul3A_151 = arith.constant 1 : i32
      %mul3A_152 = arith.muli %scan3A_150, %mul3A_151 : i32
      %add3A_153 = arith.constant 0 : i32
      %add3A_154 = arith.addi %add3A_153, %mul3A_152 : i32
      %mul3A_155 = arith.constant 16 : i32
      %mul3A_156 = arith.muli %add3A_154, %mul3A_155 : i32
      %get3A_157 = arith.index_cast %mul3A_156 : i32 to index
      %get3A_158 = tpu.vector_load %arg8[%get3A_157] {strides = array<i32>} : memref<2000xi32, #tpu.memory_space<vmem>>, vector<16xi32>,
      %mul3A_159 = arith.constant 16 : i32
      %mul3A_160 = arith.muli %add3A_154, %mul3A_159 : i32
      %get3A_161 = arith.index_cast %mul3A_160 : i32 to index
      %get3A_162 = tpu.vector_load %arg9[%get3A_161] {strides = array<i32>} : memref<2000xf32, #tpu.memory_space<vmem>>, vector<16xf32>,
      %sub3A_163 = arith.subf %get3A_162, %get3A_17 : vector<16xf32>
      %mul3A_164 = arith.mulf %sub3A_163, %get3A_19 : vector<16xf32>
      tpu.vector_store_idx %arg7[%get3A_158], %mul3A_164 {add = true} : memref<10000xf32, #tpu.memory_space<vmem>>[vector<16xi32>], vector<16xf32>,
      %scan3A_165 = arith.constant 2 : i32
      %scan3A_166 = arith.addi %scan3A_134, %scan3A_165 : i32
      %mul3A_167 = arith.constant 1 : i32
      %mul3A_168 = arith.muli %scan3A_166, %mul3A_167 : i32
      %add3A_169 = arith.constant 0 : i32
      %add3A_170 = arith.addi %add3A_169, %mul3A_168 : i32
      %mul3A_171 = arith.constant 16 : i32
      %mul3A_172 = arith.muli %add3A_170, %mul3A_171 : i32
      %get3A_173 = arith.index_cast %mul3A_172 : i32 to index
      %get3A_174 = tpu.vector_load %arg8[%get3A_173] {strides = array<i32>} : memref<2000xi32, #tpu.memory_space<vmem>>, vector<16xi32>,
      %mul3A_175 = arith.constant 16 : i32
      %mul3A_176 = arith.muli %add3A_170, %mul3A_175 : i32
      %get3A_177 = arith.index_cast %mul3A_176 : i32 to index
      %get3A_178 = tpu.vector_load %arg9[%get3A_177] {strides = array<i32>} : memref<2000xf32, #tpu.memory_space<vmem>>, vector<16xf32>,
      %sub3A_179 = arith.subf %get3A_178, %get3A_17 : vector<16xf32>
      %mul3A_180 = arith.mulf %sub3A_179, %get3A_19 : vector<16xf32>
      tpu.vector_store_idx %arg7[%get3A_174], %mul3A_180 {add = true} : memref<10000xf32, #tpu.memory_space<vmem>>[vector<16xi32>], vector<16xf32>,
      %scan3A_181 = arith.constant 3 : i32
      %scan3A_182 = arith.addi %scan3A_134, %scan3A_181 : i32
      %mul3A_183 = arith.constant 1 : i32
      %mul3A_184 = arith.muli %scan3A_182, %mul3A_183 : i32
      %add3A_185 = arith.constant 0 : i32
      %add3A_186 = arith.addi %add3A_185, %mul3A_184 : i32
      %mul3A_187 = arith.constant 16 : i32
      %mul3A_188 = arith.muli %add3A_186, %mul3A_187 : i32
      %get3A_189 = arith.index_cast %mul3A_188 : i32 to index
      %get3A_190 = tpu.vector_load %arg8[%get3A_189] {strides = array<i32>} : memref<2000xi32, #tpu.memory_space<vmem>>, vector<16xi32>,
      %mul3A_191 = arith.constant 16 : i32
      %mul3A_192 = arith.muli %add3A_186, %mul3A_191 : i32
      %get3A_193 = arith.index_cast %mul3A_192 : i32 to index
      %get3A_194 = tpu.vector_load %arg9[%get3A_193] {strides = array<i32>} : memref<2000xf32, #tpu.memory_space<vmem>>, vector<16xf32>,
      %sub3A_195 = arith.subf %get3A_194, %get3A_17 : vector<16xf32>
      %mul3A_196 = arith.mulf %sub3A_195, %get3A_19 : vector<16xf32>
      tpu.vector_store_idx %arg7[%get3A_190], %mul3A_196 {add = true} : memref<10000xf32, #tpu.memory_space<vmem>>[vector<16xi32>], vector<16xf32>,
    }
    %scan3A_26 = arith.constant 124 : i32
    %scan3A_27 = arith.addi %scan3A_22, %scan3A_26 : i32
    %mul3A_28 = arith.constant 1 : i32
    %mul3A_29 = arith.muli %scan3A_27, %mul3A_28 : i32
    %add3A_30 = arith.constant 0 : i32
    %add3A_31 = arith.addi %add3A_30, %mul3A_29 : i32
    %mul3A_32 = arith.constant 16 : i32
    %mul3A_33 = arith.muli %add3A_31, %mul3A_32 : i32
    %get3A_34 = arith.index_cast %mul3A_33 : i32 to index
    %get3A_35 = tpu.vector_load %arg8[%get3A_34] {strides = array<i32>} : memref<2000xi32, #tpu.memory_space<vmem>>, vector<16xi32>,
    %mul3A_36 = arith.constant 16 : i32
    %mul3A_37 = arith.muli %add3A_31, %mul3A_36 : i32
    %get3A_38 = arith.index_cast %mul3A_37 : i32 to index
    %get3A_39 = tpu.vector_load %arg9[%get3A_38] {strides = array<i32>} : memref<2000xf32, #tpu.memory_space<vmem>>, vector<16xf32>,
    %sub3A = arith.subf %get3A_39, %get3A_17 : vector<16xf32>
    %mul3A_40 = arith.mulf %sub3A, %get3A_19 : vector<16xf32>
    tpu.vector_store_idx %arg7[%get3A_35], %mul3A_40 {add = true} : memref<10000xf32, #tpu.memory_space<vmem>>[vector<16xi32>], vector<16xf32>,
    %scan3A_41 = arith.constant 125 : i32
    %add3A_42 = arith.constant 2000 : i32
    %add3A_43 = arith.addi %mul3A_2, %add3A_42 : i32
    "tpu.region"() ({
      %run_scoped3A = tpu.sem_alloc : memref<!tpu.dma_semaphore, #tpu.memory_space<semaphore_mem>>
      %dma_start3A = tpu.memref_slice %arg2[%add3A_43] : memref<320000xi32, #tpu.memory_space<hbm>> -> memref<2000xi32, #tpu.memory_space<hbm>>
      %dma_start3A_134 = tpu.memref_slice %arg2[%add3A_43] : memref<320000xi32, #tpu.memory_space<hbm>> -> memref<2000xi32, #tpu.memory_space<hbm>>
      tpu.enqueue_dma source(%dma_start3A_134 : memref<2000xi32, #tpu.memory_space<hbm>>) target(%arg8 : memref<2000xi32, #tpu.memory_space<vmem>>) target_semaphore(%run_scoped3A : memref<!tpu.dma_semaphore, #tpu.memory_space<semaphore_mem>>)
      %dma_wait3A = tpu.memref_slice %arg2[%add3A_43] : memref<320000xi32, #tpu.memory_space<hbm>> -> memref<2000xi32, #tpu.memory_space<hbm>>
      %dma_wait3A_135 = tpu.memref_slice %arg2[%add3A_43] : memref<320000xi32, #tpu.memory_space<hbm>> -> memref<2000xi32, #tpu.memory_space<hbm>>
      tpu.wait_dma2 semaphore(%run_scoped3A : memref<!tpu.dma_semaphore, #tpu.memory_space<semaphore_mem>>) src(%dma_wait3A_135 : memref<2000xi32, #tpu.memory_space<hbm>>) dst(%arg8 : memref<2000xi32, #tpu.memory_space<vmem>>)
      tpu.yield
    }) : () -> ()
    "tpu.region"() ({
      %run_scoped3A = tpu.sem_alloc : memref<!tpu.dma_semaphore, #tpu.memory_space<semaphore_mem>>
      %dma_start3A = tpu.memref_slice %arg3[%add3A_43] : memref<320000xf32, #tpu.memory_space<hbm>> -> memref<2000xf32, #tpu.memory_space<hbm>>
      %dma_start3A_134 = tpu.memref_slice %arg3[%add3A_43] : memref<320000xf32, #tpu.memory_space<hbm>> -> memref<2000xf32, #tpu.memory_space<hbm>>
      tpu.enqueue_dma source(%dma_start3A_134 : memref<2000xf32, #tpu.memory_space<hbm>>) target(%arg9 : memref<2000xf32, #tpu.memory_space<vmem>>) target_semaphore(%run_scoped3A : memref<!tpu.dma_semaphore, #tpu.memory_space<semaphore_mem>>)
      %dma_wait3A = tpu.memref_slice %arg3[%add3A_43] : memref<320000xf32, #tpu.memory_space<hbm>> -> memref<2000xf32, #tpu.memory_space<hbm>>
      %dma_wait3A_135 = tpu.memref_slice %arg3[%add3A_43] : memref<320000xf32, #tpu.memory_space<hbm>> -> memref<2000xf32, #tpu.memory_space<hbm>>
      tpu.wait_dma2 semaphore(%run_scoped3A : memref<!tpu.dma_semaphore, #tpu.memory_space<semaphore_mem>>) src(%dma_wait3A_135 : memref<2000xf32, #tpu.memory_space<hbm>>) dst(%arg9 : memref<2000xf32, #tpu.memory_space<vmem>>)
      tpu.yield
    }) : () -> ()
    %scan3A_44 = arith.constant 0 : i32
    %scan3A_45 = arith.constant 124 : i32
    %scan3A_46 = arith.addi %scan3A_44, %scan3A_45 : i32
    %scan3A_47 = arith.constant 4 : i32
    scf.for %scan3A_134 = %scan3A_44 to %scan3A_46 step %scan3A_47  : i32 {
      %mul3A_135 = arith.constant 1 : i32
      %mul3A_136 = arith.muli %scan3A_134, %mul3A_135 : i32
      %add3A_137 = arith.constant 0 : i32
      %add3A_138 = arith.addi %add3A_137, %mul3A_136 : i32
      %mul3A_139 = arith.constant 16 : i32
      %mul3A_140 = arith.muli %add3A_138, %mul3A_139 : i32
      %get3A_141 = arith.index_cast %mul3A_140 : i32 to index
      %get3A_142 = tpu.vector_load %arg8[%get3A_141] {strides = array<i32>} : memref<2000xi32, #tpu.memory_space<vmem>>, vector<16xi32>,
      %mul3A_143 = arith.constant 16 : i32
      %mul3A_144 = arith.muli %add3A_138, %mul3A_143 : i32
      %get3A_145 = arith.index_cast %mul3A_144 : i32 to index
      %get3A_146 = tpu.vector_load %arg9[%get3A_145] {strides = array<i32>} : memref<2000xf32, #tpu.memory_space<vmem>>, vector<16xf32>,
      %sub3A_147 = arith.subf %get3A_146, %get3A_17 : vector<16xf32>
      %mul3A_148 = arith.mulf %sub3A_147, %get3A_19 : vector<16xf32>
      tpu.vector_store_idx %arg7[%get3A_142], %mul3A_148 {add = true} : memref<10000xf32, #tpu.memory_space<vmem>>[vector<16xi32>], vector<16xf32>,
      %scan3A_149 = arith.constant 1 : i32
      %scan3A_150 = arith.addi %scan3A_134, %scan3A_149 : i32
      %mul3A_151 = arith.constant 1 : i32
      %mul3A_152 = arith.muli %scan3A_150, %mul3A_151 : i32
      %add3A_153 = arith.constant 0 : i32
      %add3A_154 = arith.addi %add3A_153, %mul3A_152 : i32
      %mul3A_155 = arith.constant 16 : i32
      %mul3A_156 = arith.muli %add3A_154, %mul3A_155 : i32
      %get3A_157 = arith.index_cast %mul3A_156 : i32 to index
      %get3A_158 = tpu.vector_load %arg8[%get3A_157] {strides = array<i32>} : memref<2000xi32, #tpu.memory_space<vmem>>, vector<16xi32>,
      %mul3A_159 = arith.constant 16 : i32
      %mul3A_160 = arith.muli %add3A_154, %mul3A_159 : i32
      %get3A_161 = arith.index_cast %mul3A_160 : i32 to index
      %get3A_162 = tpu.vector_load %arg9[%get3A_161] {strides = array<i32>} : memref<2000xf32, #tpu.memory_space<vmem>>, vector<16xf32>,
      %sub3A_163 = arith.subf %get3A_162, %get3A_17 : vector<16xf32>
      %mul3A_164 = arith.mulf %sub3A_163, %get3A_19 : vector<16xf32>
      tpu.vector_store_idx %arg7[%get3A_158], %mul3A_164 {add = true} : memref<10000xf32, #tpu.memory_space<vmem>>[vector<16xi32>], vector<16xf32>,
      %scan3A_165 = arith.constant 2 : i32
      %scan3A_166 = arith.addi %scan3A_134, %scan3A_165 : i32
      %mul3A_167 = arith.constant 1 : i32
      %mul3A_168 = arith.muli %scan3A_166, %mul3A_167 : i32
      %add3A_169 = arith.constant 0 : i32
      %add3A_170 = arith.addi %add3A_169, %mul3A_168 : i32
      %mul3A_171 = arith.constant 16 : i32
      %mul3A_172 = arith.muli %add3A_170, %mul3A_171 : i32
      %get3A_173 = arith.index_cast %mul3A_172 : i32 to index
      %get3A_174 = tpu.vector_load %arg8[%get3A_173] {strides = array<i32>} : memref<2000xi32, #tpu.memory_space<vmem>>, vector<16xi32>,
      %mul3A_175 = arith.constant 16 : i32
      %mul3A_176 = arith.muli %add3A_170, %mul3A_175 : i32
      %get3A_177 = arith.index_cast %mul3A_176 : i32 to index
      %get3A_178 = tpu.vector_load %arg9[%get3A_177] {strides = array<i32>} : memref<2000xf32, #tpu.memory_space<vmem>>, vector<16xf32>,
      %sub3A_179 = arith.subf %get3A_178, %get3A_17 : vector<16xf32>
      %mul3A_180 = arith.mulf %sub3A_179, %get3A_19 : vector<16xf32>
      tpu.vector_store_idx %arg7[%get3A_174], %mul3A_180 {add = true} : memref<10000xf32, #tpu.memory_space<vmem>>[vector<16xi32>], vector<16xf32>,
      %scan3A_181 = arith.constant 3 : i32
      %scan3A_182 = arith.addi %scan3A_134, %scan3A_181 : i32
      %mul3A_183 = arith.constant 1 : i32
      %mul3A_184 = arith.muli %scan3A_182, %mul3A_183 : i32
      %add3A_185 = arith.constant 0 : i32
      %add3A_186 = arith.addi %add3A_185, %mul3A_184 : i32
      %mul3A_187 = arith.constant 16 : i32
      %mul3A_188 = arith.muli %add3A_186, %mul3A_187 : i32
      %get3A_189 = arith.index_cast %mul3A_188 : i32 to index
      %get3A_190 = tpu.vector_load %arg8[%get3A_189] {strides = array<i32>} : memref<2000xi32, #tpu.memory_space<vmem>>, vector<16xi32>,
      %mul3A_191 = arith.constant 16 : i32
      %mul3A_192 = arith.muli %add3A_186, %mul3A_191 : i32
      %get3A_193 = arith.index_cast %mul3A_192 : i32 to index
      %get3A_194 = tpu.vector_load %arg9[%get3A_193] {strides = array<i32>} : memref<2000xf32, #tpu.memory_space<vmem>>, vector<16xf32>,
      %sub3A_195 = arith.subf %get3A_194, %get3A_17 : vector<16xf32>
      %mul3A_196 = arith.mulf %sub3A_195, %get3A_19 : vector<16xf32>
      tpu.vector_store_idx %arg7[%get3A_190], %mul3A_196 {add = true} : memref<10000xf32, #tpu.memory_space<vmem>>[vector<16xi32>], vector<16xf32>,
    }
    %scan3A_48 = arith.constant 124 : i32
    %scan3A_49 = arith.addi %scan3A_44, %scan3A_48 : i32
    %mul3A_50 = arith.constant 1 : i32
    %mul3A_51 = arith.muli %scan3A_49, %mul3A_50 : i32
    %add3A_52 = arith.constant 0 : i32
    %add3A_53 = arith.addi %add3A_52, %mul3A_51 : i32
    %mul3A_54 = arith.constant 16 : i32
    %mul3A_55 = arith.muli %add3A_53, %mul3A_54 : i32
    %get3A_56 = arith.index_cast %mul3A_55 : i32 to index
    %get3A_57 = tpu.vector_load %arg8[%get3A_56] {strides = array<i32>} : memref<2000xi32, #tpu.memory_space<vmem>>, vector<16xi32>,
    %mul3A_58 = arith.constant 16 : i32
    %mul3A_59 = arith.muli %add3A_53, %mul3A_58 : i32
    %get3A_60 = arith.index_cast %mul3A_59 : i32 to index
    %get3A_61 = tpu.vector_load %arg9[%get3A_60] {strides = array<i32>} : memref<2000xf32, #tpu.memory_space<vmem>>, vector<16xf32>,
    %sub3A_62 = arith.subf %get3A_61, %get3A_17 : vector<16xf32>
    %mul3A_63 = arith.mulf %sub3A_62, %get3A_19 : vector<16xf32>
    tpu.vector_store_idx %arg7[%get3A_57], %mul3A_63 {add = true} : memref<10000xf32, #tpu.memory_space<vmem>>[vector<16xi32>], vector<16xf32>,
    %scan3A_64 = arith.constant 125 : i32
    %add3A_65 = arith.constant 4000 : i32
    %add3A_66 = arith.addi %mul3A_2, %add3A_65 : i32
    "tpu.region"() ({
      %run_scoped3A = tpu.sem_alloc : memref<!tpu.dma_semaphore, #tpu.memory_space<semaphore_mem>>
      %dma_start3A = tpu.memref_slice %arg2[%add3A_66] : memref<320000xi32, #tpu.memory_space<hbm>> -> memref<2000xi32, #tpu.memory_space<hbm>>
      %dma_start3A_134 = tpu.memref_slice %arg2[%add3A_66] : memref<320000xi32, #tpu.memory_space<hbm>> -> memref<2000xi32, #tpu.memory_space<hbm>>
      tpu.enqueue_dma source(%dma_start3A_134 : memref<2000xi32, #tpu.memory_space<hbm>>) target(%arg8 : memref<2000xi32, #tpu.memory_space<vmem>>) target_semaphore(%run_scoped3A : memref<!tpu.dma_semaphore, #tpu.memory_space<semaphore_mem>>)
      %dma_wait3A = tpu.memref_slice %arg2[%add3A_66] : memref<320000xi32, #tpu.memory_space<hbm>> -> memref<2000xi32, #tpu.memory_space<hbm>>
      %dma_wait3A_135 = tpu.memref_slice %arg2[%add3A_66] : memref<320000xi32, #tpu.memory_space<hbm>> -> memref<2000xi32, #tpu.memory_space<hbm>>
      tpu.wait_dma2 semaphore(%run_scoped3A : memref<!tpu.dma_semaphore, #tpu.memory_space<semaphore_mem>>) src(%dma_wait3A_135 : memref<2000xi32, #tpu.memory_space<hbm>>) dst(%arg8 : memref<2000xi32, #tpu.memory_space<vmem>>)
      tpu.yield
    }) : () -> ()
    "tpu.region"() ({
      %run_scoped3A = tpu.sem_alloc : memref<!tpu.dma_semaphore, #tpu.memory_space<semaphore_mem>>
      %dma_start3A = tpu.memref_slice %arg3[%add3A_66] : memref<320000xf32, #tpu.memory_space<hbm>> -> memref<2000xf32, #tpu.memory_space<hbm>>
      %dma_start3A_134 = tpu.memref_slice %arg3[%add3A_66] : memref<320000xf32, #tpu.memory_space<hbm>> -> memref<2000xf32, #tpu.memory_space<hbm>>
      tpu.enqueue_dma source(%dma_start3A_134 : memref<2000xf32, #tpu.memory_space<hbm>>) target(%arg9 : memref<2000xf32, #tpu.memory_space<vmem>>) target_semaphore(%run_scoped3A : memref<!tpu.dma_semaphore, #tpu.memory_space<semaphore_mem>>)
      %dma_wait3A = tpu.memref_slice %arg3[%add3A_66] : memref<320000xf32, #tpu.memory_space<hbm>> -> memref<2000xf32, #tpu.memory_space<hbm>>
      %dma_wait3A_135 = tpu.memref_slice %arg3[%add3A_66] : memref<320000xf32, #tpu.memory_space<hbm>> -> memref<2000xf32, #tpu.memory_space<hbm>>
      tpu.wait_dma2 semaphore(%run_scoped3A : memref<!tpu.dma_semaphore, #tpu.memory_space<semaphore_mem>>) src(%dma_wait3A_135 : memref<2000xf32, #tpu.memory_space<hbm>>) dst(%arg9 : memref<2000xf32, #tpu.memory_space<vmem>>)
      tpu.yield
    }) : () -> ()
    %scan3A_67 = arith.constant 0 : i32
    %scan3A_68 = arith.constant 124 : i32
    %scan3A_69 = arith.addi %scan3A_67, %scan3A_68 : i32
    %scan3A_70 = arith.constant 4 : i32
    scf.for %scan3A_134 = %scan3A_67 to %scan3A_69 step %scan3A_70  : i32 {
      %mul3A_135 = arith.constant 1 : i32
      %mul3A_136 = arith.muli %scan3A_134, %mul3A_135 : i32
      %add3A_137 = arith.constant 0 : i32
      %add3A_138 = arith.addi %add3A_137, %mul3A_136 : i32
      %mul3A_139 = arith.constant 16 : i32
      %mul3A_140 = arith.muli %add3A_138, %mul3A_139 : i32
      %get3A_141 = arith.index_cast %mul3A_140 : i32 to index
      %get3A_142 = tpu.vector_load %arg8[%get3A_141] {strides = array<i32>} : memref<2000xi32, #tpu.memory_space<vmem>>, vector<16xi32>,
      %mul3A_143 = arith.constant 16 : i32
      %mul3A_144 = arith.muli %add3A_138, %mul3A_143 : i32
      %get3A_145 = arith.index_cast %mul3A_144 : i32 to index
      %get3A_146 = tpu.vector_load %arg9[%get3A_145] {strides = array<i32>} : memref<2000xf32, #tpu.memory_space<vmem>>, vector<16xf32>,
      %sub3A_147 = arith.subf %get3A_146, %get3A_17 : vector<16xf32>
      %mul3A_148 = arith.mulf %sub3A_147, %get3A_19 : vector<16xf32>
      tpu.vector_store_idx %arg7[%get3A_142], %mul3A_148 {add = true} : memref<10000xf32, #tpu.memory_space<vmem>>[vector<16xi32>], vector<16xf32>,
      %scan3A_149 = arith.constant 1 : i32
      %scan3A_150 = arith.addi %scan3A_134, %scan3A_149 : i32
      %mul3A_151 = arith.constant 1 : i32
      %mul3A_152 = arith.muli %scan3A_150, %mul3A_151 : i32
      %add3A_153 = arith.constant 0 : i32
      %add3A_154 = arith.addi %add3A_153, %mul3A_152 : i32
      %mul3A_155 = arith.constant 16 : i32
      %mul3A_156 = arith.muli %add3A_154, %mul3A_155 : i32
      %get3A_157 = arith.index_cast %mul3A_156 : i32 to index
      %get3A_158 = tpu.vector_load %arg8[%get3A_157] {strides = array<i32>} : memref<2000xi32, #tpu.memory_space<vmem>>, vector<16xi32>,
      %mul3A_159 = arith.constant 16 : i32
      %mul3A_160 = arith.muli %add3A_154, %mul3A_159 : i32
      %get3A_161 = arith.index_cast %mul3A_160 : i32 to index
      %get3A_162 = tpu.vector_load %arg9[%get3A_161] {strides = array<i32>} : memref<2000xf32, #tpu.memory_space<vmem>>, vector<16xf32>,
      %sub3A_163 = arith.subf %get3A_162, %get3A_17 : vector<16xf32>
      %mul3A_164 = arith.mulf %sub3A_163, %get3A_19 : vector<16xf32>
      tpu.vector_store_idx %arg7[%get3A_158], %mul3A_164 {add = true} : memref<10000xf32, #tpu.memory_space<vmem>>[vector<16xi32>], vector<16xf32>,
      %scan3A_165 = arith.constant 2 : i32
      %scan3A_166 = arith.addi %scan3A_134, %scan3A_165 : i32
      %mul3A_167 = arith.constant 1 : i32
      %mul3A_168 = arith.muli %scan3A_166, %mul3A_167 : i32
      %add3A_169 = arith.constant 0 : i32
      %add3A_170 = arith.addi %add3A_169, %mul3A_168 : i32
      %mul3A_171 = arith.constant 16 : i32
      %mul3A_172 = arith.muli %add3A_170, %mul3A_171 : i32
      %get3A_173 = arith.index_cast %mul3A_172 : i32 to index
      %get3A_174 = tpu.vector_load %arg8[%get3A_173] {strides = array<i32>} : memref<2000xi32, #tpu.memory_space<vmem>>, vector<16xi32>,
      %mul3A_175 = arith.constant 16 : i32
      %mul3A_176 = arith.muli %add3A_170, %mul3A_175 : i32
      %get3A_177 = arith.index_cast %mul3A_176 : i32 to index
      %get3A_178 = tpu.vector_load %arg9[%get3A_177] {strides = array<i32>} : memref<2000xf32, #tpu.memory_space<vmem>>, vector<16xf32>,
      %sub3A_179 = arith.subf %get3A_178, %get3A_17 : vector<16xf32>
      %mul3A_180 = arith.mulf %sub3A_179, %get3A_19 : vector<16xf32>
      tpu.vector_store_idx %arg7[%get3A_174], %mul3A_180 {add = true} : memref<10000xf32, #tpu.memory_space<vmem>>[vector<16xi32>], vector<16xf32>,
      %scan3A_181 = arith.constant 3 : i32
      %scan3A_182 = arith.addi %scan3A_134, %scan3A_181 : i32
      %mul3A_183 = arith.constant 1 : i32
      %mul3A_184 = arith.muli %scan3A_182, %mul3A_183 : i32
      %add3A_185 = arith.constant 0 : i32
      %add3A_186 = arith.addi %add3A_185, %mul3A_184 : i32
      %mul3A_187 = arith.constant 16 : i32
      %mul3A_188 = arith.muli %add3A_186, %mul3A_187 : i32
      %get3A_189 = arith.index_cast %mul3A_188 : i32 to index
      %get3A_190 = tpu.vector_load %arg8[%get3A_189] {strides = array<i32>} : memref<2000xi32, #tpu.memory_space<vmem>>, vector<16xi32>,
      %mul3A_191 = arith.constant 16 : i32
      %mul3A_192 = arith.muli %add3A_186, %mul3A_191 : i32
      %get3A_193 = arith.index_cast %mul3A_192 : i32 to index
      %get3A_194 = tpu.vector_load %arg9[%get3A_193] {strides = array<i32>} : memref<2000xf32, #tpu.memory_space<vmem>>, vector<16xf32>,
      %sub3A_195 = arith.subf %get3A_194, %get3A_17 : vector<16xf32>
      %mul3A_196 = arith.mulf %sub3A_195, %get3A_19 : vector<16xf32>
      tpu.vector_store_idx %arg7[%get3A_190], %mul3A_196 {add = true} : memref<10000xf32, #tpu.memory_space<vmem>>[vector<16xi32>], vector<16xf32>,
    }
    %scan3A_71 = arith.constant 124 : i32
    %scan3A_72 = arith.addi %scan3A_67, %scan3A_71 : i32
    %mul3A_73 = arith.constant 1 : i32
    %mul3A_74 = arith.muli %scan3A_72, %mul3A_73 : i32
    %add3A_75 = arith.constant 0 : i32
    %add3A_76 = arith.addi %add3A_75, %mul3A_74 : i32
    %mul3A_77 = arith.constant 16 : i32
    %mul3A_78 = arith.muli %add3A_76, %mul3A_77 : i32
    %get3A_79 = arith.index_cast %mul3A_78 : i32 to index
    %get3A_80 = tpu.vector_load %arg8[%get3A_79] {strides = array<i32>} : memref<2000xi32, #tpu.memory_space<vmem>>, vector<16xi32>,
    %mul3A_81 = arith.constant 16 : i32
    %mul3A_82 = arith.muli %add3A_76, %mul3A_81 : i32
    %get3A_83 = arith.index_cast %mul3A_82 : i32 to index
    %get3A_84 = tpu.vector_load %arg9[%get3A_83] {strides = array<i32>} : memref<2000xf32, #tpu.memory_space<vmem>>, vector<16xf32>,
    %sub3A_85 = arith.subf %get3A_84, %get3A_17 : vector<16xf32>
    %mul3A_86 = arith.mulf %sub3A_85, %get3A_19 : vector<16xf32>
    tpu.vector_store_idx %arg7[%get3A_80], %mul3A_86 {add = true} : memref<10000xf32, #tpu.memory_space<vmem>>[vector<16xi32>], vector<16xf32>,
    %scan3A_87 = arith.constant 125 : i32
    %add3A_88 = arith.constant 6000 : i32
    %add3A_89 = arith.addi %mul3A_2, %add3A_88 : i32
    "tpu.region"() ({
      %run_scoped3A = tpu.sem_alloc : memref<!tpu.dma_semaphore, #tpu.memory_space<semaphore_mem>>
      %dma_start3A = tpu.memref_slice %arg2[%add3A_89] : memref<320000xi32, #tpu.memory_space<hbm>> -> memref<2000xi32, #tpu.memory_space<hbm>>
      %dma_start3A_134 = tpu.memref_slice %arg2[%add3A_89] : memref<320000xi32, #tpu.memory_space<hbm>> -> memref<2000xi32, #tpu.memory_space<hbm>>
      tpu.enqueue_dma source(%dma_start3A_134 : memref<2000xi32, #tpu.memory_space<hbm>>) target(%arg8 : memref<2000xi32, #tpu.memory_space<vmem>>) target_semaphore(%run_scoped3A : memref<!tpu.dma_semaphore, #tpu.memory_space<semaphore_mem>>)
      %dma_wait3A = tpu.memref_slice %arg2[%add3A_89] : memref<320000xi32, #tpu.memory_space<hbm>> -> memref<2000xi32, #tpu.memory_space<hbm>>
      %dma_wait3A_135 = tpu.memref_slice %arg2[%add3A_89] : memref<320000xi32, #tpu.memory_space<hbm>> -> memref<2000xi32, #tpu.memory_space<hbm>>
      tpu.wait_dma2 semaphore(%run_scoped3A : memref<!tpu.dma_semaphore, #tpu.memory_space<semaphore_mem>>) src(%dma_wait3A_135 : memref<2000xi32, #tpu.memory_space<hbm>>) dst(%arg8 : memref<2000xi32, #tpu.memory_space<vmem>>)
      tpu.yield
    }) : () -> ()
    "tpu.region"() ({
      %run_scoped3A = tpu.sem_alloc : memref<!tpu.dma_semaphore, #tpu.memory_space<semaphore_mem>>
      %dma_start3A = tpu.memref_slice %arg3[%add3A_89] : memref<320000xf32, #tpu.memory_space<hbm>> -> memref<2000xf32, #tpu.memory_space<hbm>>
      %dma_start3A_134 = tpu.memref_slice %arg3[%add3A_89] : memref<320000xf32, #tpu.memory_space<hbm>> -> memref<2000xf32, #tpu.memory_space<hbm>>
      tpu.enqueue_dma source(%dma_start3A_134 : memref<2000xf32, #tpu.memory_space<hbm>>) target(%arg9 : memref<2000xf32, #tpu.memory_space<vmem>>) target_semaphore(%run_scoped3A : memref<!tpu.dma_semaphore, #tpu.memory_space<semaphore_mem>>)
      %dma_wait3A = tpu.memref_slice %arg3[%add3A_89] : memref<320000xf32, #tpu.memory_space<hbm>> -> memref<2000xf32, #tpu.memory_space<hbm>>
      %dma_wait3A_135 = tpu.memref_slice %arg3[%add3A_89] : memref<320000xf32, #tpu.memory_space<hbm>> -> memref<2000xf32, #tpu.memory_space<hbm>>
      tpu.wait_dma2 semaphore(%run_scoped3A : memref<!tpu.dma_semaphore, #tpu.memory_space<semaphore_mem>>) src(%dma_wait3A_135 : memref<2000xf32, #tpu.memory_space<hbm>>) dst(%arg9 : memref<2000xf32, #tpu.memory_space<vmem>>)
      tpu.yield
    }) : () -> ()
    %scan3A_90 = arith.constant 0 : i32
    %scan3A_91 = arith.constant 124 : i32
    %scan3A_92 = arith.addi %scan3A_90, %scan3A_91 : i32
    %scan3A_93 = arith.constant 4 : i32
    scf.for %scan3A_134 = %scan3A_90 to %scan3A_92 step %scan3A_93  : i32 {
      %mul3A_135 = arith.constant 1 : i32
      %mul3A_136 = arith.muli %scan3A_134, %mul3A_135 : i32
      %add3A_137 = arith.constant 0 : i32
      %add3A_138 = arith.addi %add3A_137, %mul3A_136 : i32
      %mul3A_139 = arith.constant 16 : i32
      %mul3A_140 = arith.muli %add3A_138, %mul3A_139 : i32
      %get3A_141 = arith.index_cast %mul3A_140 : i32 to index
      %get3A_142 = tpu.vector_load %arg8[%get3A_141] {strides = array<i32>} : memref<2000xi32, #tpu.memory_space<vmem>>, vector<16xi32>,
      %mul3A_143 = arith.constant 16 : i32
      %mul3A_144 = arith.muli %add3A_138, %mul3A_143 : i32
      %get3A_145 = arith.index_cast %mul3A_144 : i32 to index
      %get3A_146 = tpu.vector_load %arg9[%get3A_145] {strides = array<i32>} : memref<2000xf32, #tpu.memory_space<vmem>>, vector<16xf32>,
      %sub3A_147 = arith.subf %get3A_146, %get3A_17 : vector<16xf32>
      %mul3A_148 = arith.mulf %sub3A_147, %get3A_19 : vector<16xf32>
      tpu.vector_store_idx %arg7[%get3A_142], %mul3A_148 {add = true} : memref<10000xf32, #tpu.memory_space<vmem>>[vector<16xi32>], vector<16xf32>,
      %scan3A_149 = arith.constant 1 : i32
      %scan3A_150 = arith.addi %scan3A_134, %scan3A_149 : i32
      %mul3A_151 = arith.constant 1 : i32
      %mul3A_152 = arith.muli %scan3A_150, %mul3A_151 : i32
      %add3A_153 = arith.constant 0 : i32
      %add3A_154 = arith.addi %add3A_153, %mul3A_152 : i32
      %mul3A_155 = arith.constant 16 : i32
      %mul3A_156 = arith.muli %add3A_154, %mul3A_155 : i32
      %get3A_157 = arith.index_cast %mul3A_156 : i32 to index
      %get3A_158 = tpu.vector_load %arg8[%get3A_157] {strides = array<i32>} : memref<2000xi32, #tpu.memory_space<vmem>>, vector<16xi32>,
      %mul3A_159 = arith.constant 16 : i32
      %mul3A_160 = arith.muli %add3A_154, %mul3A_159 : i32
      %get3A_161 = arith.index_cast %mul3A_160 : i32 to index
      %get3A_162 = tpu.vector_load %arg9[%get3A_161] {strides = array<i32>} : memref<2000xf32, #tpu.memory_space<vmem>>, vector<16xf32>,
      %sub3A_163 = arith.subf %get3A_162, %get3A_17 : vector<16xf32>
      %mul3A_164 = arith.mulf %sub3A_163, %get3A_19 : vector<16xf32>
      tpu.vector_store_idx %arg7[%get3A_158], %mul3A_164 {add = true} : memref<10000xf32, #tpu.memory_space<vmem>>[vector<16xi32>], vector<16xf32>,
      %scan3A_165 = arith.constant 2 : i32
      %scan3A_166 = arith.addi %scan3A_134, %scan3A_165 : i32
      %mul3A_167 = arith.constant 1 : i32
      %mul3A_168 = arith.muli %scan3A_166, %mul3A_167 : i32
      %add3A_169 = arith.constant 0 : i32
      %add3A_170 = arith.addi %add3A_169, %mul3A_168 : i32
      %mul3A_171 = arith.constant 16 : i32
      %mul3A_172 = arith.muli %add3A_170, %mul3A_171 : i32
      %get3A_173 = arith.index_cast %mul3A_172 : i32 to index
      %get3A_174 = tpu.vector_load %arg8[%get3A_173] {strides = array<i32>} : memref<2000xi32, #tpu.memory_space<vmem>>, vector<16xi32>,
      %mul3A_175 = arith.constant 16 : i32
      %mul3A_176 = arith.muli %add3A_170, %mul3A_175 : i32
      %get3A_177 = arith.index_cast %mul3A_176 : i32 to index
      %get3A_178 = tpu.vector_load %arg9[%get3A_177] {strides = array<i32>} : memref<2000xf32, #tpu.memory_space<vmem>>, vector<16xf32>,
      %sub3A_179 = arith.subf %get3A_178, %get3A_17 : vector<16xf32>
      %mul3A_180 = arith.mulf %sub3A_179, %get3A_19 : vector<16xf32>
      tpu.vector_store_idx %arg7[%get3A_174], %mul3A_180 {add = true} : memref<10000xf32, #tpu.memory_space<vmem>>[vector<16xi32>], vector<16xf32>,
      %scan3A_181 = arith.constant 3 : i32
      %scan3A_182 = arith.addi %scan3A_134, %scan3A_181 : i32
      %mul3A_183 = arith.constant 1 : i32
      %mul3A_184 = arith.muli %scan3A_182, %mul3A_183 : i32
      %add3A_185 = arith.constant 0 : i32
      %add3A_186 = arith.addi %add3A_185, %mul3A_184 : i32
      %mul3A_187 = arith.constant 16 : i32
      %mul3A_188 = arith.muli %add3A_186, %mul3A_187 : i32
      %get3A_189 = arith.index_cast %mul3A_188 : i32 to index
      %get3A_190 = tpu.vector_load %arg8[%get3A_189] {strides = array<i32>} : memref<2000xi32, #tpu.memory_space<vmem>>, vector<16xi32>,
      %mul3A_191 = arith.constant 16 : i32
      %mul3A_192 = arith.muli %add3A_186, %mul3A_191 : i32
      %get3A_193 = arith.index_cast %mul3A_192 : i32 to index
      %get3A_194 = tpu.vector_load %arg9[%get3A_193] {strides = array<i32>} : memref<2000xf32, #tpu.memory_space<vmem>>, vector<16xf32>,
      %sub3A_195 = arith.subf %get3A_194, %get3A_17 : vector<16xf32>
      %mul3A_196 = arith.mulf %sub3A_195, %get3A_19 : vector<16xf32>
      tpu.vector_store_idx %arg7[%get3A_190], %mul3A_196 {add = true} : memref<10000xf32, #tpu.memory_space<vmem>>[vector<16xi32>], vector<16xf32>,
    }
    %scan3A_94 = arith.constant 124 : i32
    %scan3A_95 = arith.addi %scan3A_90, %scan3A_94 : i32
    %mul3A_96 = arith.constant 1 : i32
    %mul3A_97 = arith.muli %scan3A_95, %mul3A_96 : i32
    %add3A_98 = arith.constant 0 : i32
    %add3A_99 = arith.addi %add3A_98, %mul3A_97 : i32
    %mul3A_100 = arith.constant 16 : i32
    %mul3A_101 = arith.muli %add3A_99, %mul3A_100 : i32
    %get3A_102 = arith.index_cast %mul3A_101 : i32 to index
    %get3A_103 = tpu.vector_load %arg8[%get3A_102] {strides = array<i32>} : memref<2000xi32, #tpu.memory_space<vmem>>, vector<16xi32>,
    %mul3A_104 = arith.constant 16 : i32
    %mul3A_105 = arith.muli %add3A_99, %mul3A_104 : i32
    %get3A_106 = arith.index_cast %mul3A_105 : i32 to index
    %get3A_107 = tpu.vector_load %arg9[%get3A_106] {strides = array<i32>} : memref<2000xf32, #tpu.memory_space<vmem>>, vector<16xf32>,
    %sub3A_108 = arith.subf %get3A_107, %get3A_17 : vector<16xf32>
    %mul3A_109 = arith.mulf %sub3A_108, %get3A_19 : vector<16xf32>
    tpu.vector_store_idx %arg7[%get3A_103], %mul3A_109 {add = true} : memref<10000xf32, #tpu.memory_space<vmem>>[vector<16xi32>], vector<16xf32>,
    %scan3A_110 = arith.constant 125 : i32
    %add3A_111 = arith.constant 8000 : i32
    %add3A_112 = arith.addi %mul3A_2, %add3A_111 : i32
    "tpu.region"() ({
      %run_scoped3A = tpu.sem_alloc : memref<!tpu.dma_semaphore, #tpu.memory_space<semaphore_mem>>
      %dma_start3A = tpu.memref_slice %arg2[%add3A_112] : memref<320000xi32, #tpu.memory_space<hbm>> -> memref<2000xi32, #tpu.memory_space<hbm>>
      %dma_start3A_134 = tpu.memref_slice %arg2[%add3A_112] : memref<320000xi32, #tpu.memory_space<hbm>> -> memref<2000xi32, #tpu.memory_space<hbm>>
      tpu.enqueue_dma source(%dma_start3A_134 : memref<2000xi32, #tpu.memory_space<hbm>>) target(%arg8 : memref<2000xi32, #tpu.memory_space<vmem>>) target_semaphore(%run_scoped3A : memref<!tpu.dma_semaphore, #tpu.memory_space<semaphore_mem>>)
      %dma_wait3A = tpu.memref_slice %arg2[%add3A_112] : memref<320000xi32, #tpu.memory_space<hbm>> -> memref<2000xi32, #tpu.memory_space<hbm>>
      %dma_wait3A_135 = tpu.memref_slice %arg2[%add3A_112] : memref<320000xi32, #tpu.memory_space<hbm>> -> memref<2000xi32, #tpu.memory_space<hbm>>
      tpu.wait_dma2 semaphore(%run_scoped3A : memref<!tpu.dma_semaphore, #tpu.memory_space<semaphore_mem>>) src(%dma_wait3A_135 : memref<2000xi32, #tpu.memory_space<hbm>>) dst(%arg8 : memref<2000xi32, #tpu.memory_space<vmem>>)
      tpu.yield
    }) : () -> ()
    "tpu.region"() ({
      %run_scoped3A = tpu.sem_alloc : memref<!tpu.dma_semaphore, #tpu.memory_space<semaphore_mem>>
      %dma_start3A = tpu.memref_slice %arg3[%add3A_112] : memref<320000xf32, #tpu.memory_space<hbm>> -> memref<2000xf32, #tpu.memory_space<hbm>>
      %dma_start3A_134 = tpu.memref_slice %arg3[%add3A_112] : memref<320000xf32, #tpu.memory_space<hbm>> -> memref<2000xf32, #tpu.memory_space<hbm>>
      tpu.enqueue_dma source(%dma_start3A_134 : memref<2000xf32, #tpu.memory_space<hbm>>) target(%arg9 : memref<2000xf32, #tpu.memory_space<vmem>>) target_semaphore(%run_scoped3A : memref<!tpu.dma_semaphore, #tpu.memory_space<semaphore_mem>>)
      %dma_wait3A = tpu.memref_slice %arg3[%add3A_112] : memref<320000xf32, #tpu.memory_space<hbm>> -> memref<2000xf32, #tpu.memory_space<hbm>>
      %dma_wait3A_135 = tpu.memref_slice %arg3[%add3A_112] : memref<320000xf32, #tpu.memory_space<hbm>> -> memref<2000xf32, #tpu.memory_space<hbm>>
      tpu.wait_dma2 semaphore(%run_scoped3A : memref<!tpu.dma_semaphore, #tpu.memory_space<semaphore_mem>>) src(%dma_wait3A_135 : memref<2000xf32, #tpu.memory_space<hbm>>) dst(%arg9 : memref<2000xf32, #tpu.memory_space<vmem>>)
      tpu.yield
    }) : () -> ()
    %scan3A_113 = arith.constant 0 : i32
    %scan3A_114 = arith.constant 124 : i32
    %scan3A_115 = arith.addi %scan3A_113, %scan3A_114 : i32
    %scan3A_116 = arith.constant 4 : i32
    scf.for %scan3A_134 = %scan3A_113 to %scan3A_115 step %scan3A_116  : i32 {
      %mul3A_135 = arith.constant 1 : i32
      %mul3A_136 = arith.muli %scan3A_134, %mul3A_135 : i32
      %add3A_137 = arith.constant 0 : i32
      %add3A_138 = arith.addi %add3A_137, %mul3A_136 : i32
      %mul3A_139 = arith.constant 16 : i32
      %mul3A_140 = arith.muli %add3A_138, %mul3A_139 : i32
      %get3A_141 = arith.index_cast %mul3A_140 : i32 to index
      %get3A_142 = tpu.vector_load %arg8[%get3A_141] {strides = array<i32>} : memref<2000xi32, #tpu.memory_space<vmem>>, vector<16xi32>,
      %mul3A_143 = arith.constant 16 : i32
      %mul3A_144 = arith.muli %add3A_138, %mul3A_143 : i32
      %get3A_145 = arith.index_cast %mul3A_144 : i32 to index
      %get3A_146 = tpu.vector_load %arg9[%get3A_145] {strides = array<i32>} : memref<2000xf32, #tpu.memory_space<vmem>>, vector<16xf32>,
      %sub3A_147 = arith.subf %get3A_146, %get3A_17 : vector<16xf32>
      %mul3A_148 = arith.mulf %sub3A_147, %get3A_19 : vector<16xf32>
      tpu.vector_store_idx %arg7[%get3A_142], %mul3A_148 {add = true} : memref<10000xf32, #tpu.memory_space<vmem>>[vector<16xi32>], vector<16xf32>,
      %scan3A_149 = arith.constant 1 : i32
      %scan3A_150 = arith.addi %scan3A_134, %scan3A_149 : i32
      %mul3A_151 = arith.constant 1 : i32
      %mul3A_152 = arith.muli %scan3A_150, %mul3A_151 : i32
      %add3A_153 = arith.constant 0 : i32
      %add3A_154 = arith.addi %add3A_153, %mul3A_152 : i32
      %mul3A_155 = arith.constant 16 : i32
      %mul3A_156 = arith.muli %add3A_154, %mul3A_155 : i32
      %get3A_157 = arith.index_cast %mul3A_156 : i32 to index
      %get3A_158 = tpu.vector_load %arg8[%get3A_157] {strides = array<i32>} : memref<2000xi32, #tpu.memory_space<vmem>>, vector<16xi32>,
      %mul3A_159 = arith.constant 16 : i32
      %mul3A_160 = arith.muli %add3A_154, %mul3A_159 : i32
      %get3A_161 = arith.index_cast %mul3A_160 : i32 to index
      %get3A_162 = tpu.vector_load %arg9[%get3A_161] {strides = array<i32>} : memref<2000xf32, #tpu.memory_space<vmem>>, vector<16xf32>,
      %sub3A_163 = arith.subf %get3A_162, %get3A_17 : vector<16xf32>
      %mul3A_164 = arith.mulf %sub3A_163, %get3A_19 : vector<16xf32>
      tpu.vector_store_idx %arg7[%get3A_158], %mul3A_164 {add = true} : memref<10000xf32, #tpu.memory_space<vmem>>[vector<16xi32>], vector<16xf32>,
      %scan3A_165 = arith.constant 2 : i32
      %scan3A_166 = arith.addi %scan3A_134, %scan3A_165 : i32
      %mul3A_167 = arith.constant 1 : i32
      %mul3A_168 = arith.muli %scan3A_166, %mul3A_167 : i32
      %add3A_169 = arith.constant 0 : i32
      %add3A_170 = arith.addi %add3A_169, %mul3A_168 : i32
      %mul3A_171 = arith.constant 16 : i32
      %mul3A_172 = arith.muli %add3A_170, %mul3A_171 : i32
      %get3A_173 = arith.index_cast %mul3A_172 : i32 to index
      %get3A_174 = tpu.vector_load %arg8[%get3A_173] {strides = array<i32>} : memref<2000xi32, #tpu.memory_space<vmem>>, vector<16xi32>,
      %mul3A_175 = arith.constant 16 : i32
      %mul3A_176 = arith.muli %add3A_170, %mul3A_175 : i32
      %get3A_177 = arith.index_cast %mul3A_176 : i32 to index
      %get3A_178 = tpu.vector_load %arg9[%get3A_177] {strides = array<i32>} : memref<2000xf32, #tpu.memory_space<vmem>>, vector<16xf32>,
      %sub3A_179 = arith.subf %get3A_178, %get3A_17 : vector<16xf32>
      %mul3A_180 = arith.mulf %sub3A_179, %get3A_19 : vector<16xf32>
      tpu.vector_store_idx %arg7[%get3A_174], %mul3A_180 {add = true} : memref<10000xf32, #tpu.memory_space<vmem>>[vector<16xi32>], vector<16xf32>,
      %scan3A_181 = arith.constant 3 : i32
      %scan3A_182 = arith.addi %scan3A_134, %scan3A_181 : i32
      %mul3A_183 = arith.constant 1 : i32
      %mul3A_184 = arith.muli %scan3A_182, %mul3A_183 : i32
      %add3A_185 = arith.constant 0 : i32
      %add3A_186 = arith.addi %add3A_185, %mul3A_184 : i32
      %mul3A_187 = arith.constant 16 : i32
      %mul3A_188 = arith.muli %add3A_186, %mul3A_187 : i32
      %get3A_189 = arith.index_cast %mul3A_188 : i32 to index
      %get3A_190 = tpu.vector_load %arg8[%get3A_189] {strides = array<i32>} : memref<2000xi32, #tpu.memory_space<vmem>>, vector<16xi32>,
      %mul3A_191 = arith.constant 16 : i32
      %mul3A_192 = arith.muli %add3A_186, %mul3A_191 : i32
      %get3A_193 = arith.index_cast %mul3A_192 : i32 to index
      %get3A_194 = tpu.vector_load %arg9[%get3A_193] {strides = array<i32>} : memref<2000xf32, #tpu.memory_space<vmem>>, vector<16xf32>,
      %sub3A_195 = arith.subf %get3A_194, %get3A_17 : vector<16xf32>
      %mul3A_196 = arith.mulf %sub3A_195, %get3A_19 : vector<16xf32>
      tpu.vector_store_idx %arg7[%get3A_190], %mul3A_196 {add = true} : memref<10000xf32, #tpu.memory_space<vmem>>[vector<16xi32>], vector<16xf32>,
    }
    %scan3A_117 = arith.constant 124 : i32
    %scan3A_118 = arith.addi %scan3A_113, %scan3A_117 : i32
    %mul3A_119 = arith.constant 1 : i32
    %mul3A_120 = arith.muli %scan3A_118, %mul3A_119 : i32
    %add3A_121 = arith.constant 0 : i32
    %add3A_122 = arith.addi %add3A_121, %mul3A_120 : i32
    %mul3A_123 = arith.constant 16 : i32
    %mul3A_124 = arith.muli %add3A_122, %mul3A_123 : i32
    %get3A_125 = arith.index_cast %mul3A_124 : i32 to index
    %get3A_126 = tpu.vector_load %arg8[%get3A_125] {strides = array<i32>} : memref<2000xi32, #tpu.memory_space<vmem>>, vector<16xi32>,
    %mul3A_127 = arith.constant 16 : i32
    %mul3A_128 = arith.muli %add3A_122, %mul3A_127 : i32
    %get3A_129 = arith.index_cast %mul3A_128 : i32 to index
    %get3A_130 = tpu.vector_load %arg9[%get3A_129] {strides = array<i32>} : memref<2000xf32, #tpu.memory_space<vmem>>, vector<16xf32>,
    %sub3A_131 = arith.subf %get3A_130, %get3A_17 : vector<16xf32>
    %mul3A_132 = arith.mulf %sub3A_131, %get3A_19 : vector<16xf32>
    tpu.vector_store_idx %arg7[%get3A_126], %mul3A_132 {add = true} : memref<10000xf32, #tpu.memory_space<vmem>>[vector<16xi32>], vector<16xf32>,
    %scan3A_133 = arith.constant 125 : i32
    "tpu.region"() ({
      %run_scoped3A = tpu.sem_alloc : memref<!tpu.dma_semaphore, #tpu.memory_space<semaphore_mem>>
      %dma_start3A = arith.constant 0 : i32
      %dma_start3A_134 = tpu.memref_slice %arg6[%add3A, %dma_start3A] : memref<32x10000xf32, #tpu.memory_space<hbm>> -> memref<1x10000xf32, #tpu.memory_space<hbm>>
      %dma_start3A_135 = tpu.memref_squeeze %dma_start3A_134 : memref<1x10000xf32, #tpu.memory_space<hbm>> -> memref<10000xf32, #tpu.memory_space<hbm>>
      %dma_start3A_136 = arith.constant 0 : i32
      %dma_start3A_137 = tpu.memref_slice %arg6[%add3A, %dma_start3A_136] : memref<32x10000xf32, #tpu.memory_space<hbm>> -> memref<1x10000xf32, #tpu.memory_space<hbm>>
      %dma_start3A_138 = tpu.memref_squeeze %dma_start3A_137 : memref<1x10000xf32, #tpu.memory_space<hbm>> -> memref<10000xf32, #tpu.memory_space<hbm>>
      tpu.enqueue_dma source(%arg7 : memref<10000xf32, #tpu.memory_space<vmem>>) target(%dma_start3A_138 : memref<10000xf32, #tpu.memory_space<hbm>>) target_semaphore(%run_scoped3A : memref<!tpu.dma_semaphore, #tpu.memory_space<semaphore_mem>>)
      %dma_wait3A = arith.constant 0 : i32
      %dma_wait3A_139 = tpu.memref_slice %arg6[%add3A, %dma_wait3A] : memref<32x10000xf32, #tpu.memory_space<hbm>> -> memref<1x10000xf32, #tpu.memory_space<hbm>>
      %dma_wait3A_140 = tpu.memref_squeeze %dma_wait3A_139 : memref<1x10000xf32, #tpu.memory_space<hbm>> -> memref<10000xf32, #tpu.memory_space<hbm>>
      %dma_wait3A_141 = arith.constant 0 : i32
      %dma_wait3A_142 = tpu.memref_slice %arg6[%add3A, %dma_wait3A_141] : memref<32x10000xf32, #tpu.memory_space<hbm>> -> memref<1x10000xf32, #tpu.memory_space<hbm>>
      %dma_wait3A_143 = tpu.memref_squeeze %dma_wait3A_142 : memref<1x10000xf32, #tpu.memory_space<hbm>> -> memref<10000xf32, #tpu.memory_space<hbm>>
      tpu.wait_dma2 semaphore(%run_scoped3A : memref<!tpu.dma_semaphore, #tpu.memory_space<semaphore_mem>>) src(%arg7 : memref<10000xf32, #tpu.memory_space<vmem>>) dst(%dma_wait3A_143 : memref<10000xf32, #tpu.memory_space<hbm>>)
      tpu.yield
    }) : () -> ()
    return
  }
}

module attributes {stable_mosaic.version = 14 : i64} {
  func.func @_k3_body(%arg0: memref<32x10000xf32, #tpu.memory_space<vmem>>, %arg1: memref<1x10000xf32, #tpu.memory_space<vmem>>) attributes {dimension_semantics = [], scalar_prefetch = 0 : i64, scratch_operands = 0 : i64, tpu.core_type = #tpu.core_type<tc>} {
    %get3A = arith.constant 0 : index
    %get3A_0 = arith.constant 0 : index
    %get3A_1 = vector.load %arg0[%get3A, %get3A_0] : memref<32x10000xf32, #tpu.memory_space<vmem>>, vector<32x10000xf32>
    %reduce_sum3A = arith.constant dense<0.000000e+00> : vector<10000xf32>
    %reduce_sum3A_2 = vector.multi_reduction <add>, %get3A_1, %reduce_sum3A [0] : vector<32x10000xf32> to vector<10000xf32>
    %broadcast_in_dim3A = vector.shape_cast %reduce_sum3A_2 : vector<10000xf32> to vector<1x10000xf32>
    %add3A = arith.constant 1.000000e+00 : f32
    %add3A_3 = vector.broadcast %add3A : f32 to vector<1x10000xf32>
    %add3A_4 = arith.addf %broadcast_in_dim3A, %add3A_3 : vector<1x10000xf32>
    %rsqrt3A = math.rsqrt %add3A_4 : vector<1x10000xf32>
    %swap3A = arith.constant 0 : index
    %swap3A_5 = arith.constant 0 : index
    %swap3A_6 = vector.load %arg1[%swap3A, %swap3A_5] : memref<1x10000xf32, #tpu.memory_space<vmem>>, vector<1x10000xf32>
    tpu.vector_store %arg1[%swap3A, %swap3A_5], %rsqrt3A {strides = array<i32>} : memref<1x10000xf32, #tpu.memory_space<vmem>>, vector<1x10000xf32>,
    return
  }
}

module attributes {stable_mosaic.version = 14 : i64} {
  func.func @_k1_body(%arg0: memref<2500x128xf32, #tpu.memory_space<vmem>>, %arg1: memref<1x1xf32, #tpu.memory_space<smem>>, %arg2: memref<1x1xf32, #tpu.memory_space<smem>>) attributes {dimension_semantics = [], scalar_prefetch = 0 : i64, scratch_operands = 0 : i64, tpu.core_type = #tpu.core_type<tc>} {
    %get3A = arith.constant 0 : index
    %get3A_0 = arith.constant 0 : index
    %get3A_1 = vector.load %arg0[%get3A, %get3A_0] : memref<2500x128xf32, #tpu.memory_space<vmem>>, vector<2500x128xf32>
    %reduce_min3A = vector.shape_cast %get3A_1 : vector<2500x128xf32> to vector<1x2500x128xf32>
    %reduce_min3A_2 = arith.constant dense<0x7F800000> : vector<1xf32>
    %reduce_min3A_3 = vector.multi_reduction <minimumf>, %reduce_min3A, %reduce_min3A_2 [1, 2] : vector<1x2500x128xf32> to vector<1xf32>
    %reduce_min3A_4 = vector.shape_cast %reduce_min3A_3 : vector<1xf32> to vector<1x1x1xf32>
    %reduce_min3A_5 = vector.extract %reduce_min3A_4[0, 0, 0] : f32 from vector<1x1x1xf32>
    %reduce_max3A = vector.shape_cast %get3A_1 : vector<2500x128xf32> to vector<1x2500x128xf32>
    %reduce_max3A_6 = arith.constant dense<0xFF800000> : vector<1xf32>
    %reduce_max3A_7 = vector.multi_reduction <maximumf>, %reduce_max3A, %reduce_max3A_6 [1, 2] : vector<1x2500x128xf32> to vector<1xf32>
    %reduce_max3A_8 = vector.shape_cast %reduce_max3A_7 : vector<1xf32> to vector<1x1x1xf32>
    %reduce_max3A_9 = vector.extract %reduce_max3A_8[0, 0, 0] : f32 from vector<1x1x1xf32>
    %swap3A = arith.constant 0 : index
    %swap3A_10 = arith.constant 0 : index
    %swap3A_11 = memref.load %arg1[%swap3A, %swap3A_10] : memref<1x1xf32, #tpu.memory_space<smem>>
    memref.store %reduce_min3A_5, %arg1[%swap3A, %swap3A_10] : memref<1x1xf32, #tpu.memory_space<smem>>
    %sub3A = arith.subf %reduce_max3A_9, %reduce_min3A_5 : f32
    %div3A = arith.constant 1.000000e+00 : f32
    %div3A_12 = arith.divf %div3A, %sub3A : f32
    %swap3A_13 = arith.constant 0 : index
    %swap3A_14 = arith.constant 0 : index
    %swap3A_15 = memref.load %arg2[%swap3A_13, %swap3A_14] : memref<1x1xf32, #tpu.memory_space<smem>>
    memref.store %div3A_12, %arg2[%swap3A_13, %swap3A_14] : memref<1x1xf32, #tpu.memory_space<smem>>
    return
  }
}

module attributes {stable_mosaic.version = 14 : i64} {
  func.func @_k5_body(%arg0: i32, %arg1: memref<2x1000x128xf32, #tpu.memory_space<vmem>>, %arg2: memref<1000x128xf32, #tpu.memory_space<vmem>>, %arg3: memref<1000x1xf32, #tpu.memory_space<vmem>>, %arg4: memref<128x128xf32, #tpu.memory_space<vmem>>, %arg5: memref<1x128xf32, #tpu.memory_space<vmem>>, %arg6: memref<128x128xf32, #tpu.memory_space<vmem>>, %arg7: memref<1x128xf32, #tpu.memory_space<vmem>>, %arg8: memref<128x128xf32, #tpu.memory_space<vmem>>, %arg9: memref<1x128xf32, #tpu.memory_space<vmem>>, %arg10: memref<1000x384xf32, #tpu.memory_space<vmem>>) attributes {dimension_semantics = [#tpu.dimension_semantics<arbitrary>], iteration_bounds = array<i64: 10>, scalar_prefetch = 0 : i64, scratch_operands = 0 : i64, tpu.core_type = #tpu.core_type<tc>, window_params = [{transform_indices = @transform_0, window_bounds = array<i64: 2, 1000, 128>}, {transform_indices = @transform_1, window_bounds = array<i64: 1000, 128>}, {transform_indices = @transform_2, window_bounds = array<i64: 1000, 1>}, {pipeline_mode = #tpu.pipeline_mode<synchronous>, transform_indices = @transform_3, window_bounds = array<i64: 128, 128>}, {pipeline_mode = #tpu.pipeline_mode<synchronous>, transform_indices = @transform_4, window_bounds = array<i64: 1, 128>}, {pipeline_mode = #tpu.pipeline_mode<synchronous>, transform_indices = @transform_5, window_bounds = array<i64: 128, 128>}, {pipeline_mode = #tpu.pipeline_mode<synchronous>, transform_indices = @transform_6, window_bounds = array<i64: 1, 128>}, {pipeline_mode = #tpu.pipeline_mode<synchronous>, transform_indices = @transform_7, window_bounds = array<i64: 128, 128>}, {pipeline_mode = #tpu.pipeline_mode<synchronous>, transform_indices = @transform_8, window_bounds = array<i64: 1, 128>}, {transform_indices = @transform_9, window_bounds = array<i64: 1000, 384>}]} {
    %get3A = arith.constant 0 : index
    %get3A_0 = arith.constant 0 : index
    %get3A_1 = vector.load %arg3[%get3A, %get3A_0] : memref<1000x1xf32, #tpu.memory_space<vmem>>, vector<1000x1xf32>
    %get3A_2 = arith.constant 0 : index
    %get3A_3 = arith.constant 0 : index
    %get3A_4 = arith.constant 0 : index
    %get3A_5 = vector.load %arg1[%get3A_2, %get3A_3, %get3A_4] : memref<2x1000x128xf32, #tpu.memory_space<vmem>>, vector<1x1000x128xf32>
    %get3A_6 = vector.shape_cast %get3A_5 : vector<1x1000x128xf32> to vector<1000x128xf32>
    %get3A_7 = arith.constant 1 : index
    %get3A_8 = arith.constant 0 : index
    %get3A_9 = arith.constant 0 : index
    %get3A_10 = vector.load %arg1[%get3A_7, %get3A_8, %get3A_9] : memref<2x1000x128xf32, #tpu.memory_space<vmem>>, vector<1x1000x128xf32>
    %get3A_11 = vector.shape_cast %get3A_10 : vector<1x1000x128xf32> to vector<1000x128xf32>
    %add3A = arith.addf %get3A_6, %get3A_11 : vector<1000x128xf32>
    %get3A_12 = arith.constant 0 : index
    %get3A_13 = arith.constant 0 : index
    %get3A_14 = vector.load %arg2[%get3A_12, %get3A_13] : memref<1000x128xf32, #tpu.memory_space<vmem>>, vector<1000x128xf32>
    %mul3A = arith.mulf %get3A_1, %get3A_1 : vector<1000x1xf32>
    %mul3A_15 = vector.broadcast %mul3A : vector<1000x1xf32> to vector<1000x128xf32>
    %mul3A_16 = arith.mulf %get3A_14, %mul3A_15 : vector<1000x128xf32>
    %add3A_17 = arith.addf %add3A, %mul3A_16 : vector<1000x128xf32>
    %get3A_18 = arith.constant 0 : index
    %get3A_19 = arith.constant 0 : index
    %get3A_20 = vector.load %arg4[%get3A_18, %get3A_19] : memref<128x128xf32, #tpu.memory_space<vmem>>, vector<128x128xf32>
    %dot_general3A = arith.constant dense<0.000000e+00> : vector<1000x128xf32>
    %dot_general3A_21 = tpu.matmul %add3A_17, %get3A_20, %dot_general3A {dimension_numbers = #tpu.dot_dimension_numbers<[1], [0], [0], [1], [0, 0, 1, 1], [], []>, transpose_lhs_hint = false} : vector<1000x128xf32>, vector<128x128xf32>, vector<1000x128xf32> -> vector<1000x128xf32>
    %get3A_22 = arith.constant 0 : index
    %get3A_23 = arith.constant 0 : index
    %get3A_24 = vector.load %arg5[%get3A_22, %get3A_23] : memref<1x128xf32, #tpu.memory_space<vmem>>, vector<1x128xf32>
    %add3A_25 = vector.broadcast %get3A_24 : vector<1x128xf32> to vector<1000x128xf32>
    %add3A_26 = arith.addf %dot_general3A_21, %add3A_25 : vector<1000x128xf32>
    %swap3A = arith.constant 0 : index
    %swap3A_27 = arith.constant 0 : index
    %swap3A_28 = vector.load %arg10[%swap3A, %swap3A_27] : memref<1000x384xf32, #tpu.memory_space<vmem>>, vector<1000x128xf32>
    tpu.vector_store %arg10[%swap3A, %swap3A_27], %add3A_26 {strides = array<i32>} : memref<1000x384xf32, #tpu.memory_space<vmem>>, vector<1000x128xf32>,
    %get3A_29 = arith.constant 0 : index
    %get3A_30 = arith.constant 0 : index
    %get3A_31 = vector.load %arg6[%get3A_29, %get3A_30] : memref<128x128xf32, #tpu.memory_space<vmem>>, vector<128x128xf32>
    %dot_general3A_32 = arith.constant dense<0.000000e+00> : vector<1000x128xf32>
    %dot_general3A_33 = tpu.matmul %add3A_17, %get3A_31, %dot_general3A_32 {dimension_numbers = #tpu.dot_dimension_numbers<[1], [0], [0], [1], [0, 0, 1, 1], [], []>, transpose_lhs_hint = false} : vector<1000x128xf32>, vector<128x128xf32>, vector<1000x128xf32> -> vector<1000x128xf32>
    %get3A_34 = arith.constant 0 : index
    %get3A_35 = arith.constant 0 : index
    %get3A_36 = vector.load %arg7[%get3A_34, %get3A_35] : memref<1x128xf32, #tpu.memory_space<vmem>>, vector<1x128xf32>
    %add3A_37 = vector.broadcast %get3A_36 : vector<1x128xf32> to vector<1000x128xf32>
    %add3A_38 = arith.addf %dot_general3A_33, %add3A_37 : vector<1000x128xf32>
    %swap3A_39 = arith.constant 0 : index
    %swap3A_40 = arith.constant 128 : index
    %swap3A_41 = vector.load %arg10[%swap3A_39, %swap3A_40] : memref<1000x384xf32, #tpu.memory_space<vmem>>, vector<1000x128xf32>
    tpu.vector_store %arg10[%swap3A_39, %swap3A_40], %add3A_38 {strides = array<i32>} : memref<1000x384xf32, #tpu.memory_space<vmem>>, vector<1000x128xf32>,
    %get3A_42 = arith.constant 0 : index
    %get3A_43 = arith.constant 0 : index
    %get3A_44 = vector.load %arg8[%get3A_42, %get3A_43] : memref<128x128xf32, #tpu.memory_space<vmem>>, vector<128x128xf32>
    %dot_general3A_45 = arith.constant dense<0.000000e+00> : vector<1000x128xf32>
    %dot_general3A_46 = tpu.matmul %add3A_17, %get3A_44, %dot_general3A_45 {dimension_numbers = #tpu.dot_dimension_numbers<[1], [0], [0], [1], [0, 0, 1, 1], [], []>, transpose_lhs_hint = false} : vector<1000x128xf32>, vector<128x128xf32>, vector<1000x128xf32> -> vector<1000x128xf32>
    %get3A_47 = arith.constant 0 : index
    %get3A_48 = arith.constant 0 : index
    %get3A_49 = vector.load %arg9[%get3A_47, %get3A_48] : memref<1x128xf32, #tpu.memory_space<vmem>>, vector<1x128xf32>
    %add3A_50 = vector.broadcast %get3A_49 : vector<1x128xf32> to vector<1000x128xf32>
    %add3A_51 = arith.addf %dot_general3A_46, %add3A_50 : vector<1000x128xf32>
    %swap3A_52 = arith.constant 0 : index
    %swap3A_53 = arith.constant 256 : index
    %swap3A_54 = vector.load %arg10[%swap3A_52, %swap3A_53] : memref<1000x384xf32, #tpu.memory_space<vmem>>, vector<1000x128xf32>
    tpu.vector_store %arg10[%swap3A_52, %swap3A_53], %add3A_51 {strides = array<i32>} : memref<1000x384xf32, #tpu.memory_space<vmem>>, vector<1000x128xf32>,
    return
  }
  func.func @transform_0(%arg0: i32) -> (i32, i32, i32) {
    %c0_i32 = arith.constant 0 : i32
    %c0_i32_0 = arith.constant 0 : i32
    %c0_i32_1 = arith.constant 0 : i32
    return %c0_i32, %arg0, %c0_i32_0 : i32, i32, i32
  }
  func.func @transform_1(%arg0: i32) -> (i32, i32) {
    %c0_i32 = arith.constant 0 : i32
    %c0_i32_0 = arith.constant 0 : i32
    return %arg0, %c0_i32 : i32, i32
  }
  func.func @transform_2(%arg0: i32) -> (i32, i32) {
    %c0_i32 = arith.constant 0 : i32
    %c0_i32_0 = arith.constant 0 : i32
    return %arg0, %c0_i32 : i32, i32
  }
  func.func @transform_3(%arg0: i32) -> (i32, i32) {
    %c0_i32 = arith.constant 0 : i32
    %c0_i32_0 = arith.constant 0 : i32
    %c0_i32_1 = arith.constant 0 : i32
    return %c0_i32, %c0_i32_0 : i32, i32
  }
  func.func @transform_4(%arg0: i32) -> (i32, i32) {
    %c0_i32 = arith.constant 0 : i32
    %c0_i32_0 = arith.constant 0 : i32
    %c0_i32_1 = arith.constant 0 : i32
    return %c0_i32, %c0_i32_0 : i32, i32
  }
  func.func @transform_5(%arg0: i32) -> (i32, i32) {
    %c0_i32 = arith.constant 0 : i32
    %c0_i32_0 = arith.constant 0 : i32
    %c0_i32_1 = arith.constant 0 : i32
    return %c0_i32, %c0_i32_0 : i32, i32
  }
  func.func @transform_6(%arg0: i32) -> (i32, i32) {
    %c0_i32 = arith.constant 0 : i32
    %c0_i32_0 = arith.constant 0 : i32
    %c0_i32_1 = arith.constant 0 : i32
    return %c0_i32, %c0_i32_0 : i32, i32
  }
  func.func @transform_7(%arg0: i32) -> (i32, i32) {
    %c0_i32 = arith.constant 0 : i32
    %c0_i32_0 = arith.constant 0 : i32
    %c0_i32_1 = arith.constant 0 : i32
    return %c0_i32, %c0_i32_0 : i32, i32
  }
  func.func @transform_8(%arg0: i32) -> (i32, i32) {
    %c0_i32 = arith.constant 0 : i32
    %c0_i32_0 = arith.constant 0 : i32
    %c0_i32_1 = arith.constant 0 : i32
    return %c0_i32, %c0_i32_0 : i32, i32
  }
  func.func @transform_9(%arg0: i32) -> (i32, i32) {
    %c0_i32 = arith.constant 0 : i32
    %c0_i32_0 = arith.constant 0 : i32
    return %arg0, %c0_i32 : i32, i32
  }
}

</mosaic_0001>

<sc_bundles>
// kernel: kernel.10.cloned.1.call-start
scs
__scs_entry_jumppad:
0x0: {  	(pc) =	sbr.rel $0x88, $3  }
0x1: {  	(tag) =	ssettag $0x0;
	lr =	simm.s32 $0x1  }
0x2: {  	[smem:$0x3F98] =	sst lr;
	_ =	strace $0xD0000000  }
0x3: {  	_ = 	snop  }
0x4: {  	_ = 	snop  }
0x5: {  	_ = 	snop  }
0x6: {  	_ = 	snop  }
0x7: {  	_ = 	snop  }
__scs_overlays_trampoline_lowered:
0x8: {  	[smem:$0x3FA7] =	sst s0  }
0x9: {  	[smem:$0x3FA8] =	sst s1  }
0xa: {  	[smem:$0x3FA9] =	sst s2  }
0xb: {  	[smem:$0x3FAA] =	sst s3  }
0xc: {  	[smem:$0x3FAB] =	sst s4  }
0xd: {  	[smem:$0x3FAC] =	sst s5  }
0xe: {  	[smem:$0x3FAD] =	sst s6  }
0xf: {  	[smem:$0x3FAE] =	sst s7  }
0x10: {  	[smem:$0x3FAF] =	sst s8  }
0x11: {  	[smem:$0x3FB0] =	sst s9;
	s0 =	simm.s32 @!p0 $0x0  }
0x12: {  	s1 =	sld [smem:$0x3F96];
	s0 =	simm.s32 @p0 $0x1  }
0x13: {  	[smem:$0x3FB1] =	sst s0;
	s0 =	simm.s32 @!p1 $0x0  }
0x14: {  	s2 =	sld [smem:$0x3F95];
	s0 =	simm.s32 @p1 $0x1  }
0x15: {  	[smem:$0x3FB2] =	sst s0;
	s0 =	simm.s32 @!p2 $0x0  }
0x16: {  	s3 =	sld [smem:$0x3FDB];
	s0 =	simm.s32 @p2 $0x1  }
0x17: {  	s4 =	simm.s32 $0x1BF5;
	[smem:$0x3FB4] =	sst s0  }
0x18: {  	s0 =	sld [smem:$0x3F97];
	_ =	swait.ge [sflag:s4], $0x0  }
0x19: {  	s7 =	sld [smem:$0x3F98]  }
0x1a: {  	s8 =	sadd.s32 $0xFFFFE003, lr  }
0x1b: {  	s9 =	sadd.s32 $0xFFFFFEF7, lr;
	s5 =	simm.s32 $0xFFFFFFFF;
	p2 =	slt.u32 s8, $0xFFFFF086  }
0x1c: {  	p1 =	slt.u32 s9, $0xF7A;
	s5 =	simm.s32 @!p2 $0x0  }
0x1d: {  	s5 =	simm.s32 @p1 $0x1;
	p0 =	seq.s32 s7, s2  }
0x1e: {  	s7 =	smul.u32 @!p0 $0xF7A, s2;
	p2 =	seq.s32 @!p0 s5, $0x0  }
0x1f: {  	s9 =	smul.u32 $0xF7A, s1;
	s8 =	simm.s32 @!p0 $0x1BF5;
	p2 =	por !p2, p0  }
0x20: {  	[sflag:s8] =	ssyncset.s32 @!p0 $0xFFFFF086;
	s6 =	sadd.s32 @!p0 s3, s7;
	s7 =	simm.s32 @!p0 $0x108  }
0x21: {  	s3 =	sadd.s32 s3, s9;
	s6 =	sadd.s32 @!p0 $0x88, s6;
	s7 =	simm.s32 @p2 $0x1082  }
0x22: {  	[simem:s7], [sflag:s8] =	dma.local @!p0 [hbm:s6], $0xF7A  }
0x23: {  	s9 =	sor.u32 $0xD0000000, s2;
	s6 =	simm.s32 $0x108;
	_ =	swait.ge @!p0 [sflag:s8], $0x0  }
0x24: {  	s3 =	sadd.s32 $0x88, s3;
	s6 =	simm.s32 @!p1 $0x1082;
	[sflag:s4] =	ssyncset.s32 $0xFFFFF086  }
0x25: {  	[simem:s6], [sflag:s4] =	dma.local [hbm:s3], $0xF7A  }
0x26: {  	[smem:$0x3F98] =	sst s1;
	(tag) =	ssettag s2;
	_ =	strace s9  }
0x27: {  	s1 =	sld [smem:$0x3FA8]  }
0x28: {  	s2 =	sld [smem:$0x3FA9]  }
0x29: {  	s4 =	sld [smem:$0x3FAB]  }
0x2a: {  	p0 =	seq.s32 s5, $0x0;
	s5 =	sld [smem:$0x3FAC]  }
0x2b: {  	s6 =	sld [smem:$0x3FAD]  }
0x2c: {  	s7 =	sld [smem:$0x3FAE]  }
0x2d: {  	s3 =	simm.s32 $0x108;
	s8 =	sld [smem:$0x3FAF]  }
0x2e: {  	s3 =	simm.s32 @!p0 $0x1082;
	s9 =	sld [smem:$0x3FB0]  }
0x2f: {  	lr =	sadd.s32 s0, s3;
	s0 =	sld [smem:$0x3FA7]  }
0x30: {  	s3 =	sld [smem:$0x3FAA]  }
0x31: {  	[smem:$0x3FB3] =	sst s10  }
0x32: {  	s10 =	sld [smem:$0x3FB1];
	_ =	sdelay $0x3  }
0x33: {  	p0 =	seq.s32 s10, $0x1;
	s10 =	sld [smem:$0x3FB3];
	_ =	sdelay $0x3  }
0x34: {  	[smem:$0x3FB3] =	sst s10  }
0x35: {  	s10 =	sld [smem:$0x3FB2];
	_ =	sdelay $0x3  }
0x36: {  	p1 =	seq.s32 s10, $0x1;
	s10 =	sld [smem:$0x3FB3];
	_ =	sdelay $0x3  }
0x37: {  	[smem:$0x3FB3] =	sst s10  }
0x38: {  	s10 =	sld [smem:$0x3FB4]  }
0x39: {  	_ = 	snop;
	(pc) =	sbr.ind lr, $3  }
0x3a: {  	_ = 	snop  }
0x3b: {  	_ = 	snop  }
0x3c: {  	p2 =	seq.s32 s10, $0x1;
	s10 =	sld [smem:$0x3FB3]  }
0x3d: {  	_ =	shalt  }
0x3e: {  	_ =	shalt  }
0x3f: {  	_ =	shalt  }
0x40: {  	_ =	shalt  }
0x41: {  	_ =	shalt  }
0x42: {  	_ =	shalt  }
0x43: {  	_ =	shalt  }
0x44: {  	_ =	shalt  }
0x45: {  	_ =	shalt  }
0x46: {  	_ =	shalt  }
0x47: {  	_ =	shalt  }
0x48: {  	_ =	shalt  }
0x49: {  	_ =	shalt  }
0x4a: {  	_ =	shalt  }
0x4b: {  	_ =	shalt  }
0x4c: {  	_ =	shalt  }
0x4d: {  	_ =	shalt  }
0x4e: {  	_ =	shalt  }
0x4f: {  	_ =	shalt  }
0x50: {  	_ =	shalt  }
0x51: {  	_ =	shalt  }
0x52: {  	_ =	shalt  }
0x53: {  	_ =	shalt  }
0x54: {  	_ =	shalt  }
0x55: {  	_ =	shalt  }
0x56: {  	_ =	shalt  }
0x57: {  	_ =	shalt  }
0x58: {  	_ =	shalt  }
0x59: {  	_ =	shalt  }
0x5a: {  	_ =	shalt  }
0x5b: {  	_ =	shalt  }
0x5c: {  	_ =	shalt  }
0x5d: {  	_ =	shalt  }
0x5e: {  	_ =	shalt  }
0x5f: {  	_ =	shalt  }
0x60: {  	_ =	shalt  }
0x61: {  	_ =	shalt  }
0x62: {  	_ =	shalt  }
0x63: {  	_ =	shalt  }
0x64: {  	_ =	shalt  }
0x65: {  	_ =	shalt  }
0x66: {  	_ =	shalt  }
0x67: {  	_ =	shalt  }
0x68: {  	_ =	shalt  }
0x69: {  	_ =	shalt  }
0x6a: {  	_ =	shalt  }
0x6b: {  	_ =	shalt  }
0x6c: {  	_ =	shalt  }
0x6d: {  	_ =	shalt  }
0x6e: {  	_ =	shalt  }
0x6f: {  	_ =	shalt  }
0x70: {  	_ =	shalt  }
0x71: {  	_ =	shalt  }
0x72: {  	_ =	shalt  }
0x73: {  	_ =	shalt  }
0x74: {  	_ =	shalt  }
0x75: {  	_ =	shalt  }
0x76: {  	_ =	shalt  }
0x77: {  	_ =	shalt  }
0x78: {  	_ =	shalt  }
0x79: {  	_ =	shalt  }
0x7a: {  	_ =	shalt  }
0x7b: {  	_ =	shalt  }
0x7c: {  	_ =	shalt  }
0x7d: {  	_ =	shalt  }
0x7e: {  	_ =	shalt  }
0x7f: {  	_ =	shalt  }
0x80: {  	_ =	shalt  }
0x81: {  	_ =	shalt  }
0x82: {  	_ =	shalt  }
0x83: {  	_ =	shalt  }
0x84: {  	_ =	shalt  }
0x85: {  	_ =	shalt  }
0x86: {  	_ =	shalt  }
0x87: {  	_ =	shalt  }
.Lfunc_end0:
.L_simem_size_0:
called_computation.1_lowered:
.L_overlay_start_0:
0x88: {  	s2 =	sld [smem:$0x3FD9]  }
0x89: {  	s3 =	sld [smem:$0x3FFE];
	_ =	sdelay $0x1  }
0x8a: {  	s1 =	srdreg.scid  }
0x8b: {  	s0 =	sand.u32 $0x1, s1  }
0x8c: {  	s17 =	sshll.u32 s0, $0xA;
	s2 =	sadd.s32 s3, s2  }
0x8d: {  	s2 =	sadd.s32 s2, s17  }
0x8e: {  	[smem:$0x3FBF] =	sst s2  }
0x8f: {  	_ = 	snop  }
0x90: {  	s2 =	sld [smem:$0x3FC9]  }
0x91: {  	s18 =	sld [smem:$0x3FC7]  }
0x92: {  	s4 =	sld [smem:$0x3FD0];
	(tm) =	ssettm $0x1  }
0x93: {  	s5 =	sld [smem:$0x3FFB];
	_ =	sdelay $0x3  }
0x94: {  	_ =	strace s5  }
0x95: {  	s5 =	sld [smem:$0x3FFC];
	_ =	sdelay $0x3  }
0x96: {  	_ =	strace s5  }
0x97: {  	s5 =	sld [smem:$0x3FFD];
	_ =	sdelay $0x3  }
0x98: {  	_ =	strace s5  }
0x99: {  	_ =	strace $0x8FFFFFFF  }
0x9a: {  	s19 =	sld [smem:$0x3FDB];
	_ =	sdelay $0x1  }
0x9b: {  	s6 =	simm.s32 $_scs_section_size  }
0x9c: {  	s7 =	simm.s32 $_size__tile_overlayer_lowered;
	s8 =	simm.s32 $_tile_overlayer_lowered  }
0x9d: {  	s22 =	simm.s32 $0x1BFF;
	s21 =	sshll.u32 s8, $0x1;
	s5 =	sadd.s32 s6, s19  }
0x9e: {  	s9 =	simm.s32 $0x0;
	s20 =	sshll.u32 s7, $0x1;
	s7 =	sadd.s32 s21, s5  }
0x9f: {  	[timem:s9], [sflag:s22] =	dma.local [hbm:s7], s20  }
0xa0: {  	_ =	swait.ge [sflag:s22], s20  }
0xa1: {  	s6 =	ssub.s32 $0x0, s20;
	[sflag:s22] =	ssyncset.done $0x0  }
0xa2: {  	[sflag:s22] =	ssyncadd.s32 s6;
	_ =	sdelay $0x1  }
0xa3: {  	s23 =	simm.s32 $0x1B8B  }
0xa4: {  	_ =	swait.ge [sflag:s23], $0x1  }
0xa5: {  	[sflag:s23] =	ssyncset.done $0x0  }
0xa6: {  	s25 =	simm.s32 $0x1B8E;
	s24 =	sld [smem:$0x3FFE];
	[sflag:s23] =	ssyncadd.s32 $0xFFFFFFFF  }
0xa7: {  	s26 =	simm.s32 $execute0_lowered;
	[smem:$0x3FD2] =	sst s25  }
0xa8: {  	s7 =	sshll.u32 s26, $0x1;
	_ =	strace $0x80000049;
	[dreg:$0x1] =	wrdreg $0xFFFFFFFF  }
0xa9: {  	s28 =	simm.s32 $_size_execute0_lowered;
	s5 =	sadd.s32 s5, s7;
	[dreg:$0x0] =	wrdreg $0x0  }
0xaa: {  	s7 =	sshll.u32 s28, $0x1;
	[dreg:$0x2] =	wrdreg s5  }
0xab: {  	[dreg:$0x3] =	wrdreg s7  }
0xac: {  	[dreg:$0x4] =	wrdreg $0xC0  }
0xad: {  	_ =	task [dreg:s9], $0x5FFFF  }
0xae: {  	[dreg:$0x1] =	wrdreg $0xFFFFFFFF  }
0xaf: {  	[dreg:$0x0] =	wrdreg $0x60  }
0xb0: {  	[dreg:$0x2] =	wrdreg s2  }
0xb1: {  	[dreg:$0x3] =	wrdreg s24  }
0xb2: {  	[dreg:$0x4] =	wrdreg s18  }
0xb3: {  	[dreg:$0x5] =	wrdreg s4  }
0xb4: {  	[dreg:$0x6] =	wrdreg $0xC6900  }
0xb5: {  	[dreg:$0x7] =	wrdreg $0x9  }
0xb6: {  	_ =	task.clear_ibuf [dreg:s9], $0x8FFFF;
	_ =	strace $0x90000049  }
0xb7: {  	s29 =	simm.s32 $0x9;
	_ =	strace $0x8000004B  }
0xb8: {  	_ =	swait.ge [sflag:s29], $0x1  }
0xb9: {  	[sflag:s29] =	ssyncadd.s32 $0xFFFFFFFF  }
0xba: {  	_ =	strace $0x9000004B  }
0xbb: {  	_ =	sfence  }
0xbc: {  	s30 =	sld [smem:$0x0];
	_ =	sdelay $0x2  }
0xbd: {  	s31 =	sshll.u32 s1, $0xD;
	s1 =	sshrl.u32 s1, $0x2  }
0xbe: {  	s3 =	sand.u32 $0x4000, s31;
	s1 =	sadd.s32 s1, s30  }
0xbf: {  	s0 =	sor.u32 s3, s0;
	s1 =	sshll.u32 s1, $0x11  }
0xc0: {  	s0 =	sor.u32 s1, s0  }
0xc1: {  	s0 =	sadd.s32 $0x8F2B, s0  }
0xc2: {  	[sflag:s0] =	ssyncadd.remote.s32 $0x1  }
0xc3: {  	_ =	sfence.sel $0xFFFF  }
0xc4: {  	[dreg:$0x0] =	wrdreg $0xFFFFFFFF;
	(pc) =	sbr.abs _section_cstart, $3  }
0xc5: {  	[dreg:$0x1] =	wrdreg $0xFFFFFFFF  }
0xc6: {  	_ =	task.clear_ibuf [dreg:s9], $0x2FFFF;
	_ =	strace $0x9FFFFFFF  }
0xc7: {  	(tm) =	ssettm $0x7FFFFFFF  }
tec
execute0_lowered:
.L_overlay_start_1:
0x0: {  	(tag) =	ssettag $0x1  }
0x1: {  	s0 =	rddreg [dreg:$0x0]  }
0x2: {  	s1 =	rddreg [dreg:$0x1]  }
0x3: {  	s3 =	rddreg [dreg:$0x2]  }
0x4: {  	s2 =	srdreg.scid;
	s5 =	rddreg [dreg:$0x3]  }
0x5: {  	s11 =	stileid.u32;
	s12 =	rddreg [dreg:$0x4];
	s20 =	simm.s32 $0x7530  }
0x6: {  	s21 =	simm.s32 $0x4;
	s28 =	simm.s32 $0xC530;
	s29 =	simm.s32 $0xC5D0  }
0x7: {  	s30 =	simm.s32 $0x9D30;
	s31 =	simm.s32 $0x1;
	s2 =	sand.u32 $0x1, s2  }
0x8: {  	s8 =	smul.u32 $0x4E200, s11;
	s9 =	sadd.s32 $0xB600, s1;
	s22 =	sadd.s32 $0x1400, s1  }
0x9: {  	s15 =	smul.u32 $0x13880, s11;
	s4 =	sshll.u32 s2, $0x4;
	s23 =	ssub.s32 $0x2, s2  }
0xa: {  	s2 =	smul.u32 $0x138800, s2;
	s6 =	sor.u32 s11, s4;
	s4 =	simm.s32 $0x0  }
0xb: {  	s10 =	sshrl.u32 s23, $0x1;
	s8 =	sshrl.u32 s8, $0x2;
	s6 =	smul.u32 $0x4E2, s6  }
0xc: {  	[smem:$0x7FF] =	sst s4;
	s24 =	ssub.s32 s23, s10;
	s25 =	sadd.s32 s8, s12  }
0xd: {  	s8 =	sadd.s32 s15, s12;
	_ =	strace $0x8000004A;
	[dreg:$0x6] =	wrdreg s9  }
0xe: {  	s2 =	sadd.s32 s15, s2;
	s23 =	simm.s32 $0x3;
	[dreg:$0x7] =	wrdreg s22  }
0xf: {  	s26 =	sadd.s32 $0x2800, s25;
	s10 =	sadd.s32 $0x5000, s25;
	s11 =	sadd.s32 $0x7800, s25  }
0x10: {  	s12 =	sadd.s32 $0xA000, s25;
	s13 =	sadd.s32 $0xC800, s25;
	s14 =	sadd.s32 $0xF000, s25  }
0x11: {  	s15 =	sadd.s32 $0x11800, s25;
	s2 =	sshrl.u32 s2, $0x3;
	s19 =	smax.u32 s24, $0x1  }
0x12: {  	s25 =	simm.s32 $0x4E20;
	s24 =	simm.s32 $0x0;
	s22 =	simm.s32 $0x0  }
0x13: {  	s7 =	sadd.s32 s6, s1;
	s1 =	sadd.s32 $0xB800, s1;
	[dreg:$0x9] =	wrdreg s26  }
0x14: {  	s17 =	sadd.s32 s3, s6;
	s18 =	sadd.s32 s5, s2;
	s26 =	simm.s32 $0x50  }
0x15: {  	v0 =	vimm.f32 $0.0e+00;
	s2 =	simm.s32 $0x2;
	[dreg:$0x8] =	wrdreg s1;
	s16 =	sadd.s32 $0x1800, s7  }
.LBB2_1:
0x16: {  	s1 =	simm.s32 $0x75B0  }
0x17: {  	[tilespmem:s1+$0xFFFFFF80] =	vst v0  }
0x18: {  	[tilespmem:s1+$0x70] =	vst v0  }
0x19: {  	[tilespmem:s1+$0x60] =	vst v0  }
0x1a: {  	[tilespmem:s1+$0x50] =	vst v0  }
0x1b: {  	[tilespmem:s1+$0x40] =	vst v0  }
0x1c: {  	[tilespmem:s1+$0x30] =	vst v0  }
0x1d: {  	[tilespmem:s1+$0x20] =	vst v0  }
0x1e: {  	[tilespmem:s1+$0x10] =	vst v0  }
0x1f: {  	[tilespmem:s1+$0x0] =	vst v0  }
0x20: {  	[tilespmem:s1+$0xFFFFFFF0] =	vst v0  }
0x21: {  	[tilespmem:s1+$0xFFFFFFE0] =	vst v0  }
0x22: {  	[tilespmem:s1+$0xFFFFFFD0] =	vst v0  }
0x23: {  	[tilespmem:s1+$0xFFFFFFC0] =	vst v0  }
0x24: {  	[tilespmem:s1+$0xFFFFFFB0] =	vst v0  }
0x25: {  	s3 =	simm.s32 $0x0;
	[tilespmem:s1+$0xFFFFFFA0] =	vst v0  }
.LBB2_2:
0x26: {  	s3 =	sadd.s32 $0x2, s3;
	[tilespmem:s1+$0xFFFFFF90] =	vst v0;
	s1 =	sadd.s32 $0x100, s1  }
0x27: {  	[tilespmem:s1+$0xFFFFFF80] =	vst v0;
	p0 =	slt.u32 s3, $0x4E  }
0x28: {  	[tilespmem:s1+$0x70] =	vst v0  }
0x29: {  	[tilespmem:s1+$0x60] =	vst v0  }
0x2a: {  	[tilespmem:s1+$0x50] =	vst v0  }
0x2b: {  	[tilespmem:s1+$0x40] =	vst v0  }
0x2c: {  	[tilespmem:s1+$0x30] =	vst v0  }
0x2d: {  	[tilespmem:s1+$0x20] =	vst v0  }
0x2e: {  	[tilespmem:s1+$0x10] =	vst v0  }
0x2f: {  	[tilespmem:s1+$0x0] =	vst v0  }
0x30: {  	[tilespmem:s1+$0xFFFFFFF0] =	vst v0  }
.Ltmp0:
0x31: {  	[tilespmem:s1+$0xFFFFFFE0] =	vst v0;
	(pc) =	sbr.rel @p0 .LBB2_2-.Ltmp0, $4  }
0x32: {  	[tilespmem:s1+$0xFFFFFFD0] =	vst v0  }
0x33: {  	[tilespmem:s1+$0xFFFFFFC0] =	vst v0  }
0x34: {  	[tilespmem:s1+$0xFFFFFFB0] =	vst v0  }
0x35: {  	[tilespmem:s1+$0xFFFFFFA0] =	vst v0  }
0x36: {  	[tilespmem:s1+$0xFFFFFF90] =	vst v0  }
0x37: {  	[spmem:s8] =	stream.linear.scatter [tilespmem:s20], [sflag:$0x4], $0x2800, $0x38;
	[tilespmem:$0x1FF10] =	vst v63  }
0x38: {  	_ =	swait.ge [sflag:s21], $0x2800  }
0x39: {  	[sflag:s21] =	ssyncset.done $0x0  }
0x3a: {  	s7 =	rddreg [dreg:$0x9];
	[sflag:s21] =	ssyncadd.s32 $0xFFFFD800  }
0x3b: {  	[spmem:s7] =	stream.linear.scatter [tilespmem:s20], [sflag:$0x4], $0x2800, $0x38;
	[tilespmem:$0x1FF10] =	vst v63  }
0x3c: {  	_ =	swait.ge [sflag:s21], $0x2800  }
0x3d: {  	[sflag:s21] =	ssyncset.done $0x0  }
0x3e: {  	[sflag:s21] =	ssyncadd.s32 $0xFFFFD800  }
0x3f: {  	[spmem:s10] =	stream.linear.scatter [tilespmem:s20], [sflag:$0x4], $0x2800, $0x38;
	[tilespmem:$0x1FF10] =	vst v63  }
0x40: {  	_ =	swait.ge [sflag:s21], $0x2800  }
0x41: {  	[sflag:s21] =	ssyncset.done $0x0  }
0x42: {  	[sflag:s21] =	ssyncadd.s32 $0xFFFFD800  }
0x43: {  	[spmem:s11] =	stream.linear.scatter [tilespmem:s20], [sflag:$0x4], $0x2800, $0x38;
	[tilespmem:$0x1FF10] =	vst v63  }
0x44: {  	_ =	swait.ge [sflag:s21], $0x2800  }
0x45: {  	[sflag:s21] =	ssyncset.done $0x0  }
0x46: {  	[sflag:s21] =	ssyncadd.s32 $0xFFFFD800  }
0x47: {  	[spmem:s12] =	stream.linear.scatter [tilespmem:s20], [sflag:$0x4], $0x2800, $0x38;
	[tilespmem:$0x1FF10] =	vst v63  }
0x48: {  	_ =	swait.ge [sflag:s21], $0x2800  }
0x49: {  	[sflag:s21] =	ssyncset.done $0x0  }
0x4a: {  	[sflag:s21] =	ssyncadd.s32 $0xFFFFD800  }
0x4b: {  	[spmem:s13] =	stream.linear.scatter [tilespmem:s20], [sflag:$0x4], $0x2800, $0x38;
	[tilespmem:$0x1FF10] =	vst v63  }
0x4c: {  	_ =	swait.ge [sflag:s21], $0x2800  }
0x4d: {  	[sflag:s21] =	ssyncset.done $0x0  }
0x4e: {  	[sflag:s21] =	ssyncadd.s32 $0xFFFFD800  }
0x4f: {  	[spmem:s14] =	stream.linear.scatter [tilespmem:s20], [sflag:$0x4], $0x2800, $0x38;
	[tilespmem:$0x1FF10] =	vst v63  }
0x50: {  	_ =	swait.ge [sflag:s21], $0x2800  }
0x51: {  	[sflag:s21] =	ssyncset.done $0x0  }
0x52: {  	[sflag:s21] =	ssyncadd.s32 $0xFFFFD800  }
0x53: {  	[spmem:s15] =	stream.linear.scatter [tilespmem:s20], [sflag:$0x4], $0x2080, $0x38;
	[tilespmem:$0x1FF10] =	vst v63  }
0x54: {  	_ =	swait.ge [sflag:s21], $0x2080  }
0x55: {  	[sflag:s21] =	ssyncset.done $0x0  }
0x56: {  	s3 =	simm.s32 $0xC670;
	s9 =	rddreg [dreg:$0x6];
	[sflag:s21] =	ssyncadd.s32 $0xFFFFDF80  }
0x57: {  	[tilespmem:s3], [sflag:$0x4] =	stream.linear.gather [hbm4b:s9+s4], $0x10, $0x38;
	[tilespmem:$0x1FF10] =	vst v63  }
0x58: {  	_ =	swait.ge [sflag:s21], $0x10  }
0x59: {  	[sflag:s21] =	ssyncset.done $0x0  }
0x5a: {  	s6 =	simm.s32 $0xC680;
	s5 =	rddreg [dreg:$0x7];
	[sflag:s21] =	ssyncadd.s32 $0xFFFFFFF0  }
0x5b: {  	[tilespmem:s6], [sflag:$0x4] =	stream.linear.gather [hbm4b:s5+s4], $0x10, $0x38;
	[tilespmem:$0x1FF10] =	vst v63  }
0x5c: {  	_ =	swait.ge [sflag:s21], $0x10  }
0x5d: {  	[sflag:s21] =	ssyncset.done $0x0  }
0x5e: {  	s7 =	rddreg [dreg:$0x8];
	[sflag:s21] =	ssyncadd.s32 $0xFFFFFFF0  }
0x5f: {  	[tilespmem:s4], [sflag:$0x4] =	stream.linear.gather [hbm4b:s7+s4], $0x2710, $0x38;
	[tilespmem:$0x1FF10] =	vst v63  }
0x60: {  	_ =	swait.ge [sflag:s21], $0x2710  }
0x61: {  	[sflag:s21] =	ssyncset.done $0x0  }
0x62: {  	s9 =	simm.s32 $0x2710;
	[sflag:s21] =	ssyncadd.s32 $0xFFFFD8F0  }
0x63: {  	[tilespmem:s9], [sflag:$0x4] =	stream.linear.gather [hbm4b:s16+s4], $0x2710, $0x38;
	[tilespmem:$0x1FF10] =	vst v63  }
0x64: {  	_ =	swait.ge [sflag:s21], $0x2710  }
0x65: {  	[sflag:s21] =	ssyncset.done $0x0  }
0x66: {  	[sflag:s21] =	ssyncadd.s32 $0xFFFFD8F0  }
0x67: {  	[tilespmem:s25], [sflag:$0x4] =	stream.linear.gather [hbm4b:s17+s4], $0x2710, $0x38;
	[tilespmem:$0x1FF10] =	vst v63  }
0x68: {  	_ =	swait.ge [sflag:s21], $0x2710  }
0x69: {  	[sflag:s21] =	ssyncset.done $0x0  }
0x6a: {  	[sflag:s21] =	ssyncadd.s32 $0xFFFFD8F0  }
0x6b: {  	v1 =	vld [tilespmem:$0xC670]  }
0x6c: {  	s1 =	simm.s32 $0xFFFFFFFE;
	s3 =	simm.s32 $0x2760;
	s5 =	simm.s32 $0x4E70;
	v2 =	vld [tilespmem:$0xC680]  }
.LBB2_4:
0x6d: {  	v3 =	vld [tilespmem:s3+$0xFFFFFFB0];
	_ =	sdelay $0x4  }
0x6e: {  	v4 =	vand.u32 $0xFFFF, v3  }
0x6f: {  	v5 =	vld [tilespmem:s5+$0xFFFFFFB0]  }
0x70: {  	v3 =	vshra.s32 v3, $0x10;
	_ =	sdelay $0x2  }
0x71: {  	v4 =	vld.idx.msk [tilespmem:v4+s4+$0x0], $0xffff  }
0x72: {  	v5 =	vsub.f32 v5, v1  }
0x73: {  	v3 =	vld.idx.msk [tilespmem:v3+s4+$0x0], $0xffff  }
0x74: {  	v5 =	vmul.f32 v5, v2;
	_ =	sdelay $0x1  }
0x75: {  	v4 =	vmul.f32 v5, v4;
	_ =	sdelay $0x1  }
0x76: {  	v3 =	vmul.f32 v4, v3;
	_ =	sdelay $0x1  }
0x77: {  	[tilespmem:s5+$0xFFFFFFB0] =	vst v3  }
0x78: {  	v3 =	vld [tilespmem:s3+$0xFFFFFFC0];
	_ =	sdelay $0x4  }
0x79: {  	v46 =	vand.u32 $0xFFFF, v3  }
0x7a: {  	v47 =	vld [tilespmem:s5+$0xFFFFFFC0]  }
0x7b: {  	v3 =	vshra.s32 v3, $0x10;
	_ =	sdelay $0x2  }
0x7c: {  	v4 =	vld.idx.msk [tilespmem:v46+s4+$0x0], $0xffff  }
0x7d: {  	v5 =	vsub.f32 v47, v1  }
0x7e: {  	v3 =	vld.idx.msk [tilespmem:v3+s4+$0x0], $0xffff  }
0x7f: {  	v5 =	vmul.f32 v5, v2;
	_ =	sdelay $0x1  }
0x80: {  	v4 =	vmul.f32 v5, v4;
	_ =	sdelay $0x1  }
0x81: {  	v3 =	vmul.f32 v4, v3;
	_ =	sdelay $0x1  }
0x82: {  	[tilespmem:s5+$0xFFFFFFC0] =	vst v3  }
0x83: {  	v3 =	vld [tilespmem:s3+$0xFFFFFFD0];
	_ =	sdelay $0x4  }
0x84: {  	v48 =	vand.u32 $0xFFFF, v3  }
0x85: {  	v49 =	vld [tilespmem:s5+$0xFFFFFFD0]  }
0x86: {  	v3 =	vshra.s32 v3, $0x10;
	_ =	sdelay $0x2  }
0x87: {  	v4 =	vld.idx.msk [tilespmem:v48+s4+$0x0], $0xffff  }
0x88: {  	v5 =	vsub.f32 v49, v1  }
0x89: {  	v3 =	vld.idx.msk [tilespmem:v3+s4+$0x0], $0xffff  }
0x8a: {  	v5 =	vmul.f32 v5, v2;
	_ =	sdelay $0x1  }
0x8b: {  	v4 =	vmul.f32 v5, v4;
	_ =	sdelay $0x1  }
0x8c: {  	v3 =	vmul.f32 v4, v3;
	_ =	sdelay $0x1  }
0x8d: {  	[tilespmem:s5+$0xFFFFFFD0] =	vst v3  }
0x8e: {  	v3 =	vld [tilespmem:s3+$0xFFFFFFE0];
	_ =	sdelay $0x4  }
0x8f: {  	v50 =	vand.u32 $0xFFFF, v3  }
0x90: {  	v51 =	vld [tilespmem:s5+$0xFFFFFFE0]  }
0x91: {  	v3 =	vshra.s32 v3, $0x10;
	_ =	sdelay $0x2  }
0x92: {  	v4 =	vld.idx.msk [tilespmem:v50+s4+$0x0], $0xffff  }
0x93: {  	v5 =	vsub.f32 v51, v1  }
0x94: {  	v3 =	vld.idx.msk [tilespmem:v3+s4+$0x0], $0xffff  }
0x95: {  	v5 =	vmul.f32 v5, v2;
	_ =	sdelay $0x1  }
0x96: {  	v4 =	vmul.f32 v5, v4;
	_ =	sdelay $0x1  }
0x97: {  	v3 =	vmul.f32 v4, v3;
	_ =	sdelay $0x1  }
0x98: {  	[tilespmem:s5+$0xFFFFFFE0] =	vst v3  }
0x99: {  	v3 =	vld [tilespmem:s3+$0xFFFFFFF0];
	_ =	sdelay $0x4  }
0x9a: {  	v52 =	vand.u32 $0xFFFF, v3  }
0x9b: {  	v53 =	vld [tilespmem:s5+$0xFFFFFFF0]  }
0x9c: {  	v3 =	vshra.s32 v3, $0x10;
	_ =	sdelay $0x2  }
0x9d: {  	v4 =	vld.idx.msk [tilespmem:v52+s4+$0x0], $0xffff  }
0x9e: {  	v5 =	vsub.f32 v53, v1  }
0x9f: {  	v3 =	vld.idx.msk [tilespmem:v3+s4+$0x0], $0xffff  }
0xa0: {  	v5 =	vmul.f32 v5, v2;
	_ =	sdelay $0x1  }
0xa1: {  	v4 =	vmul.f32 v5, v4;
	_ =	sdelay $0x1  }
0xa2: {  	v3 =	vmul.f32 v4, v3;
	_ =	sdelay $0x1  }
0xa3: {  	[tilespmem:s5+$0xFFFFFFF0] =	vst v3  }
0xa4: {  	v3 =	vld [tilespmem:s3+$0x0];
	_ =	sdelay $0x4  }
0xa5: {  	v54 =	vand.u32 $0xFFFF, v3  }
0xa6: {  	v55 =	vld [tilespmem:s5+$0x0]  }
0xa7: {  	v3 =	vshra.s32 v3, $0x10;
	_ =	sdelay $0x2  }
0xa8: {  	v4 =	vld.idx.msk [tilespmem:v54+s4+$0x0], $0xffff  }
0xa9: {  	v5 =	vsub.f32 v55, v1  }
0xaa: {  	v3 =	vld.idx.msk [tilespmem:v3+s4+$0x0], $0xffff  }
0xab: {  	v5 =	vmul.f32 v5, v2;
	_ =	sdelay $0x1  }
0xac: {  	v4 =	vmul.f32 v5, v4;
	_ =	sdelay $0x1  }
0xad: {  	v3 =	vmul.f32 v4, v3;
	_ =	sdelay $0x1  }
0xae: {  	[tilespmem:s5+$0x0] =	vst v3  }
0xaf: {  	v3 =	vld [tilespmem:s3+$0x10];
	_ =	sdelay $0x4  }
0xb0: {  	v56 =	vand.u32 $0xFFFF, v3  }
0xb1: {  	v57 =	vld [tilespmem:s5+$0x10]  }
0xb2: {  	v3 =	vshra.s32 v3, $0x10;
	_ =	sdelay $0x2  }
0xb3: {  	v4 =	vld.idx.msk [tilespmem:v56+s4+$0x0], $0xffff  }
0xb4: {  	v5 =	vsub.f32 v57, v1  }
0xb5: {  	v3 =	vld.idx.msk [tilespmem:v3+s4+$0x0], $0xffff  }
0xb6: {  	v5 =	vmul.f32 v5, v2;
	_ =	sdelay $0x1  }
0xb7: {  	v4 =	vmul.f32 v5, v4;
	_ =	sdelay $0x1  }
0xb8: {  	v3 =	vmul.f32 v4, v3;
	_ =	sdelay $0x1  }
0xb9: {  	[tilespmem:s5+$0x10] =	vst v3  }
0xba: {  	v3 =	vld [tilespmem:s3+$0x20];
	_ =	sdelay $0x4  }
0xbb: {  	v58 =	vand.u32 $0xFFFF, v3  }
0xbc: {  	v59 =	vld [tilespmem:s5+$0x20]  }
0xbd: {  	v3 =	vshra.s32 v3, $0x10;
	_ =	sdelay $0x2  }
0xbe: {  	v4 =	vld.idx.msk [tilespmem:v58+s4+$0x0], $0xffff  }
0xbf: {  	v5 =	vsub.f32 v59, v1  }
0xc0: {  	v3 =	vld.idx.msk [tilespmem:v3+s4+$0x0], $0xffff  }
0xc1: {  	v5 =	vmul.f32 v5, v2;
	_ =	sdelay $0x1  }
0xc2: {  	v4 =	vmul.f32 v5, v4;
	_ =	sdelay $0x1  }
0xc3: {  	v3 =	vmul.f32 v4, v3;
	_ =	sdelay $0x1  }
0xc4: {  	[tilespmem:s5+$0x20] =	vst v3  }
0xc5: {  	v3 =	vld [tilespmem:s3+$0x30];
	_ =	sdelay $0x4  }
0xc6: {  	v60 =	vand.u32 $0xFFFF, v3  }
0xc7: {  	v61 =	vld [tilespmem:s5+$0x30]  }
0xc8: {  	v3 =	vshra.s32 v3, $0x10;
	_ =	sdelay $0x2  }
0xc9: {  	v4 =	vld.idx.msk [tilespmem:v60+s4+$0x0], $0xffff  }
0xca: {  	v5 =	vsub.f32 v61, v1  }
0xcb: {  	v3 =	vld.idx.msk [tilespmem:v3+s4+$0x0], $0xffff  }
0xcc: {  	v5 =	vmul.f32 v5, v2;
	_ =	sdelay $0x1  }
0xcd: {  	v4 =	vmul.f32 v5, v4;
	_ =	sdelay $0x1  }
0xce: {  	v3 =	vmul.f32 v4, v3;
	_ =	sdelay $0x1  }
0xcf: {  	[tilespmem:s5+$0x30] =	vst v3  }
0xd0: {  	v3 =	vld [tilespmem:s3+$0x40];
	_ =	sdelay $0x4  }
0xd1: {  	v62 =	vand.u32 $0xFFFF, v3  }
0xd2: {  	v63 =	vld [tilespmem:s5+$0x40]  }
0xd3: {  	v3 =	vshra.s32 v3, $0x10;
	_ =	sdelay $0x2  }
0xd4: {  	v4 =	vld.idx.msk [tilespmem:v62+s4+$0x0], $0xffff  }
0xd5: {  	v5 =	vsub.f32 v63, v1  }
0xd6: {  	v3 =	vld.idx.msk [tilespmem:v3+s4+$0x0], $0xffff  }
0xd7: {  	s1 =	sadd.s32 $0x2, s1;
	v5 =	vmul.f32 v5, v2  }
0xd8: {  	p0 =	slt.u32 s1, $0x7A  }
.Ltmp1:
0xd9: {  	v4 =	vmul.f32 v5, v4;
	(pc) =	sbr.rel @p0 .LBB2_4-.Ltmp1, $3  }
0xda: {  	_ = 	snop  }
0xdb: {  	v3 =	vmul.f32 v4, v3;
	_ =	sdelay $0x1  }
0xdc: {  	s3 =	sadd.s32 $0xA0, s3;
	[tilespmem:s5+$0x40] =	vst v3;
	s5 =	sadd.s32 $0xA0, s5  }
0xdd: {  	v3 =	vld [tilespmem:$0x4DD0];
	_ =	sdelay $0x4  }
0xde: {  	v4 =	vand.u32 $0xFFFF, v3  }
0xdf: {  	v5 =	vld [tilespmem:$0x74E0]  }
0xe0: {  	v3 =	vshra.s32 v3, $0x10;
	_ =	sdelay $0x1  }
0xe1: {  	v6 =	vld [tilespmem:$0x4DE0]  }
0xe2: {  	v4 =	vld.idx.msk [tilespmem:v4+s22+$0x0], $0xffff  }
0xe3: {  	v5 =	vsub.f32 v5, v1  }
0xe4: {  	v3 =	vld.idx.msk [tilespmem:v3+s22+$0x0], $0xffff  }
0xe5: {  	v5 =	vmul.f32 v5, v2;
	_ =	sdelay $0x1  }
0xe6: {  	v50 =	vand.u32 $0xFFFF, v6;
	v4 =	vmul.f32 v5, v4  }
0xe7: {  	v51 =	vld [tilespmem:$0x74F0]  }
0xe8: {  	v6 =	vshra.s32 v6, $0x10;
	v3 =	vmul.f32 v4, v3;
	_ =	sdelay $0x1  }
0xe9: {  	v52 =	vld [tilespmem:$0x4DF0];
	[tilespmem:$0x74E0] =	vst v3  }
0xea: {  	v3 =	vld.idx.msk [tilespmem:v50+s22+$0x0], $0xffff  }
0xeb: {  	v4 =	vsub.f32 v51, v1  }
0xec: {  	v6 =	vld.idx.msk [tilespmem:v6+s22+$0x0], $0xffff  }
0xed: {  	v4 =	vmul.f32 v4, v2;
	_ =	sdelay $0x1  }
0xee: {  	v53 =	vand.u32 $0xFFFF, v52;
	v3 =	vmul.f32 v4, v3  }
0xef: {  	v54 =	vld [tilespmem:$0x7500]  }
0xf0: {  	v5 =	vshra.s32 v52, $0x10;
	v3 =	vmul.f32 v3, v6;
	_ =	sdelay $0x1  }
0xf1: {  	v55 =	vld [tilespmem:$0x4E00];
	[tilespmem:$0x74F0] =	vst v3  }
0xf2: {  	v3 =	vld.idx.msk [tilespmem:v53+s22+$0x0], $0xffff  }
0xf3: {  	v6 =	vsub.f32 v54, v1  }
0xf4: {  	v5 =	vld.idx.msk [tilespmem:v5+s22+$0x0], $0xffff  }
0xf5: {  	v6 =	vmul.f32 v6, v2;
	_ =	sdelay $0x1  }
0xf6: {  	v56 =	vand.u32 $0xFFFF, v55;
	v3 =	vmul.f32 v6, v3  }
0xf7: {  	v57 =	vld [tilespmem:$0x7510]  }
0xf8: {  	v4 =	vshra.s32 v55, $0x10;
	v3 =	vmul.f32 v3, v5;
	_ =	sdelay $0x1  }
0xf9: {  	v58 =	vld [tilespmem:$0x4E10];
	[tilespmem:$0x7500] =	vst v3  }
0xfa: {  	v3 =	vld.idx.msk [tilespmem:v56+s22+$0x0], $0xffff  }
0xfb: {  	v5 =	vsub.f32 v57, v1  }
0xfc: {  	v4 =	vld.idx.msk [tilespmem:v4+s22+$0x0], $0xffff  }
0xfd: {  	v5 =	vmul.f32 v5, v2;
	_ =	sdelay $0x1  }
0xfe: {  	v59 =	vand.u32 $0xFFFF, v58;
	v3 =	vmul.f32 v5, v3  }
0xff: {  	v7 =	vld [tilespmem:$0x7520]  }
0x100: {  	v60 =	vshra.s32 v58, $0x10;
	v3 =	vmul.f32 v3, v4;
	_ =	sdelay $0x1  }
0x101: {  	[tilespmem:$0x7510] =	vst v3  }
0x102: {  	v3 =	vld.idx.msk [tilespmem:v59+s22+$0x0], $0xffff  }
0x103: {  	v1 =	vsub.f32 v7, v1  }
0x104: {  	v4 =	vld.idx.msk [tilespmem:v60+s22+$0x0], $0xffff  }
0x105: {  	v1 =	vmul.f32 v1, v2  }
0x106: {  	v2 =	vld [tilespmem:$0x2710]  }
0x107: {  	v1 =	vmul.f32 v1, v3  }
0x108: {  	v3 =	vld [tilespmem:$0x2720]  }
0x109: {  	v1 =	vmul.f32 v1, v4  }
0x10a: {  	v61 =	vld [tilespmem:$0x2730]  }
0x10b: {  	[tilespmem:$0x7520] =	vst v1;
	v1 =	vand.u32 $0xFFFF, v2  }
0x10c: {  	[tilespmem:$0xC530] =	vst v1;
	v1 =	vshra.s32 v2, $0x10;
	v2 =	vld [tilespmem:$0x2740]  }
0x10d: {  	[tilespmem:$0xC580] =	vst v1;
	v1 =	vand.u32 $0xFFFF, v3  }
0x10e: {  	[tilespmem:$0xC540] =	vst v1;
	v1 =	vshra.s32 v3, $0x10;
	v3 =	vld [tilespmem:$0x2750]  }
0x10f: {  	[tilespmem:$0xC590] =	vst v1;
	v1 =	vand.u32 $0xFFFF, v61  }
0x110: {  	v62 =	vld [tilespmem:$0x2760];
	[tilespmem:$0xC550] =	vst v1;
	v1 =	vshra.s32 v61, $0x10  }
0x111: {  	[tilespmem:$0xC5A0] =	vst v1;
	v1 =	vand.u32 $0xFFFF, v2  }
0x112: {  	[tilespmem:$0xC560] =	vst v1;
	v1 =	vshra.s32 v2, $0x10;
	v2 =	vld [tilespmem:$0x2770]  }
0x113: {  	[tilespmem:$0xC5B0] =	vst v1;
	v1 =	vand.u32 $0xFFFF, v3  }
0x114: {  	[tilespmem:$0xC570] =	vst v1;
	v1 =	vshra.s32 v3, $0x10;
	v3 =	vld [tilespmem:$0x2780]  }
0x115: {  	[tilespmem:$0xC5C0] =	vst v1;
	v1 =	vand.u32 $0xFFFF, v62  }
0x116: {  	v63 =	vld [tilespmem:$0x2790];
	[tilespmem:$0xC5D0] =	vst v1;
	v1 =	vshra.s32 v62, $0x10  }
0x117: {  	[tilespmem:$0xC620] =	vst v1;
	v1 =	vand.u32 $0xFFFF, v2  }
0x118: {  	[tilespmem:$0xC5E0] =	vst v1;
	v1 =	vshra.s32 v2, $0x10;
	v2 =	vld [tilespmem:$0x27A0]  }
0x119: {  	[tilespmem:$0xC630] =	vst v1;
	v1 =	vand.u32 $0xFFFF, v3  }
0x11a: {  	[tilespmem:$0xC5F0] =	vst v1;
	v1 =	vshra.s32 v3, $0x10  }
0x11b: {  	[tilespmem:$0xC640] =	vst v1;
	v1 =	vand.u32 $0xFFFF, v63  }
0x11c: {  	[tilespmem:$0xC600] =	vst v1;
	v1 =	vshra.s32 v63, $0x10  }
0x11d: {  	[tilespmem:$0xC650] =	vst v1;
	v1 =	vand.u32 $0xFFFF, v2  }
0x11e: {  	[tilespmem:$0xC610] =	vst v1;
	v1 =	vshra.s32 v2, $0x10  }
0x11f: {  	[tilespmem:$0xC660] =	vst v1  }
0x120: {  	[tilespmem:s20], [sflag:$0x1] =	stream.indirect.gather [hbm4b:s0+s26], $0x80, s28, s26, $0xb8;
	[tilespmem:$0x1FF10] =	vst v63  }
0x121: {  	_ = 	snop  }
0x122: {  	[tilespmem:s30], [sflag:$0x2] =	stream.indirect.gather [hbm4b:s0+s26], $0x80, s29, s26, $0xb8;
	[tilespmem:$0x1FF10] =	vst v63  }
0x123: {  	s3 =	simm.s32 $0x0;
	[bflag:$0x0] =	sbarrier.arrive $0xFFFF  }
.LBB2_6:
0x124: {  	s1 =	sshll.u32 s3, $0x1  }
0x125: {  	v1 =	vmov s1  }
0x126: {  	v1 =	vmul.u32 $0x50, v1;
	_ =	sdelay $0x1  }
0x127: {  	v2 =	vmov s22;
	v1 =	vbroadcast v1, $0x0  }
0x128: {  	v3 =	vand.u32 $0x78, v2  }
0x129: {  	v2 =	vand.u32 $0x6, v2;
	v3 =	vadd.s32 v1, v3  }
0x12a: {  	v4 =	vor.u32 v2, v3  }
0x12b: {  	_ =	swait.ge [sflag:s31], $0x2800  }
0x12c: {  	[sflag:s31] =	ssyncset.done $0x0  }
0x12d: {  	s5 =	simm.s32 $0x75B0;
	[sflag:s31] =	ssyncadd.s32 $0xFFFFD800  }
0x12e: {  	v6 =	vld [tilespmem:s5+$0xFFFFFFF0]  }
0x12f: {  	v4 =	vld.idx.msk [tilespmem:v4+s25+$0x0], $0xffff  }
0x130: {  	v7 =	vld [tilespmem:s5+$0xFFFFFF80]  }
0x131: {  	v8 =	vld [tilespmem:s5+$0xFFFFFFA0]  }
0x132: {  	v9 =	vld [tilespmem:s5+$0xFFFFFFB0]  }
0x133: {  	v5 =	vld [tilespmem:s5+$0xFFFFFFD0]  }
0x134: {  	v11 =	vld [tilespmem:s5+$0xFFFFFF90];
	v6 =	vmul.f32 v6, v4  }
0x135: {  	s6 =	simm.s32 $0x1;
	v10 =	vld [tilespmem:s5+$0xFFFFFFE0];
	v7 =	vmul.f32 v7, v4  }
0x136: {  	v12 =	vld [tilespmem:s5+$0xFFFFFFC0];
	v8 =	vmul.f32 v8, v4;
	[tilespmem:s5+$0xFFFFFFF0] =	vst v6;
	v6 =	vmov s6  }
0x137: {  	v9 =	vmul.f32 v9, v4;
	[tilespmem:s5+$0xFFFFFF80] =	vst v7;
	v7 =	vand.u32 $0x78, v6  }
0x138: {  	v5 =	vmul.f32 v5, v4;
	[tilespmem:s5+$0xFFFFFFA0] =	vst v8;
	v6 =	vand.u32 $0x7, v6;
	v7 =	vadd.s32 v1, v7  }
0x139: {  	v8 =	vmul.f32 v11, v4;
	[tilespmem:s5+$0xFFFFFFB0] =	vst v9;
	v7 =	vor.u32 v6, v7  }
0x13a: {  	v2 =	vld [tilespmem:s5+$0x0];
	[tilespmem:s5+$0xFFFFFFD0] =	vst v5;
	v6 =	vmul.f32 v10, v4  }
0x13b: {  	v3 =	vld [tilespmem:s5+$0x10];
	[tilespmem:s5+$0xFFFFFF90] =	vst v8;
	v4 =	vmul.f32 v12, v4  }
0x13c: {  	v5 =	vld [tilespmem:s5+$0x70];
	[tilespmem:s5+$0xFFFFFFE0] =	vst v6  }
0x13d: {  	v6 =	vld [tilespmem:s5+$0x20];
	[tilespmem:s5+$0xFFFFFFC0] =	vst v4  }
0x13e: {  	s7 =	simm.s32 $0x75B0;
	s6 =	simm.s32 $0x2;
	v4 =	vld.idx.msk [tilespmem:v7+s25+$0x0], $0xffff  }
.LBB2_7:
0x13f: {  	p0 =	slt.u32 s6, $0x4E  }
0x140: {  	v7 =	vld [tilespmem:s5+$0x50];
	s7 =	sadd.s32 $0x100, s7;
	s9 =	smov.u32 s6;
	s6 =	sadd.s32 $0x2, s6  }
0x141: {  	v8 =	vld [tilespmem:s5+$0x30]  }
0x142: {  	v9 =	vld [tilespmem:s5+$0x40]  }
0x143: {  	v10 =	vld [tilespmem:s5+$0x60];
	_ =	sdelay $0x1  }
0x144: {  	v2 =	vmul.f32 v2, v4;
	v3 =	vmul.f32 v3, v4  }
0x145: {  	v6 =	vmul.f32 v6, v4;
	v8 =	vmul.f32 v8, v4  }
0x146: {  	v11 =	vmov s9;
	v7 =	vmul.f32 v7, v4;
	[tilespmem:s5+$0x0] =	vst v2;
	v9 =	vmul.f32 v9, v4  }
0x147: {  	v12 =	vand.u32 $0x78, v11;
	v2 =	vld [tilespmem:s7+$0x0];
	[tilespmem:s5+$0x20] =	vst v6;
	v6 =	vmul.f32 v10, v4;
	v4 =	vmul.f32 v5, v4  }
0x148: {  	v5 =	vand.u32 $0x6, v11;
	v10 =	vadd.s32 v1, v12;
	[tilespmem:s5+$0x10] =	vst v3  }
0x149: {  	v5 =	vor.u32 v5, v10;
	v3 =	vld [tilespmem:s7+$0x10];
	[tilespmem:s5+$0x50] =	vst v7  }
0x14a: {  	v7 =	vld [tilespmem:s7+$0xFFFFFFD0];
	[tilespmem:s5+$0x70] =	vst v4  }
0x14b: {  	v4 =	vld [tilespmem:s7+$0xFFFFFFB0];
	[tilespmem:s5+$0x60] =	vst v6  }
0x14c: {  	v6 =	vld [tilespmem:s7+$0xFFFFFFE0];
	[tilespmem:s5+$0x30] =	vst v8  }
0x14d: {  	v8 =	vld [tilespmem:s7+$0xFFFFFFF0];
	[tilespmem:s5+$0x40] =	vst v9;
	s5 =	smov.u32 s7  }
0x14e: {  	v5 =	vld.idx.msk [tilespmem:v5+s25+$0x0], $0xffff  }
0x14f: {  	v9 =	vld [tilespmem:s7+$0xFFFFFF80]  }
0x150: {  	v10 =	vld [tilespmem:s7+$0xFFFFFFA0]  }
0x151: {  	v11 =	vld [tilespmem:s7+$0xFFFFFF90]  }
0x152: {  	v12 =	vld [tilespmem:s7+$0xFFFFFFC0];
	_ =	sdelay $0x1  }
0x153: {  	v8 =	vmul.f32 v8, v5;
	v9 =	vmul.f32 v9, v5  }
0x154: {  	s9 =	sadd.s32 $0x1, s9;
	v6 =	vmul.f32 v6, v5;
	v10 =	vmul.f32 v10, v5  }
0x155: {  	v4 =	vmul.f32 v4, v5;
	v11 =	vmul.f32 v11, v5;
	[tilespmem:s7+$0xFFFFFFF0] =	vst v8;
	v8 =	vmov s9  }
0x156: {  	[tilespmem:s7+$0xFFFFFF80] =	vst v9;
	v9 =	vmul.f32 v12, v5;
	v5 =	vmul.f32 v7, v5;
	v7 =	vand.u32 $0x78, v8  }
0x157: {  	v8 =	vand.u32 $0x7, v8;
	[tilespmem:s7+$0xFFFFFFA0] =	vst v10;
	v7 =	vadd.s32 v1, v7  }
0x158: {  	[tilespmem:s7+$0xFFFFFFB0] =	vst v4;
	v4 =	vor.u32 v8, v7  }
.Ltmp2:
0x159: {  	[tilespmem:s7+$0xFFFFFFD0] =	vst v5;
	(pc) =	sbr.rel @p0 .LBB2_7-.Ltmp2, $4  }
0x15a: {  	[tilespmem:s7+$0xFFFFFF90] =	vst v11  }
0x15b: {  	[tilespmem:s7+$0xFFFFFFE0] =	vst v6;
	v6 =	vld [tilespmem:s7+$0x20]  }
0x15c: {  	[tilespmem:s7+$0xFFFFFFC0] =	vst v9;
	v5 =	vld [tilespmem:s7+$0x70]  }
0x15d: {  	v4 =	vld.idx.msk [tilespmem:v4+s25+$0x0], $0xffff  }
0x15e: {  	_ =	sdelay $0x1  }
0x15f: {  	v1 =	vld [tilespmem:s5+$0x50];
	_ =	sdelay $0x1  }
0x160: {  	v8 =	vld [tilespmem:s5+$0x30];
	v2 =	vmul.f32 v2, v4  }
0x161: {  	v7 =	vld [tilespmem:s5+$0x60]  }
0x162: {  	[tilespmem:s5+$0x0] =	vst v2;
	v2 =	vmul.f32 v5, v4  }
0x163: {  	v9 =	vld [tilespmem:s5+$0x40];
	s1 =	sor.u32 $0x1, s1;
	v1 =	vmul.f32 v1, v4  }
0x164: {  	v3 =	vmul.f32 v3, v4;
	[tilespmem:s5+$0x70] =	vst v2;
	v2 =	vmov s1  }
0x165: {  	[tilespmem:s5+$0x50] =	vst v1;
	v1 =	vmul.f32 v8, v4;
	v2 =	vmul.u32 $0x50, v2  }
0x166: {  	s7 =	simm.s32 $0x0;
	[tilespmem:s5+$0x10] =	vst v3;
	v3 =	vmul.f32 v7, v4  }
0x167: {  	v6 =	vmul.f32 v6, v4;
	[tilespmem:s5+$0x30] =	vst v1;
	v1 =	vbroadcast v2, $0x0;
	v2 =	vmov s7  }
0x168: {  	v4 =	vmul.f32 v9, v4;
	[tilespmem:s5+$0x60] =	vst v3;
	v3 =	vand.u32 $0x78, v2  }
0x169: {  	[tilespmem:s5+$0x20] =	vst v6;
	v2 =	vand.u32 $0x6, v2;
	v3 =	vadd.s32 v1, v3  }
0x16a: {  	[tilespmem:s5+$0x40] =	vst v4;
	v4 =	vor.u32 v2, v3  }
0x16b: {  	_ =	swait.ge [sflag:s2], $0x2800  }
0x16c: {  	[sflag:s2] =	ssyncset.done $0x0  }
0x16d: {  	s1 =	simm.s32 $0x9DB0;
	[sflag:s2] =	ssyncadd.s32 $0xFFFFD800  }
0x16e: {  	v6 =	vld [tilespmem:s1+$0xFFFFFFF0]  }
0x16f: {  	v4 =	vld.idx.msk [tilespmem:v4+s25+$0x0], $0xffff  }
0x170: {  	v7 =	vld [tilespmem:s1+$0xFFFFFF80]  }
0x171: {  	v8 =	vld [tilespmem:s1+$0xFFFFFFA0]  }
0x172: {  	v63 =	vld [tilespmem:s1+$0xFFFFFFB0]  }
0x173: {  	v5 =	vld [tilespmem:s1+$0xFFFFFFD0]  }
0x174: {  	v11 =	vld [tilespmem:s1+$0xFFFFFF90];
	v6 =	vmul.f32 v6, v4  }
0x175: {  	s9 =	simm.s32 $0x1;
	v10 =	vld [tilespmem:s1+$0xFFFFFFE0];
	v7 =	vmul.f32 v7, v4  }
0x176: {  	v12 =	vld [tilespmem:s1+$0xFFFFFFC0];
	v8 =	vmul.f32 v8, v4;
	[tilespmem:s1+$0xFFFFFFF0] =	vst v6;
	v6 =	vmov s9  }
0x177: {  	v9 =	vmul.f32 v63, v4;
	[tilespmem:s1+$0xFFFFFF80] =	vst v7;
	v7 =	vand.u32 $0x78, v6  }
0x178: {  	v5 =	vmul.f32 v5, v4;
	[tilespmem:s1+$0xFFFFFFA0] =	vst v8;
	v6 =	vand.u32 $0x7, v6;
	v7 =	vadd.s32 v1, v7  }
0x179: {  	v8 =	vmul.f32 v11, v4;
	[tilespmem:s1+$0xFFFFFFB0] =	vst v9;
	v7 =	vor.u32 v6, v7  }
0x17a: {  	v2 =	vld [tilespmem:s1+$0x0];
	[tilespmem:s1+$0xFFFFFFD0] =	vst v5;
	v6 =	vmul.f32 v10, v4  }
0x17b: {  	v3 =	vld [tilespmem:s1+$0x10];
	[tilespmem:s1+$0xFFFFFF90] =	vst v8;
	v4 =	vmul.f32 v12, v4  }
0x17c: {  	v5 =	vld [tilespmem:s1+$0x70];
	[tilespmem:s1+$0xFFFFFFE0] =	vst v6  }
0x17d: {  	v6 =	vld [tilespmem:s1+$0x20];
	[tilespmem:s1+$0xFFFFFFC0] =	vst v4  }
0x17e: {  	s6 =	simm.s32 $0x9DB0;
	s5 =	simm.s32 $0x2;
	v4 =	vld.idx.msk [tilespmem:v7+s25+$0x0], $0xffff  }
.LBB2_9:
0x17f: {  	p0 =	slt.u32 s5, $0x4E  }
0x180: {  	v7 =	vld [tilespmem:s1+$0x50];
	s6 =	sadd.s32 $0x100, s6;
	s7 =	smov.u32 s5;
	s5 =	sadd.s32 $0x2, s5  }
0x181: {  	v8 =	vld [tilespmem:s1+$0x30]  }
0x182: {  	v9 =	vld [tilespmem:s1+$0x40]  }
0x183: {  	v10 =	vld [tilespmem:s1+$0x60];
	_ =	sdelay $0x1  }
0x184: {  	v2 =	vmul.f32 v2, v4;
	v3 =	vmul.f32 v3, v4  }
0x185: {  	v6 =	vmul.f32 v6, v4;
	v8 =	vmul.f32 v8, v4  }
0x186: {  	v11 =	vmov s7;
	v7 =	vmul.f32 v7, v4;
	[tilespmem:s1+$0x0] =	vst v2;
	v9 =	vmul.f32 v9, v4  }
0x187: {  	v12 =	vand.u32 $0x78, v11;
	v2 =	vld [tilespmem:s6+$0x0];
	[tilespmem:s1+$0x20] =	vst v6;
	v6 =	vmul.f32 v10, v4;
	v4 =	vmul.f32 v5, v4  }
0x188: {  	v5 =	vand.u32 $0x6, v11;
	v10 =	vadd.s32 v1, v12;
	[tilespmem:s1+$0x10] =	vst v3  }
0x189: {  	v5 =	vor.u32 v5, v10;
	v3 =	vld [tilespmem:s6+$0x10];
	[tilespmem:s1+$0x50] =	vst v7  }
0x18a: {  	v7 =	vld [tilespmem:s6+$0xFFFFFFD0];
	[tilespmem:s1+$0x70] =	vst v4  }
0x18b: {  	v4 =	vld [tilespmem:s6+$0xFFFFFFB0];
	[tilespmem:s1+$0x60] =	vst v6  }
0x18c: {  	v6 =	vld [tilespmem:s6+$0xFFFFFFE0];
	[tilespmem:s1+$0x30] =	vst v8  }
0x18d: {  	v8 =	vld [tilespmem:s6+$0xFFFFFFF0];
	[tilespmem:s1+$0x40] =	vst v9;
	s1 =	smov.u32 s6  }
0x18e: {  	v5 =	vld.idx.msk [tilespmem:v5+s25+$0x0], $0xffff  }
0x18f: {  	v9 =	vld [tilespmem:s6+$0xFFFFFF80]  }
0x190: {  	v10 =	vld [tilespmem:s6+$0xFFFFFFA0]  }
0x191: {  	v11 =	vld [tilespmem:s6+$0xFFFFFF90]  }
0x192: {  	v12 =	vld [tilespmem:s6+$0xFFFFFFC0];
	_ =	sdelay $0x1  }
0x193: {  	v8 =	vmul.f32 v8, v5;
	v9 =	vmul.f32 v9, v5  }
0x194: {  	s7 =	sadd.s32 $0x1, s7;
	v6 =	vmul.f32 v6, v5;
	v10 =	vmul.f32 v10, v5  }
0x195: {  	v4 =	vmul.f32 v4, v5;
	v11 =	vmul.f32 v11, v5;
	[tilespmem:s6+$0xFFFFFFF0] =	vst v8;
	v8 =	vmov s7  }
0x196: {  	[tilespmem:s6+$0xFFFFFF80] =	vst v9;
	v9 =	vmul.f32 v12, v5;
	v5 =	vmul.f32 v7, v5;
	v7 =	vand.u32 $0x78, v8  }
0x197: {  	v8 =	vand.u32 $0x7, v8;
	[tilespmem:s6+$0xFFFFFFA0] =	vst v10;
	v7 =	vadd.s32 v1, v7  }
0x198: {  	[tilespmem:s6+$0xFFFFFFB0] =	vst v4;
	v4 =	vor.u32 v8, v7  }
.Ltmp3:
0x199: {  	[tilespmem:s6+$0xFFFFFFD0] =	vst v5;
	(pc) =	sbr.rel @p0 .LBB2_9-.Ltmp3, $4  }
0x19a: {  	[tilespmem:s6+$0xFFFFFF90] =	vst v11  }
0x19b: {  	[tilespmem:s6+$0xFFFFFFE0] =	vst v6;
	v6 =	vld [tilespmem:s6+$0x20]  }
0x19c: {  	[tilespmem:s6+$0xFFFFFFC0] =	vst v9;
	v5 =	vld [tilespmem:s6+$0x70]  }
0x19d: {  	v4 =	vld.idx.msk [tilespmem:v4+s25+$0x0], $0xffff  }
0x19e: {  	_ =	sdelay $0x1  }
0x19f: {  	v1 =	vld [tilespmem:s1+$0x50];
	_ =	sdelay $0x1  }
0x1a0: {  	v7 =	vld [tilespmem:s1+$0x60];
	v2 =	vmul.f32 v2, v4  }
0x1a1: {  	v8 =	vld [tilespmem:s1+$0x30];
	v6 =	vmul.f32 v6, v4  }
0x1a2: {  	v9 =	vld [tilespmem:s1+$0x40];
	v3 =	vmul.f32 v3, v4;
	[tilespmem:s1+$0x0] =	vst v2  }
0x1a3: {  	v1 =	vmul.f32 v1, v4;
	[tilespmem:s1+$0x20] =	vst v6  }
0x1a4: {  	v2 =	vmul.f32 v5, v4;
	[tilespmem:s1+$0x10] =	vst v3  }
0x1a5: {  	v3 =	vmul.f32 v7, v4;
	[tilespmem:s1+$0x50] =	vst v1  }
0x1a6: {  	v1 =	vmul.f32 v8, v4;
	[tilespmem:s1+$0x70] =	vst v2  }
0x1a7: {  	s5 =	smul.u32 $0x280, s3;
	v2 =	vmul.f32 v9, v4;
	[tilespmem:s1+$0x60] =	vst v3  }
0x1a8: {  	[tilespmem:s1+$0x30] =	vst v1  }
0x1a9: {  	[tilespmem:s1+$0x40] =	vst v2;
	s1 =	sshra.s32 s5, $0x2  }
0x1aa: {  	v1 =	vld [tilespmem:s1+$0x27B0];
	_ =	sdelay $0x4  }
0x1ab: {  	v2 =	vand.u32 $0xFFFF, v1  }
0x1ac: {  	v1 =	vshra.s32 v1, $0x10;
	[tilespmem:$0xC530] =	vst v2  }
0x1ad: {  	[tilespmem:$0xC580] =	vst v1  }
0x1ae: {  	v1 =	vld [tilespmem:s1+$0x27C0];
	_ =	sdelay $0x4  }
0x1af: {  	v2 =	vand.u32 $0xFFFF, v1  }
0x1b0: {  	v1 =	vshra.s32 v1, $0x10;
	[tilespmem:$0xC540] =	vst v2  }
0x1b1: {  	[tilespmem:$0xC590] =	vst v1  }
0x1b2: {  	v1 =	vld [tilespmem:s1+$0x27D0];
	_ =	sdelay $0x4  }
0x1b3: {  	v2 =	vand.u32 $0xFFFF, v1  }
0x1b4: {  	v1 =	vshra.s32 v1, $0x10;
	[tilespmem:$0xC550] =	vst v2  }
0x1b5: {  	[tilespmem:$0xC5A0] =	vst v1  }
0x1b6: {  	v1 =	vld [tilespmem:s1+$0x27E0];
	_ =	sdelay $0x4  }
0x1b7: {  	v2 =	vand.u32 $0xFFFF, v1  }
0x1b8: {  	v1 =	vshra.s32 v1, $0x10;
	[tilespmem:$0xC560] =	vst v2  }
0x1b9: {  	[tilespmem:$0xC5B0] =	vst v1  }
0x1ba: {  	v1 =	vld [tilespmem:s1+$0x27F0];
	_ =	sdelay $0x2  }
0x1bb: {  	p0 =	seq.s32 s3, $0x3D  }
.Ltmp4:
0x1bc: {  	_ = 	snop;
	(pc) =	sbr.rel @p0 .LBB2_12-.Ltmp4, $4  }
0x1bd: {  	v2 =	vand.u32 $0xFFFF, v1  }
0x1be: {  	v1 =	vshra.s32 v1, $0x10;
	[tilespmem:$0xC570] =	vst v2  }
0x1bf: {  	[tilespmem:$0xC5C0] =	vst v1  }
0x1c0: {  	[tilespmem:s20], [sflag:$0x1] =	stream.indirect.gather [hbm4b:s0+s26], $0x80, s28, s26, $0xb8;
	[tilespmem:$0x1FF10] =	vst v63  }
0x1c1: {  	v1 =	vld [tilespmem:s1+$0x2800];
	_ =	sdelay $0x4  }
0x1c2: {  	v2 =	vand.u32 $0xFFFF, v1  }
0x1c3: {  	v1 =	vshra.s32 v1, $0x10;
	[tilespmem:$0xC5D0] =	vst v2  }
0x1c4: {  	[tilespmem:$0xC620] =	vst v1  }
0x1c5: {  	v1 =	vld [tilespmem:s1+$0x2810];
	_ =	sdelay $0x4  }
0x1c6: {  	v2 =	vand.u32 $0xFFFF, v1  }
0x1c7: {  	v1 =	vshra.s32 v1, $0x10;
	[tilespmem:$0xC5E0] =	vst v2  }
0x1c8: {  	[tilespmem:$0xC630] =	vst v1  }
0x1c9: {  	v1 =	vld [tilespmem:s1+$0x2820];
	_ =	sdelay $0x4  }
0x1ca: {  	v2 =	vand.u32 $0xFFFF, v1  }
0x1cb: {  	v1 =	vshra.s32 v1, $0x10;
	[tilespmem:$0xC5F0] =	vst v2  }
0x1cc: {  	[tilespmem:$0xC640] =	vst v1  }
0x1cd: {  	v1 =	vld [tilespmem:s1+$0x2830];
	_ =	sdelay $0x4  }
0x1ce: {  	v2 =	vand.u32 $0xFFFF, v1  }
0x1cf: {  	v1 =	vshra.s32 v1, $0x10;
	[tilespmem:$0xC600] =	vst v2  }
0x1d0: {  	[tilespmem:$0xC650] =	vst v1  }
0x1d1: {  	v1 =	vld [tilespmem:s1+$0x2840];
	_ =	sdelay $0x3  }
.Ltmp5:
0x1d2: {  	_ = 	snop;
	(pc) =	sbr.rel .LBB2_6-.Ltmp5, $4  }
0x1d3: {  	v2 =	vand.u32 $0xFFFF, v1  }
0x1d4: {  	v1 =	vshra.s32 v1, $0x10;
	[tilespmem:$0xC610] =	vst v2  }
0x1d5: {  	s3 =	sadd.s32 $0x1, s3;
	[tilespmem:$0xC660] =	vst v1  }
0x1d6: {  	[tilespmem:s30], [sflag:$0x2] =	stream.indirect.gather [hbm4b:s0+s26], $0x80, s29, s26, $0xb8;
	[tilespmem:$0x1FF10] =	vst v63  }
.LBB2_12:
0x1d7: {  	s1 =	simm.s32 $0x0  }
0x1d8: {  	v1 =	vmov s1  }
0x1d9: {  	v1 =	vand.u32 $0x7E, v1  }
0x1da: {  	v2 =	vadd.s32 $0x26C0, v1  }
0x1db: {  	_ =	swait.ge [sflag:s31], $0x2800  }
0x1dc: {  	[sflag:s31] =	ssyncset.done $0x0  }
0x1dd: {  	s1 =	simm.s32 $0x75B0;
	[sflag:s31] =	ssyncadd.s32 $0xFFFFD800  }
0x1de: {  	v5 =	vld [tilespmem:s1+$0xFFFFFFF0]  }
0x1df: {  	v6 =	vld.idx.msk [tilespmem:v2+s25+$0x0], $0xffff  }
0x1e0: {  	v7 =	vld [tilespmem:s1+$0xFFFFFF80]  }
0x1e1: {  	v8 =	vld [tilespmem:s1+$0xFFFFFFA0]  }
0x1e2: {  	v3 =	vld [tilespmem:s1+$0xFFFFFFD0]  }
0x1e3: {  	v11 =	vld [tilespmem:s1+$0xFFFFFF90]  }
0x1e4: {  	v9 =	vld [tilespmem:s1+$0xFFFFFFB0];
	v5 =	vmul.f32 v5, v6  }
0x1e5: {  	v4 =	vld [tilespmem:s1+$0xFFFFFFC0];
	v7 =	vmul.f32 v7, v6  }
0x1e6: {  	s3 =	simm.s32 $0x1;
	v10 =	vld [tilespmem:s1+$0xFFFFFFE0];
	v8 =	vmul.f32 v8, v6;
	[tilespmem:s1+$0xFFFFFFF0] =	vst v5  }
0x1e7: {  	v3 =	vmul.f32 v3, v6;
	[tilespmem:s1+$0xFFFFFF80] =	vst v7;
	v7 =	vmov s3  }
0x1e8: {  	v63 =	vmul.f32 v11, v6;
	[tilespmem:s1+$0xFFFFFFA0] =	vst v8;
	v7 =	vand.u32 $0x7F, v7  }
0x1e9: {  	v5 =	vmul.f32 v9, v6;
	[tilespmem:s1+$0xFFFFFFD0] =	vst v3;
	v7 =	vadd.s32 $0x26C0, v7  }
0x1ea: {  	v1 =	vld [tilespmem:s1+$0x0];
	v3 =	vmul.f32 v4, v6;
	[tilespmem:s1+$0xFFFFFF90] =	vst v63  }
0x1eb: {  	v2 =	vld [tilespmem:s1+$0x10];
	[tilespmem:s1+$0xFFFFFFB0] =	vst v5;
	v5 =	vmul.f32 v10, v6  }
0x1ec: {  	v4 =	vld [tilespmem:s1+$0x70];
	[tilespmem:s1+$0xFFFFFFC0] =	vst v3  }
0x1ed: {  	[tilespmem:s1+$0xFFFFFFE0] =	vst v5;
	v5 =	vld [tilespmem:s1+$0x50]  }
0x1ee: {  	s5 =	simm.s32 $0x75B0;
	s3 =	simm.s32 $0x2;
	v3 =	vld.idx.msk [tilespmem:v7+s25+$0x0], $0xffff  }
.LBB2_13:
0x1ef: {  	p0 =	slt.u32 s3, $0x4E  }
0x1f0: {  	v6 =	vld [tilespmem:s1+$0x30];
	s5 =	sadd.s32 $0x100, s5;
	s6 =	smov.u32 s3;
	s3 =	sadd.s32 $0x2, s3  }
0x1f1: {  	v7 =	vld [tilespmem:s1+$0x20]  }
0x1f2: {  	v8 =	vld [tilespmem:s1+$0x40]  }
0x1f3: {  	v9 =	vld [tilespmem:s1+$0x60];
	_ =	sdelay $0x1  }
0x1f4: {  	v1 =	vmul.f32 v1, v3;
	v2 =	vmul.f32 v2, v3  }
0x1f5: {  	v6 =	vmul.f32 v6, v3;
	v7 =	vmul.f32 v7, v3  }
0x1f6: {  	v5 =	vmul.f32 v5, v3;
	[tilespmem:s1+$0x0] =	vst v1;
	v8 =	vmul.f32 v8, v3  }
0x1f7: {  	v10 =	vmov s6;
	v1 =	vld [tilespmem:s5+$0x0];
	[tilespmem:s1+$0x30] =	vst v6;
	v6 =	vmul.f32 v9, v3;
	v3 =	vmul.f32 v4, v3  }
0x1f8: {  	v4 =	vand.u32 $0x7E, v10;
	[tilespmem:s1+$0x40] =	vst v8  }
0x1f9: {  	v4 =	vadd.s32 $0x26C0, v4;
	v8 =	vld [tilespmem:s5+$0xFFFFFFD0];
	[tilespmem:s1+$0x50] =	vst v5  }
0x1fa: {  	v5 =	vld [tilespmem:s5+$0xFFFFFFC0];
	[tilespmem:s1+$0x20] =	vst v7  }
0x1fb: {  	v7 =	vld [tilespmem:s5+$0xFFFFFFB0];
	[tilespmem:s1+$0x70] =	vst v3  }
0x1fc: {  	v3 =	vld [tilespmem:s5+$0xFFFFFFE0];
	[tilespmem:s1+$0x10] =	vst v2  }
0x1fd: {  	v9 =	vld [tilespmem:s5+$0xFFFFFFF0];
	[tilespmem:s1+$0x60] =	vst v6;
	s1 =	smov.u32 s5  }
0x1fe: {  	v4 =	vld.idx.msk [tilespmem:v4+s25+$0x0], $0xffff  }
0x1ff: {  	v6 =	vld [tilespmem:s5+$0xFFFFFF80]  }
0x200: {  	v10 =	vld [tilespmem:s5+$0xFFFFFFA0]  }
0x201: {  	v11 =	vld [tilespmem:s5+$0xFFFFFF90]  }
0x202: {  	v2 =	vld [tilespmem:s5+$0x10];
	_ =	sdelay $0x1  }
0x203: {  	v9 =	vmul.f32 v9, v4;
	v6 =	vmul.f32 v6, v4  }
0x204: {  	v3 =	vmul.f32 v3, v4;
	v10 =	vmul.f32 v10, v4  }
0x205: {  	s6 =	sadd.s32 $0x1, s6;
	v7 =	vmul.f32 v7, v4;
	v11 =	vmul.f32 v11, v4;
	[tilespmem:s5+$0xFFFFFFF0] =	vst v9  }
0x206: {  	[tilespmem:s5+$0xFFFFFF80] =	vst v6;
	v6 =	vmul.f32 v5, v4;
	v4 =	vmul.f32 v8, v4;
	v5 =	vmov s6  }
0x207: {  	[tilespmem:s5+$0xFFFFFFA0] =	vst v10;
	v5 =	vand.u32 $0x7F, v5  }
0x208: {  	[tilespmem:s5+$0xFFFFFFB0] =	vst v7;
	v7 =	vadd.s32 $0x26C0, v5  }
.Ltmp6:
0x209: {  	[tilespmem:s5+$0xFFFFFFD0] =	vst v4;
	(pc) =	sbr.rel @p0 .LBB2_13-.Ltmp6, $4  }
0x20a: {  	[tilespmem:s5+$0xFFFFFF90] =	vst v11  }
0x20b: {  	[tilespmem:s5+$0xFFFFFFE0] =	vst v3;
	v5 =	vld [tilespmem:s5+$0x50]  }
0x20c: {  	[tilespmem:s5+$0xFFFFFFC0] =	vst v6;
	v4 =	vld [tilespmem:s5+$0x70]  }
0x20d: {  	v3 =	vld.idx.msk [tilespmem:v7+s25+$0x0], $0xffff  }
0x20e: {  	_ =	sdelay $0x1  }
0x20f: {  	v6 =	vld [tilespmem:s1+$0x30]  }
0x210: {  	v7 =	vld [tilespmem:s1+$0x40]  }
0x211: {  	v8 =	vld [tilespmem:s1+$0x20];
	v1 =	vmul.f32 v1, v3  }
0x212: {  	v5 =	vmul.f32 v5, v3  }
0x213: {  	v9 =	vld [tilespmem:s1+$0x60];
	v2 =	vmul.f32 v2, v3;
	[tilespmem:s1+$0x0] =	vst v1  }
0x214: {  	v6 =	vmul.f32 v6, v3;
	[tilespmem:s1+$0x50] =	vst v5  }
0x215: {  	v1 =	vmul.f32 v7, v3;
	[tilespmem:s1+$0x10] =	vst v2  }
0x216: {  	v63 =	vmul.f32 v8, v3;
	[tilespmem:s1+$0x30] =	vst v6  }
0x217: {  	[tilespmem:s1+$0x40] =	vst v1;
	v1 =	vmul.f32 v4, v3  }
0x218: {  	[tilespmem:s1+$0x20] =	vst v63;
	v3 =	vmul.f32 v9, v3  }
0x219: {  	[tilespmem:s1+$0x70] =	vst v1  }
0x21a: {  	s6 =	rddreg [dreg:$0x4];
	s3 =	simm.s32 $0xC580;
	[tilespmem:s1+$0x60] =	vst v3  }
0x21b: {  	[spmem:s6] =	stream.indirect.scatter.add.f32 [tilespmem:s20], [sflag:$0x3], $0x80, s3, s26, $0xb8;
	[tilespmem:$0x1FF10] =	vst v63  }
0x21c: {  	s7 =	stileid.u32;
	_ =	swait.ge [sflag:s23], $0x2800  }
0x21d: {  	s9 =	sshrl.u32 s8, $0x3;
	s24 =	sadd.s32 $0x1, s24;
	[sflag:s23] =	ssyncset.done $0x0  }
0x21e: {  	p0 =	sne.s32 s24, s19;
	s1 =	sshll.u32 s7, $0x6;
	[sflag:s23] =	ssyncadd.s32 $0xFFFFD800  }
.Ltmp7:
0x21f: {  	s1 =	sor.u32 $0x1C04, s1;
	[bflag:$0x0] =	sbarrier.arrive $0xFFFF;
	(pc) =	sbr.rel @p0 .LBB2_1-.Ltmp7, $4  }
0x220: {  	[hbm:s18], [sflag:s1] =	dma.local [spmem:s9], $0x2710  }
0x221: {  	_ =	swait.ge [sflag:s21], $0x2710  }
0x222: {  	[sflag:s21] =	ssyncset.done $0x0  }
0x223: {  	[sflag:s21] =	ssyncadd.s32 $0xFFFFD8F0  }
0x224: {  	_ =	sfence.sel $0x180000  }
0x225: {  	[bflag:$0x0] =	sbarrier.arrive $0xFFFF  }
0x226: {  	_ =	strace $0x9000004A  }
0x227: {  	s0 =	stileid.u32;
	[bflag:$0x2] =	sbarrier.arrive $0xFFFF  }
0x228: {  	p0 =	sne.s32 s0, $0x0;
	s0 =	rddreg [dreg:$0x5]  }
0x229: {  	s0 =	sadd.s32 @!p0 $0x100000, s0  }
0x22a: {  	[sflag:s0] =	ssyncadd.tile.s32 @!p0 $0x1;
	_ =	shalt  }
.Lfunc_end2:
_tile_overlayer_lowered:
.L_overlay_start_2:
0x22b: {  	(tag) =	ssettag $0x2  }
0x22c: {  	s0 =	rddreg [dreg:$0x0];
	s2 =	stileid.u32  }
0x22d: {  	s1 =	rddreg [dreg:$0x1];
	p0 =	sne.s32 s2, $0x0  }
0x22e: {  	s3 =	rddreg [dreg:$0x2];
	[bflag:$0x3] =	sbarrier.arrive $0xFFFF;
	s2 =	simm.s32 @!p0 $0x1C04  }
0x22f: {  	[timem:s3], [sflag:s2] =	dma.local @!p0 [hbm:s0], s1  }
0x230: {  	s0 =	simm.s32 @!p0 $0x4  }
0x231: {  	_ =	swait.ge @!p0 [sflag:s0], s1  }
0x232: {  	s1 =	ssub.s32 @!p0 $0x0, s1;
	[sflag:s0] =	ssyncset.done @!p0 $0x0  }
0x233: {  	[sflag:s0] =	ssyncadd.s32 @!p0 s1  }
0x234: {  	[bflag:$0x3] =	sbarrier.arrive $0xFFFF  }
0x235: {  	_ =	shalt  }

// kernel: kernel.7.cloned.1.call-start
scs
__scs_entry_jumppad:
0x0: {  	(pc) =	sbr.rel $0x88, $3  }
0x1: {  	(tag) =	ssettag $0x0;
	lr =	simm.s32 $0x1  }
0x2: {  	[smem:$0x3F98] =	sst lr;
	_ =	strace $0xD0000000  }
0x3: {  	_ = 	snop  }
0x4: {  	_ = 	snop  }
0x5: {  	_ = 	snop  }
0x6: {  	_ = 	snop  }
0x7: {  	_ = 	snop  }
__scs_overlays_trampoline_lowered:
0x8: {  	[smem:$0x3FA7] =	sst s0  }
0x9: {  	[smem:$0x3FA8] =	sst s1  }
0xa: {  	[smem:$0x3FA9] =	sst s2  }
0xb: {  	[smem:$0x3FAA] =	sst s3  }
0xc: {  	[smem:$0x3FAB] =	sst s4  }
0xd: {  	[smem:$0x3FAC] =	sst s5  }
0xe: {  	[smem:$0x3FAD] =	sst s6  }
0xf: {  	[smem:$0x3FAE] =	sst s7  }
0x10: {  	[smem:$0x3FAF] =	sst s8  }
0x11: {  	[smem:$0x3FB0] =	sst s9;
	s0 =	simm.s32 @!p0 $0x0  }
0x12: {  	s1 =	sld [smem:$0x3F96];
	s0 =	simm.s32 @p0 $0x1  }
0x13: {  	[smem:$0x3FB1] =	sst s0;
	s0 =	simm.s32 @!p1 $0x0  }
0x14: {  	s2 =	sld [smem:$0x3F95];
	s0 =	simm.s32 @p1 $0x1  }
0x15: {  	[smem:$0x3FB2] =	sst s0;
	s0 =	simm.s32 @!p2 $0x0  }
0x16: {  	s3 =	sld [smem:$0x3FDB];
	s0 =	simm.s32 @p2 $0x1  }
0x17: {  	s4 =	simm.s32 $0x1BF5;
	[smem:$0x3FB4] =	sst s0  }
0x18: {  	s0 =	sld [smem:$0x3F97];
	_ =	swait.ge [sflag:s4], $0x0  }
0x19: {  	s7 =	sld [smem:$0x3F98]  }
0x1a: {  	s8 =	sadd.s32 $0xFFFFE003, lr  }
0x1b: {  	s9 =	sadd.s32 $0xFFFFFEF7, lr;
	s5 =	simm.s32 $0xFFFFFFFF;
	p2 =	slt.u32 s8, $0xFFFFF086  }
0x1c: {  	p1 =	slt.u32 s9, $0xF7A;
	s5 =	simm.s32 @!p2 $0x0  }
0x1d: {  	s5 =	simm.s32 @p1 $0x1;
	p0 =	seq.s32 s7, s2  }
0x1e: {  	s7 =	smul.u32 @!p0 $0xF7A, s2;
	p2 =	seq.s32 @!p0 s5, $0x0  }
0x1f: {  	s9 =	smul.u32 $0xF7A, s1;
	s8 =	simm.s32 @!p0 $0x1BF5;
	p2 =	por !p2, p0  }
0x20: {  	[sflag:s8] =	ssyncset.s32 @!p0 $0xFFFFF086;
	s6 =	sadd.s32 @!p0 s3, s7;
	s7 =	simm.s32 @!p0 $0x108  }
0x21: {  	s3 =	sadd.s32 s3, s9;
	s6 =	sadd.s32 @!p0 $0x88, s6;
	s7 =	simm.s32 @p2 $0x1082  }
0x22: {  	[simem:s7], [sflag:s8] =	dma.local @!p0 [hbm:s6], $0xF7A  }
0x23: {  	s9 =	sor.u32 $0xD0000000, s2;
	s6 =	simm.s32 $0x108;
	_ =	swait.ge @!p0 [sflag:s8], $0x0  }
0x24: {  	s3 =	sadd.s32 $0x88, s3;
	s6 =	simm.s32 @!p1 $0x1082;
	[sflag:s4] =	ssyncset.s32 $0xFFFFF086  }
0x25: {  	[simem:s6], [sflag:s4] =	dma.local [hbm:s3], $0xF7A  }
0x26: {  	[smem:$0x3F98] =	sst s1;
	(tag) =	ssettag s2;
	_ =	strace s9  }
0x27: {  	s1 =	sld [smem:$0x3FA8]  }
0x28: {  	s2 =	sld [smem:$0x3FA9]  }
0x29: {  	s4 =	sld [smem:$0x3FAB]  }
0x2a: {  	p0 =	seq.s32 s5, $0x0;
	s5 =	sld [smem:$0x3FAC]  }
0x2b: {  	s6 =	sld [smem:$0x3FAD]  }
0x2c: {  	s7 =	sld [smem:$0x3FAE]  }
0x2d: {  	s3 =	simm.s32 $0x108;
	s8 =	sld [smem:$0x3FAF]  }
0x2e: {  	s3 =	simm.s32 @!p0 $0x1082;
	s9 =	sld [smem:$0x3FB0]  }
0x2f: {  	lr =	sadd.s32 s0, s3;
	s0 =	sld [smem:$0x3FA7]  }
0x30: {  	s3 =	sld [smem:$0x3FAA]  }
0x31: {  	[smem:$0x3FB3] =	sst s10  }
0x32: {  	s10 =	sld [smem:$0x3FB1];
	_ =	sdelay $0x3  }
0x33: {  	p0 =	seq.s32 s10, $0x1;
	s10 =	sld [smem:$0x3FB3];
	_ =	sdelay $0x3  }
0x34: {  	[smem:$0x3FB3] =	sst s10  }
0x35: {  	s10 =	sld [smem:$0x3FB2];
	_ =	sdelay $0x3  }
0x36: {  	p1 =	seq.s32 s10, $0x1;
	s10 =	sld [smem:$0x3FB3];
	_ =	sdelay $0x3  }
0x37: {  	[smem:$0x3FB3] =	sst s10  }
0x38: {  	s10 =	sld [smem:$0x3FB4]  }
0x39: {  	_ = 	snop;
	(pc) =	sbr.ind lr, $3  }
0x3a: {  	_ = 	snop  }
0x3b: {  	_ = 	snop  }
0x3c: {  	p2 =	seq.s32 s10, $0x1;
	s10 =	sld [smem:$0x3FB3]  }
0x3d: {  	_ =	shalt  }
0x3e: {  	_ =	shalt  }
0x3f: {  	_ =	shalt  }
0x40: {  	_ =	shalt  }
0x41: {  	_ =	shalt  }
0x42: {  	_ =	shalt  }
0x43: {  	_ =	shalt  }
0x44: {  	_ =	shalt  }
0x45: {  	_ =	shalt  }
0x46: {  	_ =	shalt  }
0x47: {  	_ =	shalt  }
0x48: {  	_ =	shalt  }
0x49: {  	_ =	shalt  }
0x4a: {  	_ =	shalt  }
0x4b: {  	_ =	shalt  }
0x4c: {  	_ =	shalt  }
0x4d: {  	_ =	shalt  }
0x4e: {  	_ =	shalt  }
0x4f: {  	_ =	shalt  }
0x50: {  	_ =	shalt  }
0x51: {  	_ =	shalt  }
0x52: {  	_ =	shalt  }
0x53: {  	_ =	shalt  }
0x54: {  	_ =	shalt  }
0x55: {  	_ =	shalt  }
0x56: {  	_ =	shalt  }
0x57: {  	_ =	shalt  }
0x58: {  	_ =	shalt  }
0x59: {  	_ =	shalt  }
0x5a: {  	_ =	shalt  }
0x5b: {  	_ =	shalt  }
0x5c: {  	_ =	shalt  }
0x5d: {  	_ =	shalt  }
0x5e: {  	_ =	shalt  }
0x5f: {  	_ =	shalt  }
0x60: {  	_ =	shalt  }
0x61: {  	_ =	shalt  }
0x62: {  	_ =	shalt  }
0x63: {  	_ =	shalt  }
0x64: {  	_ =	shalt  }
0x65: {  	_ =	shalt  }
0x66: {  	_ =	shalt  }
0x67: {  	_ =	shalt  }
0x68: {  	_ =	shalt  }
0x69: {  	_ =	shalt  }
0x6a: {  	_ =	shalt  }
0x6b: {  	_ =	shalt  }
0x6c: {  	_ =	shalt  }
0x6d: {  	_ =	shalt  }
0x6e: {  	_ =	shalt  }
0x6f: {  	_ =	shalt  }
0x70: {  	_ =	shalt  }
0x71: {  	_ =	shalt  }
0x72: {  	_ =	shalt  }
0x73: {  	_ =	shalt  }
0x74: {  	_ =	shalt  }
0x75: {  	_ =	shalt  }
0x76: {  	_ =	shalt  }
0x77: {  	_ =	shalt  }
0x78: {  	_ =	shalt  }
0x79: {  	_ =	shalt  }
0x7a: {  	_ =	shalt  }
0x7b: {  	_ =	shalt  }
0x7c: {  	_ =	shalt  }
0x7d: {  	_ =	shalt  }
0x7e: {  	_ =	shalt  }
0x7f: {  	_ =	shalt  }
0x80: {  	_ =	shalt  }
0x81: {  	_ =	shalt  }
0x82: {  	_ =	shalt  }
0x83: {  	_ =	shalt  }
0x84: {  	_ =	shalt  }
0x85: {  	_ =	shalt  }
0x86: {  	_ =	shalt  }
0x87: {  	_ =	shalt  }
.Lfunc_end0:
.L_simem_size_0:
called_computation_lowered:
.L_overlay_start_0:
0x88: {  	s2 =	sld [smem:$0x3FD9]  }
0x89: {  	s3 =	sld [smem:$0x3FFE];
	_ =	sdelay $0x1  }
0x8a: {  	s1 =	srdreg.scid  }
0x8b: {  	s0 =	sand.u32 $0x1, s1  }
0x8c: {  	s17 =	sshll.u32 s0, $0xA;
	s2 =	sadd.s32 s3, s2  }
0x8d: {  	s2 =	sadd.s32 s2, s17  }
0x8e: {  	[smem:$0x3FBF] =	sst s2  }
0x8f: {  	_ = 	snop  }
0x90: {  	s2 =	sld [smem:$0x3FC7]  }
0x91: {  	s18 =	sld [smem:$0x3FD0];
	(tm) =	ssettm $0x1  }
0x92: {  	s4 =	sld [smem:$0x3FFB];
	_ =	sdelay $0x3  }
0x93: {  	_ =	strace s4  }
0x94: {  	s4 =	sld [smem:$0x3FFC];
	_ =	sdelay $0x3  }
0x95: {  	_ =	strace s4  }
0x96: {  	s4 =	sld [smem:$0x3FFD];
	_ =	sdelay $0x3  }
0x97: {  	_ =	strace s4  }
0x98: {  	_ =	strace $0x8FFFFFFF  }
0x99: {  	s19 =	sld [smem:$0x3FDB];
	_ =	sdelay $0x1  }
0x9a: {  	s5 =	simm.s32 $_scs_section_size  }
0x9b: {  	s6 =	simm.s32 $_size__tile_overlayer_lowered;
	s7 =	simm.s32 $_tile_overlayer_lowered  }
0x9c: {  	s22 =	simm.s32 $0x1BFF;
	s21 =	sshll.u32 s7, $0x1;
	s4 =	sadd.s32 s5, s19  }
0x9d: {  	s8 =	simm.s32 $0x0;
	s20 =	sshll.u32 s6, $0x1;
	s6 =	sadd.s32 s21, s4  }
0x9e: {  	[timem:s8], [sflag:s22] =	dma.local [hbm:s6], s20  }
0x9f: {  	_ =	swait.ge [sflag:s22], s20  }
0xa0: {  	s5 =	ssub.s32 $0x0, s20;
	[sflag:s22] =	ssyncset.done $0x0  }
0xa1: {  	[sflag:s22] =	ssyncadd.s32 s5;
	_ =	sdelay $0x1  }
0xa2: {  	s23 =	simm.s32 $0x1B8B  }
0xa3: {  	_ =	swait.ge [sflag:s23], $0x1  }
0xa4: {  	[sflag:s23] =	ssyncset.done $0x0  }
0xa5: {  	s25 =	simm.s32 $0x1B8E;
	s24 =	sld [smem:$0x3FFE];
	[sflag:s23] =	ssyncadd.s32 $0xFFFFFFFF  }
0xa6: {  	s26 =	simm.s32 $execute0_lowered;
	[smem:$0x3FD2] =	sst s25  }
0xa7: {  	s6 =	sshll.u32 s26, $0x1;
	_ =	strace $0x80000046;
	[dreg:$0x1] =	wrdreg $0xFFFFFFFF  }
0xa8: {  	s28 =	simm.s32 $_size_execute0_lowered;
	s4 =	sadd.s32 s4, s6;
	[dreg:$0x0] =	wrdreg $0x0  }
0xa9: {  	s6 =	sshll.u32 s28, $0x1;
	[dreg:$0x2] =	wrdreg s4  }
0xaa: {  	[dreg:$0x3] =	wrdreg s6  }
0xab: {  	[dreg:$0x4] =	wrdreg $0xC0  }
0xac: {  	_ =	task [dreg:s8], $0x5FFFF  }
0xad: {  	[dreg:$0x1] =	wrdreg $0xFFFFFFFF  }
0xae: {  	[dreg:$0x0] =	wrdreg $0x60  }
0xaf: {  	[dreg:$0x2] =	wrdreg s18  }
0xb0: {  	[dreg:$0x3] =	wrdreg s2  }
0xb1: {  	[dreg:$0x4] =	wrdreg s24  }
0xb2: {  	[dreg:$0x5] =	wrdreg $0x9  }
0xb3: {  	_ =	task.clear_ibuf [dreg:s8], $0x6FFFF;
	_ =	strace $0x90000046  }
0xb4: {  	s29 =	simm.s32 $0x9;
	_ =	strace $0x80000048  }
0xb5: {  	_ =	swait.ge [sflag:s29], $0x1  }
0xb6: {  	[sflag:s29] =	ssyncadd.s32 $0xFFFFFFFF  }
0xb7: {  	_ =	strace $0x90000048  }
0xb8: {  	_ =	sfence  }
0xb9: {  	s30 =	sld [smem:$0x0];
	_ =	sdelay $0x2  }
0xba: {  	s31 =	sshll.u32 s1, $0xD;
	s1 =	sshrl.u32 s1, $0x2  }
0xbb: {  	s3 =	sand.u32 $0x4000, s31;
	s1 =	sadd.s32 s1, s30  }
0xbc: {  	s0 =	sor.u32 s3, s0;
	s1 =	sshll.u32 s1, $0x11  }
0xbd: {  	s0 =	sor.u32 s1, s0  }
0xbe: {  	s0 =	sadd.s32 $0x8F2B, s0  }
0xbf: {  	[sflag:s0] =	ssyncadd.remote.s32 $0x1  }
0xc0: {  	_ =	sfence.sel $0xFFFF  }
0xc1: {  	[dreg:$0x0] =	wrdreg $0xFFFFFFFF;
	(pc) =	sbr.abs _section_cstart, $3  }
0xc2: {  	[dreg:$0x1] =	wrdreg $0xFFFFFFFF  }
0xc3: {  	_ =	task.clear_ibuf [dreg:s8], $0x2FFFF;
	_ =	strace $0x9FFFFFFF  }
0xc4: {  	(tm) =	ssettm $0x7FFFFFFF  }
0xc5: {  	_ =	shalt  }
tec
execute0_lowered:
.L_overlay_start_1:
0x0: {  	(tag) =	ssettag $0x1  }
0x1: {  	s13 =	rddreg [dreg:$0x0]  }
0x2: {  	s0 =	srdreg.scid;
	s14 =	rddreg [dreg:$0x1]  }
0x3: {  	s5 =	rddreg [dreg:$0x2];
	s1 =	stileid.u32;
	s2 =	simm.s32 $0x0  }
0x4: {  	s18 =	simm.s32 $0x1;
	s19 =	simm.s32 $0x36C0;
	s4 =	sand.u32 $0x1, s0  }
0x5: {  	s20 =	simm.s32 $0x2710;
	s21 =	simm.s32 $0x2EE0;
	s3 =	sshll.u32 s4, $0x4  }
0x6: {  	s22 =	simm.s32 $0x0;
	s0 =	rddreg [dreg:$0x3];
	s3 =	sor.u32 s1, s3  }
0x7: {  	[smem:$0x7FF] =	sst s2;
	s7 =	ssub.s32 $0x2, s4;
	s6 =	smul.u32 $0x2710, s3  }
0x8: {  	_ =	strace $0x80000047;
	s4 =	sadd.s32 $0x1400, s5;
	s31 =	sshrl.u32 s7, $0x1  }
0x9: {  	s3 =	sadd.s32 $0xB600, s5;
	s16 =	ssub.s32 s7, s31;
	s11 =	sshrl.u32 s6, $0x3  }
0xa: {  	s16 =	smax.u32 s16, $0x1;
	s15 =	sadd.s32 s11, s5;
	s5 =	sadd.s32 s13, s11  }
0xb: {  	s6 =	sadd.s32 s14, s11;
	s8 =	sadd.s32 $0xFA, s11;
	s10 =	sadd.s32 $0x1F4, s11  }
0xc: {  	s12 =	sadd.s32 $0x2EE, s11;
	s17 =	sadd.s32 $0x3E8, s11;
	s7 =	sadd.s32 s13, s8  }
0xd: {  	s8 =	sadd.s32 s14, s8;
	s9 =	sadd.s32 s13, s10;
	s10 =	sadd.s32 s14, s10  }
0xe: {  	s11 =	sadd.s32 s13, s12;
	s12 =	sadd.s32 s14, s12;
	s13 =	sadd.s32 s13, s17  }
0xf: {  	v0 =	vimm.f32 $0.0e+00;
	s14 =	sadd.s32 s14, s17;
	s15 =	sadd.s32 $0xB800, s15;
	s17 =	simm.s32 $0x36B0  }
.LBB2_1:
0x10: {  	s23 =	simm.s32 $0x20  }
0x11: {  	[tilespmem:s23+$0xFFFFFFE0] =	vst v0  }
0x12: {  	[tilespmem:s23+$0x10] =	vst v0  }
0x13: {  	s24 =	simm.s32 $0x0;
	[tilespmem:s23+$0x0] =	vst v0  }
.LBB2_2:
0x14: {  	s24 =	sadd.s32 $0x4, s24  }
0x15: {  	[tilespmem:s23+$0xFFFFFFF0] =	vst v0;
	s23 =	sadd.s32 $0x40, s23;
	p0 =	slt.u32 s24, $0x26C  }
.Ltmp0:
0x16: {  	[tilespmem:s23+$0xFFFFFFE0] =	vst v0;
	(pc) =	sbr.rel @p0 .LBB2_2-.Ltmp0, $3  }
0x17: {  	_ =	sdelay $0x1  }
0x18: {  	[tilespmem:s23+$0x10] =	vst v0  }
0x19: {  	[tilespmem:s23+$0x0] =	vst v0  }
0x1a: {  	[tilespmem:s23+$0xFFFFFFF0] =	vst v0  }
0x1b: {  	[tilespmem:$0x2700] =	vst v0  }
0x1c: {  	[tilespmem:s17], [sflag:$0x1] =	stream.linear.gather [hbm4b:s3+s2], $0x10, $0x38;
	[tilespmem:$0x36D0] =	vst v63  }
0x1d: {  	_ =	swait.ge [sflag:s18], $0x10  }
0x1e: {  	[sflag:s18] =	ssyncset.done $0x0  }
0x1f: {  	[sflag:s18] =	ssyncadd.s32 $0xFFFFFFF0  }
0x20: {  	[tilespmem:s19], [sflag:$0x1] =	stream.linear.gather [hbm4b:s4+s2], $0x10, $0x38;
	[tilespmem:$0x36D0] =	vst v63  }
0x21: {  	_ =	swait.ge [sflag:s18], $0x10  }
0x22: {  	[sflag:s18] =	ssyncset.done $0x0  }
0x23: {  	[sflag:s18] =	ssyncadd.s32 $0xFFFFFFF0  }
0x24: {  	v1 =	vld [tilespmem:$0x36B0]  }
0x25: {  	v2 =	vld [tilespmem:$0x36C0];
	[tilespmem:s20], [sflag:$0x1] =	stream.linear.gather [hbm4b:s5+s2], $0x7D0, $0x38  }
0x26: {  	_ =	swait.ge [sflag:s18], $0x7D0  }
0x27: {  	[sflag:s18] =	ssyncset.done $0x0  }
0x28: {  	[sflag:s18] =	ssyncadd.s32 $0xFFFFF830  }
0x29: {  	[tilespmem:s21], [sflag:$0x1] =	stream.linear.gather [hbm4b:s6+s2], $0x7D0, $0x38;
	[tilespmem:$0x36D0] =	vst v63  }
0x2a: {  	_ =	swait.ge [sflag:s18], $0x7D0  }
0x2b: {  	[sflag:s18] =	ssyncset.done $0x0  }
0x2c: {  	s24 =	simm.s32 $0x2F00;
	[sflag:s18] =	ssyncadd.s32 $0xFFFFF830  }
0x2d: {  	s23 =	simm.s32 $0x2730;
	v3 =	vld [tilespmem:s24+$0xFFFFFFE0]  }
0x2e: {  	v4 =	vld [tilespmem:s23+$0xFFFFFFE0];
	_ =	sdelay $0x3  }
0x2f: {  	v3 =	vsub.f32 v3, v1;
	_ =	sdelay $0x1  }
0x30: {  	v3 =	vmul.f32 v3, v2;
	_ =	sdelay $0x1  }
0x31: {  	[tilespmem:v4+s2+$0x0] =	vst.idx.add.f32.msk $0xffff, v3  }
0x32: {  	v3 =	vld [tilespmem:s24+$0xFFFFFFF0]  }
0x33: {  	v4 =	vld [tilespmem:s23+$0xFFFFFFF0];
	_ =	sdelay $0x3  }
0x34: {  	v3 =	vsub.f32 v3, v1;
	_ =	sdelay $0x1  }
0x35: {  	v3 =	vmul.f32 v3, v2;
	_ =	sdelay $0x1  }
0x36: {  	[tilespmem:v4+s2+$0x0] =	vst.idx.add.f32.msk $0xffff, v3  }
0x37: {  	v3 =	vld [tilespmem:s24+$0x0]  }
0x38: {  	v4 =	vld [tilespmem:s23+$0x0];
	_ =	sdelay $0x3  }
0x39: {  	v3 =	vsub.f32 v3, v1;
	_ =	sdelay $0x1  }
0x3a: {  	v3 =	vmul.f32 v3, v2;
	_ =	sdelay $0x1  }
0x3b: {  	[tilespmem:v4+s2+$0x0] =	vst.idx.add.f32.msk $0xffff, v3  }
0x3c: {  	v3 =	vld [tilespmem:s24+$0x10]  }
0x3d: {  	v4 =	vld [tilespmem:s23+$0x10];
	_ =	sdelay $0x3  }
0x3e: {  	v3 =	vsub.f32 v3, v1;
	_ =	sdelay $0x1  }
0x3f: {  	v3 =	vmul.f32 v3, v2;
	_ =	sdelay $0x1  }
0x40: {  	s25 =	simm.s32 $0x2F40;
	s24 =	simm.s32 $0x0;
	[tilespmem:v4+s2+$0x0] =	vst.idx.add.f32.msk $0xffff, v3  }
.LBB2_4:
0x41: {  	v3 =	vld [tilespmem:s25+$0xFFFFFFE0];
	s24 =	sadd.s32 $0x4, s24;
	s23 =	sadd.s32 $0x40, s23  }
0x42: {  	v4 =	vld [tilespmem:s23+$0xFFFFFFE0];
	p0 =	slt.u32 s24, $0x78;
	_ =	sdelay $0x3  }
0x43: {  	v3 =	vsub.f32 v3, v1;
	_ =	sdelay $0x1  }
0x44: {  	v3 =	vmul.f32 v3, v2;
	_ =	sdelay $0x1  }
0x45: {  	[tilespmem:v4+s2+$0x0] =	vst.idx.add.f32.msk $0xffff, v3  }
0x46: {  	v3 =	vld [tilespmem:s25+$0xFFFFFFF0]  }
0x47: {  	v4 =	vld [tilespmem:s23+$0xFFFFFFF0];
	_ =	sdelay $0x3  }
0x48: {  	v3 =	vsub.f32 v3, v1;
	_ =	sdelay $0x1  }
0x49: {  	v3 =	vmul.f32 v3, v2;
	_ =	sdelay $0x1  }
0x4a: {  	[tilespmem:v4+s2+$0x0] =	vst.idx.add.f32.msk $0xffff, v3  }
0x4b: {  	v3 =	vld [tilespmem:s25+$0x0]  }
0x4c: {  	v4 =	vld [tilespmem:s23+$0x0];
	_ =	sdelay $0x3  }
0x4d: {  	v3 =	vsub.f32 v3, v1;
	_ =	sdelay $0x1  }
0x4e: {  	v3 =	vmul.f32 v3, v2;
	_ =	sdelay $0x1  }
0x4f: {  	[tilespmem:v4+s2+$0x0] =	vst.idx.add.f32.msk $0xffff, v3  }
0x50: {  	v3 =	vld [tilespmem:s25+$0x10]  }
0x51: {  	v4 =	vld [tilespmem:s23+$0x10];
	_ =	sdelay $0x3  }
.Ltmp1:
0x52: {  	v3 =	vsub.f32 v3, v1;
	(pc) =	sbr.rel @p0 .LBB2_4-.Ltmp1, $3  }
0x53: {  	_ = 	snop  }
0x54: {  	v3 =	vmul.f32 v3, v2;
	_ =	sdelay $0x1  }
0x55: {  	s25 =	sadd.s32 $0x40, s25;
	[tilespmem:v4+s2+$0x0] =	vst.idx.add.f32.msk $0xffff, v3  }
0x56: {  	v3 =	vld [tilespmem:$0x36A0]  }
0x57: {  	v4 =	vld [tilespmem:$0x2ED0];
	_ =	sdelay $0x3  }
0x58: {  	v3 =	vsub.f32 v3, v1;
	_ =	sdelay $0x1  }
0x59: {  	v3 =	vmul.f32 v3, v2;
	_ =	sdelay $0x1  }
0x5a: {  	[tilespmem:v4+s2+$0x0] =	vst.idx.add.f32.msk $0xffff, v3  }
0x5b: {  	[tilespmem:s20], [sflag:$0x1] =	stream.linear.gather [hbm4b:s7+s2], $0x7D0, $0x38;
	[tilespmem:$0x36D0] =	vst v63  }
0x5c: {  	_ =	swait.ge [sflag:s18], $0x7D0  }
0x5d: {  	[sflag:s18] =	ssyncset.done $0x0  }
0x5e: {  	[sflag:s18] =	ssyncadd.s32 $0xFFFFF830  }
0x5f: {  	[tilespmem:s21], [sflag:$0x1] =	stream.linear.gather [hbm4b:s8+s2], $0x7D0, $0x38;
	[tilespmem:$0x36D0] =	vst v63  }
0x60: {  	_ =	swait.ge [sflag:s18], $0x7D0  }
0x61: {  	[sflag:s18] =	ssyncset.done $0x0  }
0x62: {  	s24 =	simm.s32 $0x2F00;
	[sflag:s18] =	ssyncadd.s32 $0xFFFFF830  }
0x63: {  	s23 =	simm.s32 $0x2730;
	v3 =	vld [tilespmem:s24+$0xFFFFFFE0]  }
0x64: {  	v63 =	vld [tilespmem:s23+$0xFFFFFFE0];
	_ =	sdelay $0x3  }
0x65: {  	v3 =	vsub.f32 v3, v1;
	_ =	sdelay $0x1  }
0x66: {  	v3 =	vmul.f32 v3, v2;
	_ =	sdelay $0x1  }
0x67: {  	[tilespmem:v63+s2+$0x0] =	vst.idx.add.f32.msk $0xffff, v3  }
0x68: {  	v3 =	vld [tilespmem:s24+$0xFFFFFFF0]  }
0x69: {  	v4 =	vld [tilespmem:s23+$0xFFFFFFF0];
	_ =	sdelay $0x3  }
0x6a: {  	v3 =	vsub.f32 v3, v1;
	_ =	sdelay $0x1  }
0x6b: {  	v3 =	vmul.f32 v3, v2;
	_ =	sdelay $0x1  }
0x6c: {  	[tilespmem:v4+s2+$0x0] =	vst.idx.add.f32.msk $0xffff, v3  }
0x6d: {  	v3 =	vld [tilespmem:s24+$0x0]  }
0x6e: {  	v4 =	vld [tilespmem:s23+$0x0];
	_ =	sdelay $0x3  }
0x6f: {  	v3 =	vsub.f32 v3, v1;
	_ =	sdelay $0x1  }
0x70: {  	v3 =	vmul.f32 v3, v2;
	_ =	sdelay $0x1  }
0x71: {  	[tilespmem:v4+s2+$0x0] =	vst.idx.add.f32.msk $0xffff, v3  }
0x72: {  	v3 =	vld [tilespmem:s24+$0x10]  }
0x73: {  	v4 =	vld [tilespmem:s23+$0x10];
	_ =	sdelay $0x3  }
0x74: {  	v3 =	vsub.f32 v3, v1;
	_ =	sdelay $0x1  }
0x75: {  	v3 =	vmul.f32 v3, v2;
	_ =	sdelay $0x1  }
0x76: {  	s25 =	simm.s32 $0x2F40;
	s24 =	simm.s32 $0x0;
	[tilespmem:v4+s2+$0x0] =	vst.idx.add.f32.msk $0xffff, v3  }
.LBB2_6:
0x77: {  	v3 =	vld [tilespmem:s25+$0xFFFFFFE0];
	s24 =	sadd.s32 $0x4, s24;
	s23 =	sadd.s32 $0x40, s23  }
0x78: {  	v4 =	vld [tilespmem:s23+$0xFFFFFFE0];
	p0 =	slt.u32 s24, $0x78;
	_ =	sdelay $0x3  }
0x79: {  	v3 =	vsub.f32 v3, v1;
	_ =	sdelay $0x1  }
0x7a: {  	v3 =	vmul.f32 v3, v2;
	_ =	sdelay $0x1  }
0x7b: {  	[tilespmem:v4+s2+$0x0] =	vst.idx.add.f32.msk $0xffff, v3  }
0x7c: {  	v3 =	vld [tilespmem:s25+$0xFFFFFFF0]  }
0x7d: {  	v4 =	vld [tilespmem:s23+$0xFFFFFFF0];
	_ =	sdelay $0x3  }
0x7e: {  	v3 =	vsub.f32 v3, v1;
	_ =	sdelay $0x1  }
0x7f: {  	v3 =	vmul.f32 v3, v2;
	_ =	sdelay $0x1  }
0x80: {  	[tilespmem:v4+s2+$0x0] =	vst.idx.add.f32.msk $0xffff, v3  }
0x81: {  	v3 =	vld [tilespmem:s25+$0x0]  }
0x82: {  	v4 =	vld [tilespmem:s23+$0x0];
	_ =	sdelay $0x3  }
0x83: {  	v3 =	vsub.f32 v3, v1;
	_ =	sdelay $0x1  }
0x84: {  	v3 =	vmul.f32 v3, v2;
	_ =	sdelay $0x1  }
0x85: {  	[tilespmem:v4+s2+$0x0] =	vst.idx.add.f32.msk $0xffff, v3  }
0x86: {  	v3 =	vld [tilespmem:s25+$0x10]  }
0x87: {  	v4 =	vld [tilespmem:s23+$0x10];
	_ =	sdelay $0x3  }
.Ltmp2:
0x88: {  	v3 =	vsub.f32 v3, v1;
	(pc) =	sbr.rel @p0 .LBB2_6-.Ltmp2, $3  }
0x89: {  	_ = 	snop  }
0x8a: {  	v3 =	vmul.f32 v3, v2;
	_ =	sdelay $0x1  }
0x8b: {  	s25 =	sadd.s32 $0x40, s25;
	[tilespmem:v4+s2+$0x0] =	vst.idx.add.f32.msk $0xffff, v3  }
0x8c: {  	v3 =	vld [tilespmem:$0x36A0]  }
0x8d: {  	v4 =	vld [tilespmem:$0x2ED0];
	_ =	sdelay $0x3  }
0x8e: {  	v3 =	vsub.f32 v3, v1;
	_ =	sdelay $0x1  }
0x8f: {  	v3 =	vmul.f32 v3, v2;
	_ =	sdelay $0x1  }
0x90: {  	[tilespmem:v4+s2+$0x0] =	vst.idx.add.f32.msk $0xffff, v3  }
0x91: {  	[tilespmem:s20], [sflag:$0x1] =	stream.linear.gather [hbm4b:s9+s2], $0x7D0, $0x38;
	[tilespmem:$0x36D0] =	vst v63  }
0x92: {  	_ =	swait.ge [sflag:s18], $0x7D0  }
0x93: {  	[sflag:s18] =	ssyncset.done $0x0  }
0x94: {  	[sflag:s18] =	ssyncadd.s32 $0xFFFFF830  }
0x95: {  	[tilespmem:s21], [sflag:$0x1] =	stream.linear.gather [hbm4b:s10+s2], $0x7D0, $0x38;
	[tilespmem:$0x36D0] =	vst v63  }
0x96: {  	_ =	swait.ge [sflag:s18], $0x7D0  }
0x97: {  	[sflag:s18] =	ssyncset.done $0x0  }
0x98: {  	s24 =	simm.s32 $0x2F00;
	[sflag:s18] =	ssyncadd.s32 $0xFFFFF830  }
0x99: {  	s23 =	simm.s32 $0x2730;
	v3 =	vld [tilespmem:s24+$0xFFFFFFE0]  }
0x9a: {  	v63 =	vld [tilespmem:s23+$0xFFFFFFE0];
	_ =	sdelay $0x3  }
0x9b: {  	v3 =	vsub.f32 v3, v1;
	_ =	sdelay $0x1  }
0x9c: {  	v3 =	vmul.f32 v3, v2;
	_ =	sdelay $0x1  }
0x9d: {  	[tilespmem:v63+s2+$0x0] =	vst.idx.add.f32.msk $0xffff, v3  }
0x9e: {  	v3 =	vld [tilespmem:s24+$0xFFFFFFF0]  }
0x9f: {  	v4 =	vld [tilespmem:s23+$0xFFFFFFF0];
	_ =	sdelay $0x3  }
0xa0: {  	v3 =	vsub.f32 v3, v1;
	_ =	sdelay $0x1  }
0xa1: {  	v3 =	vmul.f32 v3, v2;
	_ =	sdelay $0x1  }
0xa2: {  	[tilespmem:v4+s2+$0x0] =	vst.idx.add.f32.msk $0xffff, v3  }
0xa3: {  	v3 =	vld [tilespmem:s24+$0x0]  }
0xa4: {  	v4 =	vld [tilespmem:s23+$0x0];
	_ =	sdelay $0x3  }
0xa5: {  	v3 =	vsub.f32 v3, v1;
	_ =	sdelay $0x1  }
0xa6: {  	v3 =	vmul.f32 v3, v2;
	_ =	sdelay $0x1  }
0xa7: {  	[tilespmem:v4+s2+$0x0] =	vst.idx.add.f32.msk $0xffff, v3  }
0xa8: {  	v3 =	vld [tilespmem:s24+$0x10]  }
0xa9: {  	v4 =	vld [tilespmem:s23+$0x10];
	_ =	sdelay $0x3  }
0xaa: {  	v3 =	vsub.f32 v3, v1;
	_ =	sdelay $0x1  }
0xab: {  	v3 =	vmul.f32 v3, v2;
	_ =	sdelay $0x1  }
0xac: {  	s25 =	simm.s32 $0x2F40;
	s24 =	simm.s32 $0x0;
	[tilespmem:v4+s2+$0x0] =	vst.idx.add.f32.msk $0xffff, v3  }
.LBB2_8:
0xad: {  	v3 =	vld [tilespmem:s25+$0xFFFFFFE0];
	s24 =	sadd.s32 $0x4, s24;
	s23 =	sadd.s32 $0x40, s23  }
0xae: {  	v4 =	vld [tilespmem:s23+$0xFFFFFFE0];
	p0 =	slt.u32 s24, $0x78;
	_ =	sdelay $0x3  }
0xaf: {  	v3 =	vsub.f32 v3, v1;
	_ =	sdelay $0x1  }
0xb0: {  	v3 =	vmul.f32 v3, v2;
	_ =	sdelay $0x1  }
0xb1: {  	[tilespmem:v4+s2+$0x0] =	vst.idx.add.f32.msk $0xffff, v3  }
0xb2: {  	v3 =	vld [tilespmem:s25+$0xFFFFFFF0]  }
0xb3: {  	v4 =	vld [tilespmem:s23+$0xFFFFFFF0];
	_ =	sdelay $0x3  }
0xb4: {  	v3 =	vsub.f32 v3, v1;
	_ =	sdelay $0x1  }
0xb5: {  	v3 =	vmul.f32 v3, v2;
	_ =	sdelay $0x1  }
0xb6: {  	[tilespmem:v4+s2+$0x0] =	vst.idx.add.f32.msk $0xffff, v3  }
0xb7: {  	v3 =	vld [tilespmem:s25+$0x0]  }
0xb8: {  	v4 =	vld [tilespmem:s23+$0x0];
	_ =	sdelay $0x3  }
0xb9: {  	v3 =	vsub.f32 v3, v1;
	_ =	sdelay $0x1  }
0xba: {  	v3 =	vmul.f32 v3, v2;
	_ =	sdelay $0x1  }
0xbb: {  	[tilespmem:v4+s2+$0x0] =	vst.idx.add.f32.msk $0xffff, v3  }
0xbc: {  	v3 =	vld [tilespmem:s25+$0x10]  }
0xbd: {  	v4 =	vld [tilespmem:s23+$0x10];
	_ =	sdelay $0x3  }
.Ltmp3:
0xbe: {  	v3 =	vsub.f32 v3, v1;
	(pc) =	sbr.rel @p0 .LBB2_8-.Ltmp3, $3  }
0xbf: {  	_ = 	snop  }
0xc0: {  	v3 =	vmul.f32 v3, v2;
	_ =	sdelay $0x1  }
0xc1: {  	s25 =	sadd.s32 $0x40, s25;
	[tilespmem:v4+s2+$0x0] =	vst.idx.add.f32.msk $0xffff, v3  }
0xc2: {  	v3 =	vld [tilespmem:$0x36A0]  }
0xc3: {  	v4 =	vld [tilespmem:$0x2ED0];
	_ =	sdelay $0x3  }
0xc4: {  	v3 =	vsub.f32 v3, v1;
	_ =	sdelay $0x1  }
0xc5: {  	v3 =	vmul.f32 v3, v2;
	_ =	sdelay $0x1  }
0xc6: {  	[tilespmem:v4+s2+$0x0] =	vst.idx.add.f32.msk $0xffff, v3  }
0xc7: {  	[tilespmem:s20], [sflag:$0x1] =	stream.linear.gather [hbm4b:s11+s2], $0x7D0, $0x38;
	[tilespmem:$0x36D0] =	vst v63  }
0xc8: {  	_ =	swait.ge [sflag:s18], $0x7D0  }
0xc9: {  	[sflag:s18] =	ssyncset.done $0x0  }
0xca: {  	[sflag:s18] =	ssyncadd.s32 $0xFFFFF830  }
0xcb: {  	[tilespmem:s21], [sflag:$0x1] =	stream.linear.gather [hbm4b:s12+s2], $0x7D0, $0x38;
	[tilespmem:$0x36D0] =	vst v63  }
0xcc: {  	_ =	swait.ge [sflag:s18], $0x7D0  }
0xcd: {  	[sflag:s18] =	ssyncset.done $0x0  }
0xce: {  	s24 =	simm.s32 $0x2F00;
	[sflag:s18] =	ssyncadd.s32 $0xFFFFF830  }
0xcf: {  	s23 =	simm.s32 $0x2730;
	v3 =	vld [tilespmem:s24+$0xFFFFFFE0]  }
0xd0: {  	v63 =	vld [tilespmem:s23+$0xFFFFFFE0];
	_ =	sdelay $0x3  }
0xd1: {  	v3 =	vsub.f32 v3, v1;
	_ =	sdelay $0x1  }
0xd2: {  	v3 =	vmul.f32 v3, v2;
	_ =	sdelay $0x1  }
0xd3: {  	[tilespmem:v63+s2+$0x0] =	vst.idx.add.f32.msk $0xffff, v3  }
0xd4: {  	v3 =	vld [tilespmem:s24+$0xFFFFFFF0]  }
0xd5: {  	v4 =	vld [tilespmem:s23+$0xFFFFFFF0];
	_ =	sdelay $0x3  }
0xd6: {  	v3 =	vsub.f32 v3, v1;
	_ =	sdelay $0x1  }
0xd7: {  	v3 =	vmul.f32 v3, v2;
	_ =	sdelay $0x1  }
0xd8: {  	[tilespmem:v4+s2+$0x0] =	vst.idx.add.f32.msk $0xffff, v3  }
0xd9: {  	v3 =	vld [tilespmem:s24+$0x0]  }
0xda: {  	v4 =	vld [tilespmem:s23+$0x0];
	_ =	sdelay $0x3  }
0xdb: {  	v3 =	vsub.f32 v3, v1;
	_ =	sdelay $0x1  }
0xdc: {  	v3 =	vmul.f32 v3, v2;
	_ =	sdelay $0x1  }
0xdd: {  	[tilespmem:v4+s2+$0x0] =	vst.idx.add.f32.msk $0xffff, v3  }
0xde: {  	v3 =	vld [tilespmem:s24+$0x10]  }
0xdf: {  	v4 =	vld [tilespmem:s23+$0x10];
	_ =	sdelay $0x3  }
0xe0: {  	v3 =	vsub.f32 v3, v1;
	_ =	sdelay $0x1  }
0xe1: {  	v3 =	vmul.f32 v3, v2;
	_ =	sdelay $0x1  }
0xe2: {  	s25 =	simm.s32 $0x2F40;
	s24 =	simm.s32 $0x0;
	[tilespmem:v4+s2+$0x0] =	vst.idx.add.f32.msk $0xffff, v3  }
.LBB2_10:
0xe3: {  	v3 =	vld [tilespmem:s25+$0xFFFFFFE0];
	s24 =	sadd.s32 $0x4, s24;
	s23 =	sadd.s32 $0x40, s23  }
0xe4: {  	v4 =	vld [tilespmem:s23+$0xFFFFFFE0];
	p0 =	slt.u32 s24, $0x78;
	_ =	sdelay $0x3  }
0xe5: {  	v3 =	vsub.f32 v3, v1;
	_ =	sdelay $0x1  }
0xe6: {  	v3 =	vmul.f32 v3, v2;
	_ =	sdelay $0x1  }
0xe7: {  	[tilespmem:v4+s2+$0x0] =	vst.idx.add.f32.msk $0xffff, v3  }
0xe8: {  	v3 =	vld [tilespmem:s25+$0xFFFFFFF0]  }
0xe9: {  	v4 =	vld [tilespmem:s23+$0xFFFFFFF0];
	_ =	sdelay $0x3  }
0xea: {  	v3 =	vsub.f32 v3, v1;
	_ =	sdelay $0x1  }
0xeb: {  	v3 =	vmul.f32 v3, v2;
	_ =	sdelay $0x1  }
0xec: {  	[tilespmem:v4+s2+$0x0] =	vst.idx.add.f32.msk $0xffff, v3  }
0xed: {  	v3 =	vld [tilespmem:s25+$0x0]  }
0xee: {  	v4 =	vld [tilespmem:s23+$0x0];
	_ =	sdelay $0x3  }
0xef: {  	v3 =	vsub.f32 v3, v1;
	_ =	sdelay $0x1  }
0xf0: {  	v3 =	vmul.f32 v3, v2;
	_ =	sdelay $0x1  }
0xf1: {  	[tilespmem:v4+s2+$0x0] =	vst.idx.add.f32.msk $0xffff, v3  }
0xf2: {  	v3 =	vld [tilespmem:s25+$0x10]  }
0xf3: {  	v4 =	vld [tilespmem:s23+$0x10];
	_ =	sdelay $0x3  }
.Ltmp4:
0xf4: {  	v3 =	vsub.f32 v3, v1;
	(pc) =	sbr.rel @p0 .LBB2_10-.Ltmp4, $3  }
0xf5: {  	_ = 	snop  }
0xf6: {  	v3 =	vmul.f32 v3, v2;
	_ =	sdelay $0x1  }
0xf7: {  	s25 =	sadd.s32 $0x40, s25;
	[tilespmem:v4+s2+$0x0] =	vst.idx.add.f32.msk $0xffff, v3  }
0xf8: {  	v3 =	vld [tilespmem:$0x36A0]  }
0xf9: {  	v4 =	vld [tilespmem:$0x2ED0];
	_ =	sdelay $0x3  }
0xfa: {  	v3 =	vsub.f32 v3, v1;
	_ =	sdelay $0x1  }
0xfb: {  	v3 =	vmul.f32 v3, v2;
	_ =	sdelay $0x1  }
0xfc: {  	[tilespmem:v4+s2+$0x0] =	vst.idx.add.f32.msk $0xffff, v3  }
0xfd: {  	[tilespmem:s20], [sflag:$0x1] =	stream.linear.gather [hbm4b:s13+s2], $0x7D0, $0x38;
	[tilespmem:$0x36D0] =	vst v63  }
0xfe: {  	_ =	swait.ge [sflag:s18], $0x7D0  }
0xff: {  	[sflag:s18] =	ssyncset.done $0x0  }
0x100: {  	[sflag:s18] =	ssyncadd.s32 $0xFFFFF830  }
0x101: {  	[tilespmem:s21], [sflag:$0x1] =	stream.linear.gather [hbm4b:s14+s2], $0x7D0, $0x38;
	[tilespmem:$0x36D0] =	vst v63  }
0x102: {  	_ =	swait.ge [sflag:s18], $0x7D0  }
0x103: {  	[sflag:s18] =	ssyncset.done $0x0  }
0x104: {  	s24 =	simm.s32 $0x2F00;
	[sflag:s18] =	ssyncadd.s32 $0xFFFFF830  }
0x105: {  	s23 =	simm.s32 $0x2730;
	v3 =	vld [tilespmem:s24+$0xFFFFFFE0]  }
0x106: {  	v63 =	vld [tilespmem:s23+$0xFFFFFFE0];
	_ =	sdelay $0x3  }
0x107: {  	v3 =	vsub.f32 v3, v1;
	_ =	sdelay $0x1  }
0x108: {  	v3 =	vmul.f32 v3, v2;
	_ =	sdelay $0x1  }
0x109: {  	[tilespmem:v63+s2+$0x0] =	vst.idx.add.f32.msk $0xffff, v3  }
0x10a: {  	v3 =	vld [tilespmem:s24+$0xFFFFFFF0]  }
0x10b: {  	v4 =	vld [tilespmem:s23+$0xFFFFFFF0];
	_ =	sdelay $0x3  }
0x10c: {  	v3 =	vsub.f32 v3, v1;
	_ =	sdelay $0x1  }
0x10d: {  	v3 =	vmul.f32 v3, v2;
	_ =	sdelay $0x1  }
0x10e: {  	[tilespmem:v4+s2+$0x0] =	vst.idx.add.f32.msk $0xffff, v3  }
0x10f: {  	v3 =	vld [tilespmem:s24+$0x0]  }
0x110: {  	v4 =	vld [tilespmem:s23+$0x0];
	_ =	sdelay $0x3  }
0x111: {  	v3 =	vsub.f32 v3, v1;
	_ =	sdelay $0x1  }
0x112: {  	v3 =	vmul.f32 v3, v2;
	_ =	sdelay $0x1  }
0x113: {  	[tilespmem:v4+s2+$0x0] =	vst.idx.add.f32.msk $0xffff, v3  }
0x114: {  	v3 =	vld [tilespmem:s24+$0x10]  }
0x115: {  	v4 =	vld [tilespmem:s23+$0x10];
	_ =	sdelay $0x3  }
0x116: {  	v3 =	vsub.f32 v3, v1;
	_ =	sdelay $0x1  }
0x117: {  	v3 =	vmul.f32 v3, v2;
	_ =	sdelay $0x1  }
0x118: {  	s25 =	simm.s32 $0x2F40;
	s24 =	simm.s32 $0x0;
	[tilespmem:v4+s2+$0x0] =	vst.idx.add.f32.msk $0xffff, v3  }
.LBB2_12:
0x119: {  	v3 =	vld [tilespmem:s25+$0xFFFFFFE0];
	s24 =	sadd.s32 $0x4, s24;
	s23 =	sadd.s32 $0x40, s23  }
0x11a: {  	v4 =	vld [tilespmem:s23+$0xFFFFFFE0];
	p0 =	slt.u32 s24, $0x78;
	_ =	sdelay $0x3  }
0x11b: {  	v3 =	vsub.f32 v3, v1;
	_ =	sdelay $0x1  }
0x11c: {  	v3 =	vmul.f32 v3, v2;
	_ =	sdelay $0x1  }
0x11d: {  	[tilespmem:v4+s2+$0x0] =	vst.idx.add.f32.msk $0xffff, v3  }
0x11e: {  	v3 =	vld [tilespmem:s25+$0xFFFFFFF0]  }
0x11f: {  	v4 =	vld [tilespmem:s23+$0xFFFFFFF0];
	_ =	sdelay $0x3  }
0x120: {  	v3 =	vsub.f32 v3, v1;
	_ =	sdelay $0x1  }
0x121: {  	v3 =	vmul.f32 v3, v2;
	_ =	sdelay $0x1  }
0x122: {  	[tilespmem:v4+s2+$0x0] =	vst.idx.add.f32.msk $0xffff, v3  }
0x123: {  	v3 =	vld [tilespmem:s25+$0x0]  }
0x124: {  	v4 =	vld [tilespmem:s23+$0x0];
	_ =	sdelay $0x3  }
0x125: {  	v3 =	vsub.f32 v3, v1;
	_ =	sdelay $0x1  }
0x126: {  	v3 =	vmul.f32 v3, v2;
	_ =	sdelay $0x1  }
0x127: {  	[tilespmem:v4+s2+$0x0] =	vst.idx.add.f32.msk $0xffff, v3  }
0x128: {  	v3 =	vld [tilespmem:s25+$0x10]  }
0x129: {  	v4 =	vld [tilespmem:s23+$0x10];
	_ =	sdelay $0x3  }
.Ltmp5:
0x12a: {  	v3 =	vsub.f32 v3, v1;
	(pc) =	sbr.rel @p0 .LBB2_12-.Ltmp5, $3  }
0x12b: {  	_ = 	snop  }
0x12c: {  	v3 =	vmul.f32 v3, v2;
	_ =	sdelay $0x1  }
0x12d: {  	s25 =	sadd.s32 $0x40, s25;
	[tilespmem:v4+s2+$0x0] =	vst.idx.add.f32.msk $0xffff, v3  }
0x12e: {  	v3 =	vld [tilespmem:$0x36A0]  }
0x12f: {  	v4 =	vld [tilespmem:$0x2ED0];
	_ =	sdelay $0x3  }
0x130: {  	v1 =	vsub.f32 v3, v1;
	_ =	sdelay $0x1  }
0x131: {  	s22 =	sadd.s32 $0x1, s22;
	v1 =	vmul.f32 v1, v2  }
0x132: {  	p0 =	sne.s32 s22, s16  }
.Ltmp6:
0x133: {  	[tilespmem:v4+s2+$0x0] =	vst.idx.add.f32.msk $0xffff, v1;
	(pc) =	sbr.rel @p0 .LBB2_1-.Ltmp6, $4  }
0x134: {  	[hbm4b:s15+s2] =	stream.linear.scatter [tilespmem:s2], [sflag:$0x1], $0x2710, $0x38;
	[tilespmem:$0x36D0] =	vst v63  }
0x135: {  	_ =	swait.ge [sflag:s18], $0x2710  }
0x136: {  	[sflag:s18] =	ssyncset.done $0x0  }
0x137: {  	[sflag:s18] =	ssyncadd.s32 $0xFFFFD8F0  }
0x138: {  	_ =	sfence.sel $0x180000  }
0x139: {  	[bflag:$0x0] =	sbarrier.arrive $0xFFFF  }
0x13a: {  	p0 =	sne.s32 s1, $0x0;
	_ =	strace $0x90000047  }
0x13b: {  	s0 =	sadd.s32 @!p0 $0x100000, s0;
	[bflag:$0x2] =	sbarrier.arrive $0xFFFF  }
0x13c: {  	[sflag:s0] =	ssyncadd.tile.s32 @!p0 $0x1;
	_ =	shalt  }
.Lfunc_end2:
_tile_overlayer_lowered:
.L_overlay_start_2:
0x13d: {  	(tag) =	ssettag $0x2  }
0x13e: {  	s0 =	rddreg [dreg:$0x0];
	s2 =	stileid.u32  }
0x13f: {  	s1 =	rddreg [dreg:$0x1];
	p0 =	sne.s32 s2, $0x0  }
0x140: {  	s3 =	rddreg [dreg:$0x2];
	[bflag:$0x3] =	sbarrier.arrive $0xFFFF;
	s2 =	simm.s32 @!p0 $0x1C01  }
0x141: {  	[timem:s3], [sflag:s2] =	dma.local @!p0 [hbm:s0], s1  }
0x142: {  	s0 =	simm.s32 @!p0 $0x1  }
0x143: {  	_ =	swait.ge @!p0 [sflag:s0], s1  }
0x144: {  	s1 =	ssub.s32 @!p0 $0x0, s1;
	[sflag:s0] =	ssyncset.done @!p0 $0x0  }
0x145: {  	[sflag:s0] =	ssyncadd.s32 @!p0 s1  }
0x146: {  	[bflag:$0x3] =	sbarrier.arrive $0xFFFF  }
0x147: {  	_ =	shalt  }

</sc_bundles>
